<compile_context>
chip_gen: v7x
topology: tpu7x:2x2x1
jax: 0.10.2.dev20260603
libtpu: 0.0.44.dev20260713+nightly
codegen_flags: <defaults>
</compile_context>

<pallas_src>
import functools

import jax
import jax.numpy as jnp
from jax import lax
from jax.experimental import pallas as pl
from jax.experimental.pallas import tpu as pltpu
from jax.experimental.pallas import tpu_sc as plsc

N = 10000
E = 320000
D = 128
ACT = 18
NC = 2
NS = 16
NT = NC * NS
CH = 128
NCH = 80
TCH = NT * NCH
CAP = TCH * CH
SCH = 40
NCH0 = 80
NCH1 = 80
BASE1 = NS * NCH0
NROWS = 10112
STRIPE = NROWS // NS
DUMMY = 10008
DEGW = 128

NBUF = 2
SUB = 1
SUBR = CH // SUB

_mesh = plsc.VectorSubcoreMesh(core_axis_name="c", subcore_axis_name="s")



@functools.partial(
    pl.kernel,
    out_type=jax.ShapeDtypeStruct((NC, NROWS, DEGW), jnp.float32),
    mesh=_mesh,
    scratch_types=[
        pltpu.VMEM((NCH, CH), jnp.int32),
        pltpu.VMEM((CH, DEGW), jnp.float32),
        pltpu.VMEM_SHARED((NROWS, DEGW), jnp.float32),
    ],
)
def _deg_kernel(dsts_hbm, ones_hbm, zeros_hbm, out_hbm, dst_v, ones_v, deg_sh):
    c = lax.axis_index("c")
    s = lax.axis_index("s")
    wid = c * NS + s
    pltpu.sync_copy(dsts_hbm.at[wid], dst_v)
    pltpu.sync_copy(ones_hbm, ones_v)
    pltpu.sync_copy(zeros_hbm.at[pl.ds(s * STRIPE, STRIPE)],
                    deg_sh.at[pl.ds(s * STRIPE, STRIPE)])
    plsc.subcore_barrier()

    def body(i, carry):
        pltpu.sync_copy(ones_v, deg_sh.at[dst_v.at[i]], add=True)
        return carry

    lax.fori_loop(0, NCH, body, 0)
    plsc.subcore_barrier()
    pltpu.sync_copy(deg_sh.at[pl.ds(s * STRIPE, STRIPE)],
                    out_hbm.at[c, pl.ds(s * STRIPE, STRIPE)])


@functools.partial(
    pl.kernel,
    out_type=jax.ShapeDtypeStruct((NC, NROWS, D), jnp.float32),
    mesh=_mesh,
    scratch_types=[
        pltpu.VMEM((SCH * CH,), jnp.int32),
        pltpu.VMEM((SCH, CH), jnp.int32),
        *[pltpu.VMEM((CH, D), jnp.float32) for _ in range(NBUF)],
        pltpu.VMEM_SHARED((NROWS, D), jnp.float32),
        *[pltpu.SemaphoreType.DMA for _ in range(NBUF)],
    ],
)
def _agg_kernel(g_hbm, srcs_hbm, dsts_hbm, zeros_hbm, out_hbm,
                src_v, dst_v, *rest):
    bufs = rest[:NBUF]
    agg_sh = rest[NBUF]
    sems = rest[NBUF + 1:]
    c = lax.axis_index("c")
    s = lax.axis_index("s")
    pltpu.sync_copy(zeros_hbm.at[pl.ds(s * STRIPE, STRIPE)],
                    agg_sh.at[pl.ds(s * STRIPE, STRIPE)])
    plsc.subcore_barrier()

    def fire(ch, b):
        for h in range(SUB):
            pltpu.async_copy(
                g_hbm.at[src_v.at[pl.ds(ch * CH + h * SUBR, SUBR)]],
                bufs[b].at[pl.ds(h * SUBR, SUBR)], sems[b])

    def drain(ch, b):
        for h in range(SUB):
            pltpu.make_async_copy(
                g_hbm.at[src_v.at[pl.ds(ch * CH + h * SUBR, SUBR)]],
                bufs[b].at[pl.ds(h * SUBR, SUBR)], sems[b]).wait()

    def run(base, nsec):
        for sec in range(nsec):
            off = base + sec * SCH
            pltpu.sync_copy(srcs_hbm.at[pl.ds(off * CH, SCH * CH)], src_v)
            pltpu.sync_copy(dsts_hbm.at[pl.ds(off, SCH)], dst_v)
            for b in range(NBUF):
                fire(b, b)

            def body(i, carry):
                for b in range(NBUF):
                    ch = i * NBUF + b
                    drain(ch, b)
                    pltpu.sync_copy(bufs[b], agg_sh.at[dst_v.at[ch]], add=True)

                    @pl.when(ch + NBUF < SCH)
                    def _fire():
                        fire(ch + NBUF, b)
                return carry

            lax.fori_loop(0, SCH // NBUF, body, 0)

    @pl.when(c == 0)
    def _fast_core():
        run(s * NCH0, NCH0 // SCH)

    @pl.when(c == 1)
    def _slow_core():
        run(BASE1 + s * NCH1, NCH1 // SCH)

    plsc.subcore_barrier()
    pltpu.sync_copy(agg_sh.at[pl.ds(s * STRIPE, STRIPE)],
                    out_hbm.at[c, pl.ds(s * STRIPE, STRIPE)])



BM = 2000


def _mm_scale_body(deg_ref, x_ref, w_ref, o_ref):
    d = lax.rsqrt(deg_ref[0] + deg_ref[1] + 1.0)[:, 0:1]
    h = jnp.dot(x_ref[...], w_ref[...], preferred_element_type=jnp.float32)
    o_ref[...] = h * d


def _layer_body(deg_ref, agg_ref, g_ref, w_ref, b_ref, o_ref):
    d = lax.rsqrt(deg_ref[0] + deg_ref[1] + 1.0)[:, 0:1]
    e = jnp.maximum(d * (agg_ref[0] + agg_ref[1] + g_ref[...]) + b_ref[...], 0.0)
    o_ref[...] = jnp.dot(e, w_ref[...], preferred_element_type=jnp.float32) * d


def _final_body(deg_ref, agg_ref, g_ref, w_ref, b_ref, bfc_ref, o_ref):
    d = lax.rsqrt(deg_ref[0] + deg_ref[1] + 1.0)[:, 0:1]
    e = jnp.maximum(d * (agg_ref[0] + agg_ref[1] + g_ref[...]) + b_ref[...], 0.0)
    o_ref[...] = jnp.dot(e, w_ref[...], preferred_element_type=jnp.float32) + bfc_ref[...]


_deg_spec = pl.BlockSpec((NC, BM, DEGW), lambda i: (0, i, 0))
_row_spec = pl.BlockSpec((BM, D), lambda i: (i, 0))
_agg_spec = pl.BlockSpec((NC, BM, D), lambda i: (0, i, 0))
_w_spec = pl.BlockSpec((D, D), lambda i: (0, 0))
_b_spec = pl.BlockSpec((1, D), lambda i: (0, 0))

_mm_scale = pl.pallas_call(
    _mm_scale_body,
    grid=(N // BM,),
    in_specs=[_deg_spec, _row_spec, _w_spec],
    out_specs=_row_spec,
    out_shape=jax.ShapeDtypeStruct((N, D), jnp.float32),
)

_layer = pl.pallas_call(
    _layer_body,
    grid=(N // BM,),
    in_specs=[_deg_spec, _agg_spec, _row_spec, _w_spec, _b_spec],
    out_specs=_row_spec,
    out_shape=jax.ShapeDtypeStruct((N, D), jnp.float32),
)

_final = pl.pallas_call(
    _final_body,
    grid=(N // BM,),
    in_specs=[_deg_spec, _agg_spec, _row_spec, _w_spec, _b_spec, _b_spec],
    out_specs=_row_spec,
    out_shape=jax.ShapeDtypeStruct((N, D), jnp.float32),
)


def kernel(x, edge_index, W1, b1, W2, b2, Wfc, bfc):
    src = edge_index[0].astype(jnp.int32)
    dst = edge_index[1].astype(jnp.int32)
    srcs = jnp.concatenate([src, jnp.arange(CAP - E, dtype=jnp.int32)])
    dsts = jnp.pad(dst, (0, CAP - E), constant_values=DUMMY).reshape(TCH, CH)
    dsts_d = dsts.reshape(NT, NCH, CH)

    zeros_d = jnp.zeros((NROWS, D), jnp.float32)
    ones_w = jnp.ones((CH, DEGW), jnp.float32)

    b1r = b1.reshape(1, D)
    b2r = b2.reshape(1, D)
    wfc_p = jnp.pad(Wfc, ((0, 0), (0, D - ACT)))
    bfc_p = jnp.pad(bfc, (0, D - ACT)).reshape(1, D)

    deg = _deg_kernel(dsts_d, ones_w, zeros_d)
    g1 = _mm_scale(deg, x, W1)
    a1 = _agg_kernel(g1, srcs, dsts, zeros_d)
    g2 = _layer(deg, a1, g1, W2, b1r)
    a2 = _agg_kernel(g2, srcs, dsts, zeros_d)
    q_pad = _final(deg, a2, g2, wfc_p, b2r, bfc_p)
    return q_pad[:, :ACT]

# --- scband reference (transcript-rebuilt; emitter-appended) ---
"""Pipeline reference for scband-gnnagent-48490180772147 (READ-ONLY COPY).

The authoritative reference and input builder live on the scoring server;
editing this copy changes nothing except your own understanding.
"""

import jax, jax.numpy as jnp
import numpy as np

N_NODES = 10000
N_EDGES = 320000
IN_DIM = 128
HID_DIM = 128
ACT_DIM = 18


def gcn_conv(x, edge_index, W, b):
    # Faithful GCNConv: add self-loops, symmetric degree normalization,
    # linear transform, scatter-add aggregation, then bias.
    N = x.shape[0]
    src = edge_index[0]
    dst = edge_index[1]
    loop = jnp.arange(N, dtype=src.dtype)
    src = jnp.concatenate([src, loop])
    dst = jnp.concatenate([dst, loop])
    # degree computed on destination with unit edge weights (incl. self-loops)
    deg = jnp.zeros((N,), dtype=x.dtype).at[dst].add(1.0)
    deg_inv_sqrt = jnp.where(deg > 0, jax.lax.rsqrt(deg), 0.0)
    norm = deg_inv_sqrt[src] * deg_inv_sqrt[dst]
    h = x @ W  # linear transform first (PyG GCNConv lin, bias=False)
    msg = h[src] * norm[:, None]
    out = jax.ops.segment_sum(msg, dst, num_segments=N)
    return out + b


def setup_inputs(seed: int = 0) -> dict:
    key = jax.random.key(seed)
    k0, k1, k2, k3, k4 = jax.random.split(key, 5)
    x = jax.random.normal(k0, (N_NODES, IN_DIM), dtype=jnp.float32)
    edge_index = jax.random.randint(k1, (2, N_EDGES), 0, N_NODES, dtype=jnp.int64)
    W1 = jax.random.normal(k2, (IN_DIM, HID_DIM), dtype=jnp.float32) * (1.0 / np.sqrt(IN_DIM))
    b1 = jnp.zeros((HID_DIM,), dtype=jnp.float32)
    W2 = jax.random.normal(k3, (HID_DIM, HID_DIM), dtype=jnp.float32) * (1.0 / np.sqrt(HID_DIM))
    b2 = jnp.zeros((HID_DIM,), dtype=jnp.float32)
    Wfc = jax.random.normal(k4, (HID_DIM, ACT_DIM), dtype=jnp.float32) * (1.0 / np.sqrt(HID_DIM))
    bfc = jnp.zeros((ACT_DIM,), dtype=jnp.float32)
    return {"x": x, "edge_index": edge_index, "W1": W1, "b1": b1, "W2": W2, "b2": b2, "Wfc": Wfc, "bfc": bfc}


def reference(x, edge_index, W1, b1, W2, b2, Wfc, bfc):
    h = jax.nn.relu(gcn_conv(x, edge_index, W1, b1))
    h = jax.nn.relu(gcn_conv(h, edge_index, W2, b2))
    q_values = h @ Wfc + bfc
    return q_values

if __name__ == "__main__":
    import jax
    _d = setup_inputs()
    print(jax.jit(kernel)(*tuple(_d.values())))

</pallas_src>

<mosaic_0001>
#map = affine_map<(d0, d1) -> (0, 0, 0)>
#map1 = affine_map<(d0, d1) -> (0, 0)>
module attributes {stable_mosaic.version = 14 : i64} {
  func.func @_deg_kernel(%arg0: i32, %arg1: i32, %arg2: memref<32x80x128xi32, #tpu.memory_space<hbm>>, %arg3: memref<128x128xf32, #tpu.memory_space<hbm>>, %arg4: memref<10112x128xf32, #tpu.memory_space<hbm>>, %arg5: memref<2x10112x128xf32, #tpu.memory_space<hbm>>, %arg6: memref<80x128xi32, #tpu.memory_space<vmem>>, %arg7: memref<128x128xf32, #tpu.memory_space<vmem>>, %arg8: memref<10112x128xf32, #tpu.memory_space<vmem_shared>>) attributes {dimension_semantics = [#tpu.dimension_semantics<core_parallel>, #tpu.dimension_semantics<subcore_parallel>], iteration_bounds = array<i64: 2, 16>, scalar_prefetch = 0 : i64, scratch_operands = 3 : i64, tpu.core_type = #tpu.core_type<sc_vector_subcore>, window_params = [{transform_indices = #map}, {transform_indices = #map1}, {transform_indices = #map1}, {transform_indices = #map}]} {
    %mul3A = arith.constant 16 : i32
    %mul3A_0 = arith.muli %arg0, %mul3A : i32
    %add3A = arith.addi %mul3A_0, %arg1 : i32
    "tpu.region"() ({
      %run_scoped3A = tpu.sem_alloc : memref<!tpu.dma_semaphore, #tpu.memory_space<semaphore_mem>>
      %dma_start3A = arith.constant 0 : i32
      %dma_start3A_15 = arith.constant 0 : i32
      %dma_start3A_16 = tpu.memref_slice %arg2[%add3A, %dma_start3A, %dma_start3A_15] : memref<32x80x128xi32, #tpu.memory_space<hbm>> -> memref<1x80x128xi32, #tpu.memory_space<hbm>>
      %dma_start3A_17 = tpu.memref_squeeze %dma_start3A_16 : memref<1x80x128xi32, #tpu.memory_space<hbm>> -> memref<80x128xi32, #tpu.memory_space<hbm>>
      %dma_start3A_18 = arith.constant 0 : i32
      %dma_start3A_19 = arith.constant 0 : i32
      %dma_start3A_20 = tpu.memref_slice %arg2[%add3A, %dma_start3A_18, %dma_start3A_19] : memref<32x80x128xi32, #tpu.memory_space<hbm>> -> memref<1x80x128xi32, #tpu.memory_space<hbm>>
      %dma_start3A_21 = tpu.memref_squeeze %dma_start3A_20 : memref<1x80x128xi32, #tpu.memory_space<hbm>> -> memref<80x128xi32, #tpu.memory_space<hbm>>
      tpu.enqueue_dma source(%dma_start3A_21 : memref<80x128xi32, #tpu.memory_space<hbm>>) target(%arg6 : memref<80x128xi32, #tpu.memory_space<vmem>>) target_semaphore(%run_scoped3A : memref<!tpu.dma_semaphore, #tpu.memory_space<semaphore_mem>>)
      %dma_wait3A = arith.constant 0 : i32
      %dma_wait3A_22 = arith.constant 0 : i32
      %dma_wait3A_23 = tpu.memref_slice %arg2[%add3A, %dma_wait3A, %dma_wait3A_22] : memref<32x80x128xi32, #tpu.memory_space<hbm>> -> memref<1x80x128xi32, #tpu.memory_space<hbm>>
      %dma_wait3A_24 = tpu.memref_squeeze %dma_wait3A_23 : memref<1x80x128xi32, #tpu.memory_space<hbm>> -> memref<80x128xi32, #tpu.memory_space<hbm>>
      %dma_wait3A_25 = arith.constant 0 : i32
      %dma_wait3A_26 = arith.constant 0 : i32
      %dma_wait3A_27 = tpu.memref_slice %arg2[%add3A, %dma_wait3A_25, %dma_wait3A_26] : memref<32x80x128xi32, #tpu.memory_space<hbm>> -> memref<1x80x128xi32, #tpu.memory_space<hbm>>
      %dma_wait3A_28 = tpu.memref_squeeze %dma_wait3A_27 : memref<1x80x128xi32, #tpu.memory_space<hbm>> -> memref<80x128xi32, #tpu.memory_space<hbm>>
      tpu.wait_dma2 semaphore(%run_scoped3A : memref<!tpu.dma_semaphore, #tpu.memory_space<semaphore_mem>>) src(%dma_wait3A_28 : memref<80x128xi32, #tpu.memory_space<hbm>>) dst(%arg6 : memref<80x128xi32, #tpu.memory_space<vmem>>)
      tpu.yield
    }) : () -> ()
    "tpu.region"() ({
      %run_scoped3A = tpu.sem_alloc : memref<!tpu.dma_semaphore, #tpu.memory_space<semaphore_mem>>
      tpu.enqueue_dma source(%arg3 : memref<128x128xf32, #tpu.memory_space<hbm>>) target(%arg7 : memref<128x128xf32, #tpu.memory_space<vmem>>) target_semaphore(%run_scoped3A : memref<!tpu.dma_semaphore, #tpu.memory_space<semaphore_mem>>)
      tpu.wait_dma2 semaphore(%run_scoped3A : memref<!tpu.dma_semaphore, #tpu.memory_space<semaphore_mem>>) src(%arg3 : memref<128x128xf32, #tpu.memory_space<hbm>>) dst(%arg7 : memref<128x128xf32, #tpu.memory_space<vmem>>)
      tpu.yield
    }) : () -> ()
    %mul3A_1 = arith.constant 632 : i32
    %mul3A_2 = arith.muli %arg1, %mul3A_1 : i32
    %mul3A_3 = arith.constant 632 : i32
    %mul3A_4 = arith.muli %arg1, %mul3A_3 : i32
    "tpu.region"() ({
      %run_scoped3A = tpu.sem_alloc : memref<!tpu.dma_semaphore, #tpu.memory_space<semaphore_mem>>
      %dma_start3A = arith.constant 0 : i32
      %dma_start3A_15 = tpu.memref_slice %arg8[%mul3A_4, %dma_start3A] : memref<10112x128xf32, #tpu.memory_space<vmem_shared>> -> memref<632x128xf32, #tpu.memory_space<vmem_shared>>
      %dma_start3A_16 = arith.constant 0 : i32
      %dma_start3A_17 = tpu.memref_slice %arg4[%mul3A_2, %dma_start3A_16] : memref<10112x128xf32, #tpu.memory_space<hbm>> -> memref<632x128xf32, #tpu.memory_space<hbm>>
      tpu.enqueue_dma source(%dma_start3A_17 : memref<632x128xf32, #tpu.memory_space<hbm>>) target(%dma_start3A_15 : memref<632x128xf32, #tpu.memory_space<vmem_shared>>) target_semaphore(%run_scoped3A : memref<!tpu.dma_semaphore, #tpu.memory_space<semaphore_mem>>)
      %dma_wait3A = arith.constant 0 : i32
      %dma_wait3A_18 = tpu.memref_slice %arg8[%mul3A_4, %dma_wait3A] : memref<10112x128xf32, #tpu.memory_space<vmem_shared>> -> memref<632x128xf32, #tpu.memory_space<vmem_shared>>
      %dma_wait3A_19 = arith.constant 0 : i32
      %dma_wait3A_20 = tpu.memref_slice %arg4[%mul3A_2, %dma_wait3A_19] : memref<10112x128xf32, #tpu.memory_space<hbm>> -> memref<632x128xf32, #tpu.memory_space<hbm>>
      tpu.wait_dma2 semaphore(%run_scoped3A : memref<!tpu.dma_semaphore, #tpu.memory_space<semaphore_mem>>) src(%dma_wait3A_20 : memref<632x128xf32, #tpu.memory_space<hbm>>) dst(%dma_wait3A_18 : memref<632x128xf32, #tpu.memory_space<vmem_shared>>)
      tpu.yield
    }) : () -> ()
    %barrier3A = arith.constant 0 : index
    tpu.barrier barrier_id(%barrier3A)
    %scan3A = arith.constant 0 : i32
    %scan3A_5 = arith.constant 0 : i32
    %scan3A_6 = arith.constant 80 : i32
    %scan3A_7 = arith.addi %scan3A_5, %scan3A_6 : i32
    %scan3A_8 = arith.constant 1 : i32
    scf.for %scan3A_15 = %scan3A_5 to %scan3A_7 step %scan3A_8  : i32 {
      "tpu.region"() ({
        %run_scoped3A = tpu.sem_alloc : memref<!tpu.dma_semaphore, #tpu.memory_space<semaphore_mem>>
        %dma_start3A = arith.constant 0 : i32
        %dma_start3A_16 = tpu.memref_slice %arg6[%scan3A_15, %dma_start3A] : memref<80x128xi32, #tpu.memory_space<vmem>> -> memref<1x128xi32, #tpu.memory_space<vmem>>
        %dma_start3A_17 = tpu.memref_squeeze %dma_start3A_16 : memref<1x128xi32, #tpu.memory_space<vmem>> -> memref<128xi32, #tpu.memory_space<vmem>>
        %dma_start3A_18 = arith.constant 0 : i32
        %dma_start3A_19 = arith.constant 0 : i32
        %dma_start3A_20 = tpu.memref_slice %arg8[%dma_start3A_18, %dma_start3A_19] : memref<10112x128xf32, #tpu.memory_space<vmem_shared>> -> memref<10112x128xf32, #tpu.memory_space<vmem_shared>>
        tpu.enqueue_indirect_dma source(%arg7 : memref<128x128xf32, #tpu.memory_space<vmem>>) target(%dma_start3A_20 : memref<10112x128xf32, #tpu.memory_space<vmem_shared>>) offsets(%dma_start3A_17 : memref<128xi32, #tpu.memory_space<vmem>>) semaphore(%run_scoped3A : memref<!tpu.dma_semaphore, #tpu.memory_space<semaphore_mem>>) {add = true}
        %dma_wait3A = arith.constant 0 : i32
        %dma_wait3A_21 = tpu.memref_slice %arg6[%scan3A_15, %dma_wait3A] : memref<80x128xi32, #tpu.memory_space<vmem>> -> memref<1x128xi32, #tpu.memory_space<vmem>>
        %dma_wait3A_22 = tpu.memref_squeeze %dma_wait3A_21 : memref<1x128xi32, #tpu.memory_space<vmem>> -> memref<128xi32, #tpu.memory_space<vmem>>
        %dma_wait3A_23 = arith.constant 0 : i32
        %dma_wait3A_24 = arith.constant 0 : i32
        %dma_wait3A_25 = tpu.memref_slice %arg8[%dma_wait3A_23, %dma_wait3A_24] : memref<10112x128xf32, #tpu.memory_space<vmem_shared>> -> memref<10112x128xf32, #tpu.memory_space<vmem_shared>>
        tpu.wait_indirect_dma semaphore(%run_scoped3A : memref<!tpu.dma_semaphore, #tpu.memory_space<semaphore_mem>>) src(%arg7 : memref<128x128xf32, #tpu.memory_space<vmem>>) dst(%dma_wait3A_25 : memref<10112x128xf32, #tpu.memory_space<vmem_shared>>)
        tpu.yield
      }) : () -> ()
    }
    %scan3A_9 = arith.constant 80 : i32
    %barrier3A_10 = arith.constant 0 : index
    tpu.barrier barrier_id(%barrier3A_10)
    %mul3A_11 = arith.constant 632 : i32
    %mul3A_12 = arith.muli %arg1, %mul3A_11 : i32
    %mul3A_13 = arith.constant 632 : i32
    %mul3A_14 = arith.muli %arg1, %mul3A_13 : i32
    "tpu.region"() ({
      %run_scoped3A = tpu.sem_alloc : memref<!tpu.dma_semaphore, #tpu.memory_space<semaphore_mem>>
      %dma_start3A = arith.constant 0 : i32
      %dma_start3A_15 = tpu.memref_slice %arg5[%arg0, %mul3A_14, %dma_start3A] : memref<2x10112x128xf32, #tpu.memory_space<hbm>> -> memref<1x632x128xf32, #tpu.memory_space<hbm>>
      %dma_start3A_16 = tpu.memref_squeeze %dma_start3A_15 : memref<1x632x128xf32, #tpu.memory_space<hbm>> -> memref<632x128xf32, #tpu.memory_space<hbm>>
      %dma_start3A_17 = arith.constant 0 : i32
      %dma_start3A_18 = tpu.memref_slice %arg8[%mul3A_12, %dma_start3A_17] : memref<10112x128xf32, #tpu.memory_space<vmem_shared>> -> memref<632x128xf32, #tpu.memory_space<vmem_shared>>
      tpu.enqueue_dma source(%dma_start3A_18 : memref<632x128xf32, #tpu.memory_space<vmem_shared>>) target(%dma_start3A_16 : memref<632x128xf32, #tpu.memory_space<hbm>>) target_semaphore(%run_scoped3A : memref<!tpu.dma_semaphore, #tpu.memory_space<semaphore_mem>>)
      %dma_wait3A = arith.constant 0 : i32
      %dma_wait3A_19 = tpu.memref_slice %arg5[%arg0, %mul3A_14, %dma_wait3A] : memref<2x10112x128xf32, #tpu.memory_space<hbm>> -> memref<1x632x128xf32, #tpu.memory_space<hbm>>
      %dma_wait3A_20 = tpu.memref_squeeze %dma_wait3A_19 : memref<1x632x128xf32, #tpu.memory_space<hbm>> -> memref<632x128xf32, #tpu.memory_space<hbm>>
      %dma_wait3A_21 = arith.constant 0 : i32
      %dma_wait3A_22 = tpu.memref_slice %arg8[%mul3A_12, %dma_wait3A_21] : memref<10112x128xf32, #tpu.memory_space<vmem_shared>> -> memref<632x128xf32, #tpu.memory_space<vmem_shared>>
      tpu.wait_dma2 semaphore(%run_scoped3A : memref<!tpu.dma_semaphore, #tpu.memory_space<semaphore_mem>>) src(%dma_wait3A_22 : memref<632x128xf32, #tpu.memory_space<vmem_shared>>) dst(%dma_wait3A_20 : memref<632x128xf32, #tpu.memory_space<hbm>>)
      tpu.yield
    }) : () -> ()
    return
  }
}

#map = affine_map<(d0, d1) -> (0, 0)>
#map1 = affine_map<(d0, d1) -> (0)>
#map2 = affine_map<(d0, d1) -> (0, 0, 0)>
module attributes {stable_mosaic.version = 14 : i64} {
  func.func @_agg_kernel(%arg0: i32, %arg1: i32, %arg2: memref<10000x128xf32, #tpu.memory_space<hbm>>, %arg3: memref<327680xi32, #tpu.memory_space<hbm>>, %arg4: memref<2560x128xi32, #tpu.memory_space<hbm>>, %arg5: memref<10112x128xf32, #tpu.memory_space<hbm>>, %arg6: memref<2x10112x128xf32, #tpu.memory_space<hbm>>, %arg7: memref<5120xi32, #tpu.memory_space<vmem>>, %arg8: memref<40x128xi32, #tpu.memory_space<vmem>>, %arg9: memref<128x128xf32, #tpu.memory_space<vmem>>, %arg10: memref<128x128xf32, #tpu.memory_space<vmem>>, %arg11: memref<10112x128xf32, #tpu.memory_space<vmem_shared>>, %arg12: memref<!tpu.dma_semaphore, #tpu.memory_space<semaphore_mem>>, %arg13: memref<!tpu.dma_semaphore, #tpu.memory_space<semaphore_mem>>) attributes {dimension_semantics = [#tpu.dimension_semantics<core_parallel>, #tpu.dimension_semantics<subcore_parallel>], iteration_bounds = array<i64: 2, 16>, scalar_prefetch = 0 : i64, scratch_operands = 7 : i64, tpu.core_type = #tpu.core_type<sc_vector_subcore>, window_params = [{transform_indices = #map}, {transform_indices = #map1}, {transform_indices = #map}, {transform_indices = #map}, {transform_indices = #map2}]} {
    %mul3A = arith.constant 632 : i32
    %mul3A_0 = arith.muli %arg1, %mul3A : i32
    %mul3A_1 = arith.constant 632 : i32
    %mul3A_2 = arith.muli %arg1, %mul3A_1 : i32
    "tpu.region"() ({
      %run_scoped3A = tpu.sem_alloc : memref<!tpu.dma_semaphore, #tpu.memory_space<semaphore_mem>>
      %dma_start3A = arith.constant 0 : i32
      %dma_start3A_15 = tpu.memref_slice %arg11[%mul3A_2, %dma_start3A] : memref<10112x128xf32, #tpu.memory_space<vmem_shared>> -> memref<632x128xf32, #tpu.memory_space<vmem_shared>>
      %dma_start3A_16 = arith.constant 0 : i32
      %dma_start3A_17 = tpu.memref_slice %arg5[%mul3A_0, %dma_start3A_16] : memref<10112x128xf32, #tpu.memory_space<hbm>> -> memref<632x128xf32, #tpu.memory_space<hbm>>
      tpu.enqueue_dma source(%dma_start3A_17 : memref<632x128xf32, #tpu.memory_space<hbm>>) target(%dma_start3A_15 : memref<632x128xf32, #tpu.memory_space<vmem_shared>>) target_semaphore(%run_scoped3A : memref<!tpu.dma_semaphore, #tpu.memory_space<semaphore_mem>>)
      %dma_wait3A = arith.constant 0 : i32
      %dma_wait3A_18 = tpu.memref_slice %arg11[%mul3A_2, %dma_wait3A] : memref<10112x128xf32, #tpu.memory_space<vmem_shared>> -> memref<632x128xf32, #tpu.memory_space<vmem_shared>>
      %dma_wait3A_19 = arith.constant 0 : i32
      %dma_wait3A_20 = tpu.memref_slice %arg5[%mul3A_0, %dma_wait3A_19] : memref<10112x128xf32, #tpu.memory_space<hbm>> -> memref<632x128xf32, #tpu.memory_space<hbm>>
      tpu.wait_dma2 semaphore(%run_scoped3A : memref<!tpu.dma_semaphore, #tpu.memory_space<semaphore_mem>>) src(%dma_wait3A_20 : memref<632x128xf32, #tpu.memory_space<hbm>>) dst(%dma_wait3A_18 : memref<632x128xf32, #tpu.memory_space<vmem_shared>>)
      tpu.yield
    }) : () -> ()
    %barrier3A = arith.constant 0 : index
    tpu.barrier barrier_id(%barrier3A)
    %eq3A = arith.constant 0 : i32
    %eq3A_3 = arith.cmpi eq, %arg0, %eq3A : i32
    %convert_element_type3A = arith.extui %eq3A_3 : i1 to i32
    %cond3A = arith.constant 0 : i32
    %cond3A_4 = arith.cmpi ne, %convert_element_type3A, %cond3A : i32
    scf.if %cond3A_4 {
      %mul3A_15 = arith.constant 80 : i32
      %mul3A_16 = arith.muli %arg1, %mul3A_15 : i32
      %add3A = arith.constant 0 : i32
      %add3A_17 = arith.addi %mul3A_16, %add3A : i32
      %mul3A_18 = arith.constant 128 : i32
      %mul3A_19 = arith.muli %add3A_17, %mul3A_18 : i32
      "tpu.region"() ({
        %run_scoped3A = tpu.sem_alloc : memref<!tpu.dma_semaphore, #tpu.memory_space<semaphore_mem>>
        %dma_start3A_66 = tpu.memref_slice %arg3[%mul3A_19] : memref<327680xi32, #tpu.memory_space<hbm>> -> memref<5120xi32, #tpu.memory_space<hbm>>
        %dma_start3A_67 = tpu.memref_slice %arg3[%mul3A_19] : memref<327680xi32, #tpu.memory_space<hbm>> -> memref<5120xi32, #tpu.memory_space<hbm>>
        tpu.enqueue_dma source(%dma_start3A_67 : memref<5120xi32, #tpu.memory_space<hbm>>) target(%arg7 : memref<5120xi32, #tpu.memory_space<vmem>>) target_semaphore(%run_scoped3A : memref<!tpu.dma_semaphore, #tpu.memory_space<semaphore_mem>>)
        %dma_wait3A = tpu.memref_slice %arg3[%mul3A_19] : memref<327680xi32, #tpu.memory_space<hbm>> -> memref<5120xi32, #tpu.memory_space<hbm>>
        %dma_wait3A_68 = tpu.memref_slice %arg3[%mul3A_19] : memref<327680xi32, #tpu.memory_space<hbm>> -> memref<5120xi32, #tpu.memory_space<hbm>>
        tpu.wait_dma2 semaphore(%run_scoped3A : memref<!tpu.dma_semaphore, #tpu.memory_space<semaphore_mem>>) src(%dma_wait3A_68 : memref<5120xi32, #tpu.memory_space<hbm>>) dst(%arg7 : memref<5120xi32, #tpu.memory_space<vmem>>)
        tpu.yield
      }) : () -> ()
      "tpu.region"() ({
        %run_scoped3A = tpu.sem_alloc : memref<!tpu.dma_semaphore, #tpu.memory_space<semaphore_mem>>
        %dma_start3A_66 = arith.constant 0 : i32
        %dma_start3A_67 = tpu.memref_slice %arg4[%add3A_17, %dma_start3A_66] : memref<2560x128xi32, #tpu.memory_space<hbm>> -> memref<40x128xi32, #tpu.memory_space<hbm>>
        %dma_start3A_68 = arith.constant 0 : i32
        %dma_start3A_69 = tpu.memref_slice %arg4[%add3A_17, %dma_start3A_68] : memref<2560x128xi32, #tpu.memory_space<hbm>> -> memref<40x128xi32, #tpu.memory_space<hbm>>
        tpu.enqueue_dma source(%dma_start3A_69 : memref<40x128xi32, #tpu.memory_space<hbm>>) target(%arg8 : memref<40x128xi32, #tpu.memory_space<vmem>>) target_semaphore(%run_scoped3A : memref<!tpu.dma_semaphore, #tpu.memory_space<semaphore_mem>>)
        %dma_wait3A = arith.constant 0 : i32
        %dma_wait3A_70 = tpu.memref_slice %arg4[%add3A_17, %dma_wait3A] : memref<2560x128xi32, #tpu.memory_space<hbm>> -> memref<40x128xi32, #tpu.memory_space<hbm>>
        %dma_wait3A_71 = arith.constant 0 : i32
        %dma_wait3A_72 = tpu.memref_slice %arg4[%add3A_17, %dma_wait3A_71] : memref<2560x128xi32, #tpu.memory_space<hbm>> -> memref<40x128xi32, #tpu.memory_space<hbm>>
        tpu.wait_dma2 semaphore(%run_scoped3A : memref<!tpu.dma_semaphore, #tpu.memory_space<semaphore_mem>>) src(%dma_wait3A_72 : memref<40x128xi32, #tpu.memory_space<hbm>>) dst(%arg8 : memref<40x128xi32, #tpu.memory_space<vmem>>)
        tpu.yield
      }) : () -> ()
      %dma_start3A = arith.constant 0 : i32
      %dma_start3A_20 = arith.constant 0 : i32
      %dma_start3A_21 = tpu.memref_slice %arg9[%dma_start3A, %dma_start3A_20] : memref<128x128xf32, #tpu.memory_space<vmem>> -> memref<128x128xf32, #tpu.memory_space<vmem>>
      %dma_start3A_22 = arith.constant 0 : i32
      %dma_start3A_23 = tpu.memref_slice %arg7[%dma_start3A_22] : memref<5120xi32, #tpu.memory_space<vmem>> -> memref<128xi32, #tpu.memory_space<vmem>>
      %dma_start3A_24 = arith.constant 0 : i32
      %dma_start3A_25 = arith.constant 0 : i32
      %dma_start3A_26 = tpu.memref_slice %arg2[%dma_start3A_24, %dma_start3A_25] : memref<10000x128xf32, #tpu.memory_space<hbm>> -> memref<10000x128xf32, #tpu.memory_space<hbm>>
      tpu.enqueue_indirect_dma source(%dma_start3A_26 : memref<10000x128xf32, #tpu.memory_space<hbm>>) target(%dma_start3A_21 : memref<128x128xf32, #tpu.memory_space<vmem>>) offsets(%dma_start3A_23 : memref<128xi32, #tpu.memory_space<vmem>>) semaphore(%arg12 : memref<!tpu.dma_semaphore, #tpu.memory_space<semaphore_mem>>)
      %dma_start3A_27 = arith.constant 0 : i32
      %dma_start3A_28 = arith.constant 0 : i32
      %dma_start3A_29 = tpu.memref_slice %arg10[%dma_start3A_27, %dma_start3A_28] : memref<128x128xf32, #tpu.memory_space<vmem>> -> memref<128x128xf32, #tpu.memory_space<vmem>>
      %dma_start3A_30 = arith.constant 128 : i32
      %dma_start3A_31 = tpu.memref_slice %arg7[%dma_start3A_30] : memref<5120xi32, #tpu.memory_space<vmem>> -> memref<128xi32, #tpu.memory_space<vmem>>
      %dma_start3A_32 = arith.constant 0 : i32
      %dma_start3A_33 = arith.constant 0 : i32
      %dma_start3A_34 = tpu.memref_slice %arg2[%dma_start3A_32, %dma_start3A_33] : memref<10000x128xf32, #tpu.memory_space<hbm>> -> memref<10000x128xf32, #tpu.memory_space<hbm>>
      tpu.enqueue_indirect_dma source(%dma_start3A_34 : memref<10000x128xf32, #tpu.memory_space<hbm>>) target(%dma_start3A_29 : memref<128x128xf32, #tpu.memory_space<vmem>>) offsets(%dma_start3A_31 : memref<128xi32, #tpu.memory_space<vmem>>) semaphore(%arg13 : memref<!tpu.dma_semaphore, #tpu.memory_space<semaphore_mem>>)
      %scan3A = arith.constant 0 : i32
      %scan3A_35 = arith.constant 0 : i32
      %scan3A_36 = arith.constant 20 : i32
      %scan3A_37 = arith.addi %scan3A_35, %scan3A_36 : i32
      %scan3A_38 = arith.constant 1 : i32
      scf.for %scan3A_66 = %scan3A_35 to %scan3A_37 step %scan3A_38  : i32 {
        %mul3A_67 = arith.constant 2 : i32
        %mul3A_68 = arith.muli %scan3A_66, %mul3A_67 : i32
        %add3A_69 = arith.constant 0 : i32
        %add3A_70 = arith.addi %mul3A_68, %add3A_69 : i32
        %mul3A_71 = arith.constant 128 : i32
        %mul3A_72 = arith.muli %add3A_70, %mul3A_71 : i32
        %add3A_73 = arith.constant 0 : i32
        %add3A_74 = arith.addi %mul3A_72, %add3A_73 : i32
        %dma_wait3A = arith.constant 0 : i32
        %dma_wait3A_75 = arith.constant 0 : i32
        %dma_wait3A_76 = tpu.memref_slice %arg9[%dma_wait3A, %dma_wait3A_75] : memref<128x128xf32, #tpu.memory_space<vmem>> -> memref<128x128xf32, #tpu.memory_space<vmem>>
        %dma_wait3A_77 = tpu.memref_slice %arg7[%add3A_74] : memref<5120xi32, #tpu.memory_space<vmem>> -> memref<128xi32, #tpu.memory_space<vmem>>
        %dma_wait3A_78 = arith.constant 0 : i32
        %dma_wait3A_79 = arith.constant 0 : i32
        %dma_wait3A_80 = tpu.memref_slice %arg2[%dma_wait3A_78, %dma_wait3A_79] : memref<10000x128xf32, #tpu.memory_space<hbm>> -> memref<10000x128xf32, #tpu.memory_space<hbm>>
        tpu.wait_indirect_dma semaphore(%arg12 : memref<!tpu.dma_semaphore, #tpu.memory_space<semaphore_mem>>) src(%dma_wait3A_80 : memref<10000x128xf32, #tpu.memory_space<hbm>>) dst(%dma_wait3A_76 : memref<128x128xf32, #tpu.memory_space<vmem>>)
        "tpu.region"() ({
          %run_scoped3A = tpu.sem_alloc : memref<!tpu.dma_semaphore, #tpu.memory_space<semaphore_mem>>
          %dma_start3A_109 = arith.constant 0 : i32
          %dma_start3A_110 = tpu.memref_slice %arg8[%add3A_70, %dma_start3A_109] : memref<40x128xi32, #tpu.memory_space<vmem>> -> memref<1x128xi32, #tpu.memory_space<vmem>>
          %dma_start3A_111 = tpu.memref_squeeze %dma_start3A_110 : memref<1x128xi32, #tpu.memory_space<vmem>> -> memref<128xi32, #tpu.memory_space<vmem>>
          %dma_start3A_112 = arith.constant 0 : i32
          %dma_start3A_113 = arith.constant 0 : i32
          %dma_start3A_114 = tpu.memref_slice %arg11[%dma_start3A_112, %dma_start3A_113] : memref<10112x128xf32, #tpu.memory_space<vmem_shared>> -> memref<10112x128xf32, #tpu.memory_space<vmem_shared>>
          tpu.enqueue_indirect_dma source(%arg9 : memref<128x128xf32, #tpu.memory_space<vmem>>) target(%dma_start3A_114 : memref<10112x128xf32, #tpu.memory_space<vmem_shared>>) offsets(%dma_start3A_111 : memref<128xi32, #tpu.memory_space<vmem>>) semaphore(%run_scoped3A : memref<!tpu.dma_semaphore, #tpu.memory_space<semaphore_mem>>) {add = true}
          %dma_wait3A_115 = arith.constant 0 : i32
          %dma_wait3A_116 = tpu.memref_slice %arg8[%add3A_70, %dma_wait3A_115] : memref<40x128xi32, #tpu.memory_space<vmem>> -> memref<1x128xi32, #tpu.memory_space<vmem>>
          %dma_wait3A_117 = tpu.memref_squeeze %dma_wait3A_116 : memref<1x128xi32, #tpu.memory_space<vmem>> -> memref<128xi32, #tpu.memory_space<vmem>>
          %dma_wait3A_118 = arith.constant 0 : i32
          %dma_wait3A_119 = arith.constant 0 : i32
          %dma_wait3A_120 = tpu.memref_slice %arg11[%dma_wait3A_118, %dma_wait3A_119] : memref<10112x128xf32, #tpu.memory_space<vmem_shared>> -> memref<10112x128xf32, #tpu.memory_space<vmem_shared>>
          tpu.wait_indirect_dma semaphore(%run_scoped3A : memref<!tpu.dma_semaphore, #tpu.memory_space<semaphore_mem>>) src(%arg9 : memref<128x128xf32, #tpu.memory_space<vmem>>) dst(%dma_wait3A_120 : memref<10112x128xf32, #tpu.memory_space<vmem_shared>>)
          tpu.yield
        }) : () -> ()
        %add3A_81 = arith.constant 2 : i32
        %add3A_82 = arith.addi %add3A_70, %add3A_81 : i32
        %lt3A = arith.constant 40 : i32
        %lt3A_83 = arith.cmpi slt, %add3A_82, %lt3A : i32
        %convert_element_type3A_84 = arith.extui %lt3A_83 : i1 to i32
        %cond3A_85 = arith.constant 0 : i32
        %cond3A_86 = arith.cmpi ne, %convert_element_type3A_84, %cond3A_85 : i32
        scf.if %cond3A_86 {
          %add3A_109 = arith.constant 2 : i32
          %add3A_110 = arith.addi %add3A_70, %add3A_109 : i32
          %mul3A_111 = arith.constant 128 : i32
          %mul3A_112 = arith.muli %add3A_110, %mul3A_111 : i32
          %add3A_113 = arith.constant 0 : i32
          %add3A_114 = arith.addi %mul3A_112, %add3A_113 : i32
          %dma_start3A_115 = arith.constant 0 : i32
          %dma_start3A_116 = arith.constant 0 : i32
          %dma_start3A_117 = tpu.memref_slice %arg9[%dma_start3A_115, %dma_start3A_116] : memref<128x128xf32, #tpu.memory_space<vmem>> -> memref<128x128xf32, #tpu.memory_space<vmem>>
          %dma_start3A_118 = tpu.memref_slice %arg7[%add3A_114] : memref<5120xi32, #tpu.memory_space<vmem>> -> memref<128xi32, #tpu.memory_space<vmem>>
          %dma_start3A_119 = arith.constant 0 : i32
          %dma_start3A_120 = arith.constant 0 : i32
          %dma_start3A_121 = tpu.memref_slice %arg2[%dma_start3A_119, %dma_start3A_120] : memref<10000x128xf32, #tpu.memory_space<hbm>> -> memref<10000x128xf32, #tpu.memory_space<hbm>>
          tpu.enqueue_indirect_dma source(%dma_start3A_121 : memref<10000x128xf32, #tpu.memory_space<hbm>>) target(%dma_start3A_117 : memref<128x128xf32, #tpu.memory_space<vmem>>) offsets(%dma_start3A_118 : memref<128xi32, #tpu.memory_space<vmem>>) semaphore(%arg12 : memref<!tpu.dma_semaphore, #tpu.memory_space<semaphore_mem>>)
        } else {
        }
        %mul3A_87 = arith.constant 2 : i32
        %mul3A_88 = arith.muli %scan3A_66, %mul3A_87 : i32
        %add3A_89 = arith.constant 1 : i32
        %add3A_90 = arith.addi %mul3A_88, %add3A_89 : i32
        %mul3A_91 = arith.constant 128 : i32
        %mul3A_92 = arith.muli %add3A_90, %mul3A_91 : i32
        %add3A_93 = arith.constant 0 : i32
        %add3A_94 = arith.addi %mul3A_92, %add3A_93 : i32
        %dma_wait3A_95 = arith.constant 0 : i32
        %dma_wait3A_96 = arith.constant 0 : i32
        %dma_wait3A_97 = tpu.memref_slice %arg10[%dma_wait3A_95, %dma_wait3A_96] : memref<128x128xf32, #tpu.memory_space<vmem>> -> memref<128x128xf32, #tpu.memory_space<vmem>>
        %dma_wait3A_98 = tpu.memref_slice %arg7[%add3A_94] : memref<5120xi32, #tpu.memory_space<vmem>> -> memref<128xi32, #tpu.memory_space<vmem>>
        %dma_wait3A_99 = arith.constant 0 : i32
        %dma_wait3A_100 = arith.constant 0 : i32
        %dma_wait3A_101 = tpu.memref_slice %arg2[%dma_wait3A_99, %dma_wait3A_100] : memref<10000x128xf32, #tpu.memory_space<hbm>> -> memref<10000x128xf32, #tpu.memory_space<hbm>>
        tpu.wait_indirect_dma semaphore(%arg13 : memref<!tpu.dma_semaphore, #tpu.memory_space<semaphore_mem>>) src(%dma_wait3A_101 : memref<10000x128xf32, #tpu.memory_space<hbm>>) dst(%dma_wait3A_97 : memref<128x128xf32, #tpu.memory_space<vmem>>)
        "tpu.region"() ({
          %run_scoped3A = tpu.sem_alloc : memref<!tpu.dma_semaphore, #tpu.memory_space<semaphore_mem>>
          %dma_start3A_109 = arith.constant 0 : i32
          %dma_start3A_110 = tpu.memref_slice %arg8[%add3A_90, %dma_start3A_109] : memref<40x128xi32, #tpu.memory_space<vmem>> -> memref<1x128xi32, #tpu.memory_space<vmem>>
          %dma_start3A_111 = tpu.memref_squeeze %dma_start3A_110 : memref<1x128xi32, #tpu.memory_space<vmem>> -> memref<128xi32, #tpu.memory_space<vmem>>
          %dma_start3A_112 = arith.constant 0 : i32
          %dma_start3A_113 = arith.constant 0 : i32
          %dma_start3A_114 = tpu.memref_slice %arg11[%dma_start3A_112, %dma_start3A_113] : memref<10112x128xf32, #tpu.memory_space<vmem_shared>> -> memref<10112x128xf32, #tpu.memory_space<vmem_shared>>
          tpu.enqueue_indirect_dma source(%arg10 : memref<128x128xf32, #tpu.memory_space<vmem>>) target(%dma_start3A_114 : memref<10112x128xf32, #tpu.memory_space<vmem_shared>>) offsets(%dma_start3A_111 : memref<128xi32, #tpu.memory_space<vmem>>) semaphore(%run_scoped3A : memref<!tpu.dma_semaphore, #tpu.memory_space<semaphore_mem>>) {add = true}
          %dma_wait3A_115 = arith.constant 0 : i32
          %dma_wait3A_116 = tpu.memref_slice %arg8[%add3A_90, %dma_wait3A_115] : memref<40x128xi32, #tpu.memory_space<vmem>> -> memref<1x128xi32, #tpu.memory_space<vmem>>
          %dma_wait3A_117 = tpu.memref_squeeze %dma_wait3A_116 : memref<1x128xi32, #tpu.memory_space<vmem>> -> memref<128xi32, #tpu.memory_space<vmem>>
          %dma_wait3A_118 = arith.constant 0 : i32
          %dma_wait3A_119 = arith.constant 0 : i32
          %dma_wait3A_120 = tpu.memref_slice %arg11[%dma_wait3A_118, %dma_wait3A_119] : memref<10112x128xf32, #tpu.memory_space<vmem_shared>> -> memref<10112x128xf32, #tpu.memory_space<vmem_shared>>
          tpu.wait_indirect_dma semaphore(%run_scoped3A : memref<!tpu.dma_semaphore, #tpu.memory_space<semaphore_mem>>) src(%arg10 : memref<128x128xf32, #tpu.memory_space<vmem>>) dst(%dma_wait3A_120 : memref<10112x128xf32, #tpu.memory_space<vmem_shared>>)
          tpu.yield
        }) : () -> ()
        %add3A_102 = arith.constant 2 : i32
        %add3A_103 = arith.addi %add3A_90, %add3A_102 : i32
        %lt3A_104 = arith.constant 40 : i32
        %lt3A_105 = arith.cmpi slt, %add3A_103, %lt3A_104 : i32
        %convert_element_type3A_106 = arith.extui %lt3A_105 : i1 to i32
        %cond3A_107 = arith.constant 0 : i32
        %cond3A_108 = arith.cmpi ne, %convert_element_type3A_106, %cond3A_107 : i32
        scf.if %cond3A_108 {
          %add3A_109 = arith.constant 2 : i32
          %add3A_110 = arith.addi %add3A_90, %add3A_109 : i32
          %mul3A_111 = arith.constant 128 : i32
          %mul3A_112 = arith.muli %add3A_110, %mul3A_111 : i32
          %add3A_113 = arith.constant 0 : i32
          %add3A_114 = arith.addi %mul3A_112, %add3A_113 : i32
          %dma_start3A_115 = arith.constant 0 : i32
          %dma_start3A_116 = arith.constant 0 : i32
          %dma_start3A_117 = tpu.memref_slice %arg10[%dma_start3A_115, %dma_start3A_116] : memref<128x128xf32, #tpu.memory_space<vmem>> -> memref<128x128xf32, #tpu.memory_space<vmem>>
          %dma_start3A_118 = tpu.memref_slice %arg7[%add3A_114] : memref<5120xi32, #tpu.memory_space<vmem>> -> memref<128xi32, #tpu.memory_space<vmem>>
          %dma_start3A_119 = arith.constant 0 : i32
          %dma_start3A_120 = arith.constant 0 : i32
          %dma_start3A_121 = tpu.memref_slice %arg2[%dma_start3A_119, %dma_start3A_120] : memref<10000x128xf32, #tpu.memory_space<hbm>> -> memref<10000x128xf32, #tpu.memory_space<hbm>>
          tpu.enqueue_indirect_dma source(%dma_start3A_121 : memref<10000x128xf32, #tpu.memory_space<hbm>>) target(%dma_start3A_117 : memref<128x128xf32, #tpu.memory_space<vmem>>) offsets(%dma_start3A_118 : memref<128xi32, #tpu.memory_space<vmem>>) semaphore(%arg13 : memref<!tpu.dma_semaphore, #tpu.memory_space<semaphore_mem>>)
        } else {
        }
      }
      %scan3A_39 = arith.constant 20 : i32
      %add3A_40 = arith.constant 40 : i32
      %add3A_41 = arith.addi %mul3A_16, %add3A_40 : i32
      %mul3A_42 = arith.constant 128 : i32
      %mul3A_43 = arith.muli %add3A_41, %mul3A_42 : i32
      "tpu.region"() ({
        %run_scoped3A = tpu.sem_alloc : memref<!tpu.dma_semaphore, #tpu.memory_space<semaphore_mem>>
        %dma_start3A_66 = tpu.memref_slice %arg3[%mul3A_43] : memref<327680xi32, #tpu.memory_space<hbm>> -> memref<5120xi32, #tpu.memory_space<hbm>>
        %dma_start3A_67 = tpu.memref_slice %arg3[%mul3A_43] : memref<327680xi32, #tpu.memory_space<hbm>> -> memref<5120xi32, #tpu.memory_space<hbm>>
        tpu.enqueue_dma source(%dma_start3A_67 : memref<5120xi32, #tpu.memory_space<hbm>>) target(%arg7 : memref<5120xi32, #tpu.memory_space<vmem>>) target_semaphore(%run_scoped3A : memref<!tpu.dma_semaphore, #tpu.memory_space<semaphore_mem>>)
        %dma_wait3A = tpu.memref_slice %arg3[%mul3A_43] : memref<327680xi32, #tpu.memory_space<hbm>> -> memref<5120xi32, #tpu.memory_space<hbm>>
        %dma_wait3A_68 = tpu.memref_slice %arg3[%mul3A_43] : memref<327680xi32, #tpu.memory_space<hbm>> -> memref<5120xi32, #tpu.memory_space<hbm>>
        tpu.wait_dma2 semaphore(%run_scoped3A : memref<!tpu.dma_semaphore, #tpu.memory_space<semaphore_mem>>) src(%dma_wait3A_68 : memref<5120xi32, #tpu.memory_space<hbm>>) dst(%arg7 : memref<5120xi32, #tpu.memory_space<vmem>>)
        tpu.yield
      }) : () -> ()
      "tpu.region"() ({
        %run_scoped3A = tpu.sem_alloc : memref<!tpu.dma_semaphore, #tpu.memory_space<semaphore_mem>>
        %dma_start3A_66 = arith.constant 0 : i32
        %dma_start3A_67 = tpu.memref_slice %arg4[%add3A_41, %dma_start3A_66] : memref<2560x128xi32, #tpu.memory_space<hbm>> -> memref<40x128xi32, #tpu.memory_space<hbm>>
        %dma_start3A_68 = arith.constant 0 : i32
        %dma_start3A_69 = tpu.memref_slice %arg4[%add3A_41, %dma_start3A_68] : memref<2560x128xi32, #tpu.memory_space<hbm>> -> memref<40x128xi32, #tpu.memory_space<hbm>>
        tpu.enqueue_dma source(%dma_start3A_69 : memref<40x128xi32, #tpu.memory_space<hbm>>) target(%arg8 : memref<40x128xi32, #tpu.memory_space<vmem>>) target_semaphore(%run_scoped3A : memref<!tpu.dma_semaphore, #tpu.memory_space<semaphore_mem>>)
        %dma_wait3A = arith.constant 0 : i32
        %dma_wait3A_70 = tpu.memref_slice %arg4[%add3A_41, %dma_wait3A] : memref<2560x128xi32, #tpu.memory_space<hbm>> -> memref<40x128xi32, #tpu.memory_space<hbm>>
        %dma_wait3A_71 = arith.constant 0 : i32
        %dma_wait3A_72 = tpu.memref_slice %arg4[%add3A_41, %dma_wait3A_71] : memref<2560x128xi32, #tpu.memory_space<hbm>> -> memref<40x128xi32, #tpu.memory_space<hbm>>
        tpu.wait_dma2 semaphore(%run_scoped3A : memref<!tpu.dma_semaphore, #tpu.memory_space<semaphore_mem>>) src(%dma_wait3A_72 : memref<40x128xi32, #tpu.memory_space<hbm>>) dst(%arg8 : memref<40x128xi32, #tpu.memory_space<vmem>>)
        tpu.yield
      }) : () -> ()
      %dma_start3A_44 = arith.constant 0 : i32
      %dma_start3A_45 = arith.constant 0 : i32
      %dma_start3A_46 = tpu.memref_slice %arg9[%dma_start3A_44, %dma_start3A_45] : memref<128x128xf32, #tpu.memory_space<vmem>> -> memref<128x128xf32, #tpu.memory_space<vmem>>
      %dma_start3A_47 = arith.constant 0 : i32
      %dma_start3A_48 = tpu.memref_slice %arg7[%dma_start3A_47] : memref<5120xi32, #tpu.memory_space<vmem>> -> memref<128xi32, #tpu.memory_space<vmem>>
      %dma_start3A_49 = arith.constant 0 : i32
      %dma_start3A_50 = arith.constant 0 : i32
      %dma_start3A_51 = tpu.memref_slice %arg2[%dma_start3A_49, %dma_start3A_50] : memref<10000x128xf32, #tpu.memory_space<hbm>> -> memref<10000x128xf32, #tpu.memory_space<hbm>>
      tpu.enqueue_indirect_dma source(%dma_start3A_51 : memref<10000x128xf32, #tpu.memory_space<hbm>>) target(%dma_start3A_46 : memref<128x128xf32, #tpu.memory_space<vmem>>) offsets(%dma_start3A_48 : memref<128xi32, #tpu.memory_space<vmem>>) semaphore(%arg12 : memref<!tpu.dma_semaphore, #tpu.memory_space<semaphore_mem>>)
      %dma_start3A_52 = arith.constant 0 : i32
      %dma_start3A_53 = arith.constant 0 : i32
      %dma_start3A_54 = tpu.memref_slice %arg10[%dma_start3A_52, %dma_start3A_53] : memref<128x128xf32, #tpu.memory_space<vmem>> -> memref<128x128xf32, #tpu.memory_space<vmem>>
      %dma_start3A_55 = arith.constant 128 : i32
      %dma_start3A_56 = tpu.memref_slice %arg7[%dma_start3A_55] : memref<5120xi32, #tpu.memory_space<vmem>> -> memref<128xi32, #tpu.memory_space<vmem>>
      %dma_start3A_57 = arith.constant 0 : i32
      %dma_start3A_58 = arith.constant 0 : i32
      %dma_start3A_59 = tpu.memref_slice %arg2[%dma_start3A_57, %dma_start3A_58] : memref<10000x128xf32, #tpu.memory_space<hbm>> -> memref<10000x128xf32, #tpu.memory_space<hbm>>
      tpu.enqueue_indirect_dma source(%dma_start3A_59 : memref<10000x128xf32, #tpu.memory_space<hbm>>) target(%dma_start3A_54 : memref<128x128xf32, #tpu.memory_space<vmem>>) offsets(%dma_start3A_56 : memref<128xi32, #tpu.memory_space<vmem>>) semaphore(%arg13 : memref<!tpu.dma_semaphore, #tpu.memory_space<semaphore_mem>>)
      %scan3A_60 = arith.constant 0 : i32
      %scan3A_61 = arith.constant 0 : i32
      %scan3A_62 = arith.constant 20 : i32
      %scan3A_63 = arith.addi %scan3A_61, %scan3A_62 : i32
      %scan3A_64 = arith.constant 1 : i32
      scf.for %scan3A_66 = %scan3A_61 to %scan3A_63 step %scan3A_64  : i32 {
        %mul3A_67 = arith.constant 2 : i32
        %mul3A_68 = arith.muli %scan3A_66, %mul3A_67 : i32
        %add3A_69 = arith.constant 0 : i32
        %add3A_70 = arith.addi %mul3A_68, %add3A_69 : i32
        %mul3A_71 = arith.constant 128 : i32
        %mul3A_72 = arith.muli %add3A_70, %mul3A_71 : i32
        %add3A_73 = arith.constant 0 : i32
        %add3A_74 = arith.addi %mul3A_72, %add3A_73 : i32
        %dma_wait3A = arith.constant 0 : i32
        %dma_wait3A_75 = arith.constant 0 : i32
        %dma_wait3A_76 = tpu.memref_slice %arg9[%dma_wait3A, %dma_wait3A_75] : memref<128x128xf32, #tpu.memory_space<vmem>> -> memref<128x128xf32, #tpu.memory_space<vmem>>
        %dma_wait3A_77 = tpu.memref_slice %arg7[%add3A_74] : memref<5120xi32, #tpu.memory_space<vmem>> -> memref<128xi32, #tpu.memory_space<vmem>>
        %dma_wait3A_78 = arith.constant 0 : i32
        %dma_wait3A_79 = arith.constant 0 : i32
        %dma_wait3A_80 = tpu.memref_slice %arg2[%dma_wait3A_78, %dma_wait3A_79] : memref<10000x128xf32, #tpu.memory_space<hbm>> -> memref<10000x128xf32, #tpu.memory_space<hbm>>
        tpu.wait_indirect_dma semaphore(%arg12 : memref<!tpu.dma_semaphore, #tpu.memory_space<semaphore_mem>>) src(%dma_wait3A_80 : memref<10000x128xf32, #tpu.memory_space<hbm>>) dst(%dma_wait3A_76 : memref<128x128xf32, #tpu.memory_space<vmem>>)
        "tpu.region"() ({
          %run_scoped3A = tpu.sem_alloc : memref<!tpu.dma_semaphore, #tpu.memory_space<semaphore_mem>>
          %dma_start3A_109 = arith.constant 0 : i32
          %dma_start3A_110 = tpu.memref_slice %arg8[%add3A_70, %dma_start3A_109] : memref<40x128xi32, #tpu.memory_space<vmem>> -> memref<1x128xi32, #tpu.memory_space<vmem>>
          %dma_start3A_111 = tpu.memref_squeeze %dma_start3A_110 : memref<1x128xi32, #tpu.memory_space<vmem>> -> memref<128xi32, #tpu.memory_space<vmem>>
          %dma_start3A_112 = arith.constant 0 : i32
          %dma_start3A_113 = arith.constant 0 : i32
          %dma_start3A_114 = tpu.memref_slice %arg11[%dma_start3A_112, %dma_start3A_113] : memref<10112x128xf32, #tpu.memory_space<vmem_shared>> -> memref<10112x128xf32, #tpu.memory_space<vmem_shared>>
          tpu.enqueue_indirect_dma source(%arg9 : memref<128x128xf32, #tpu.memory_space<vmem>>) target(%dma_start3A_114 : memref<10112x128xf32, #tpu.memory_space<vmem_shared>>) offsets(%dma_start3A_111 : memref<128xi32, #tpu.memory_space<vmem>>) semaphore(%run_scoped3A : memref<!tpu.dma_semaphore, #tpu.memory_space<semaphore_mem>>) {add = true}
          %dma_wait3A_115 = arith.constant 0 : i32
          %dma_wait3A_116 = tpu.memref_slice %arg8[%add3A_70, %dma_wait3A_115] : memref<40x128xi32, #tpu.memory_space<vmem>> -> memref<1x128xi32, #tpu.memory_space<vmem>>
          %dma_wait3A_117 = tpu.memref_squeeze %dma_wait3A_116 : memref<1x128xi32, #tpu.memory_space<vmem>> -> memref<128xi32, #tpu.memory_space<vmem>>
          %dma_wait3A_118 = arith.constant 0 : i32
          %dma_wait3A_119 = arith.constant 0 : i32
          %dma_wait3A_120 = tpu.memref_slice %arg11[%dma_wait3A_118, %dma_wait3A_119] : memref<10112x128xf32, #tpu.memory_space<vmem_shared>> -> memref<10112x128xf32, #tpu.memory_space<vmem_shared>>
          tpu.wait_indirect_dma semaphore(%run_scoped3A : memref<!tpu.dma_semaphore, #tpu.memory_space<semaphore_mem>>) src(%arg9 : memref<128x128xf32, #tpu.memory_space<vmem>>) dst(%dma_wait3A_120 : memref<10112x128xf32, #tpu.memory_space<vmem_shared>>)
          tpu.yield
        }) : () -> ()
        %add3A_81 = arith.constant 2 : i32
        %add3A_82 = arith.addi %add3A_70, %add3A_81 : i32
        %lt3A = arith.constant 40 : i32
        %lt3A_83 = arith.cmpi slt, %add3A_82, %lt3A : i32
        %convert_element_type3A_84 = arith.extui %lt3A_83 : i1 to i32
        %cond3A_85 = arith.constant 0 : i32
        %cond3A_86 = arith.cmpi ne, %convert_element_type3A_84, %cond3A_85 : i32
        scf.if %cond3A_86 {
          %add3A_109 = arith.constant 2 : i32
          %add3A_110 = arith.addi %add3A_70, %add3A_109 : i32
          %mul3A_111 = arith.constant 128 : i32
          %mul3A_112 = arith.muli %add3A_110, %mul3A_111 : i32
          %add3A_113 = arith.constant 0 : i32
          %add3A_114 = arith.addi %mul3A_112, %add3A_113 : i32
          %dma_start3A_115 = arith.constant 0 : i32
          %dma_start3A_116 = arith.constant 0 : i32
          %dma_start3A_117 = tpu.memref_slice %arg9[%dma_start3A_115, %dma_start3A_116] : memref<128x128xf32, #tpu.memory_space<vmem>> -> memref<128x128xf32, #tpu.memory_space<vmem>>
          %dma_start3A_118 = tpu.memref_slice %arg7[%add3A_114] : memref<5120xi32, #tpu.memory_space<vmem>> -> memref<128xi32, #tpu.memory_space<vmem>>
          %dma_start3A_119 = arith.constant 0 : i32
          %dma_start3A_120 = arith.constant 0 : i32
          %dma_start3A_121 = tpu.memref_slice %arg2[%dma_start3A_119, %dma_start3A_120] : memref<10000x128xf32, #tpu.memory_space<hbm>> -> memref<10000x128xf32, #tpu.memory_space<hbm>>
          tpu.enqueue_indirect_dma source(%dma_start3A_121 : memref<10000x128xf32, #tpu.memory_space<hbm>>) target(%dma_start3A_117 : memref<128x128xf32, #tpu.memory_space<vmem>>) offsets(%dma_start3A_118 : memref<128xi32, #tpu.memory_space<vmem>>) semaphore(%arg12 : memref<!tpu.dma_semaphore, #tpu.memory_space<semaphore_mem>>)
        } else {
        }
        %mul3A_87 = arith.constant 2 : i32
        %mul3A_88 = arith.muli %scan3A_66, %mul3A_87 : i32
        %add3A_89 = arith.constant 1 : i32
        %add3A_90 = arith.addi %mul3A_88, %add3A_89 : i32
        %mul3A_91 = arith.constant 128 : i32
        %mul3A_92 = arith.muli %add3A_90, %mul3A_91 : i32
        %add3A_93 = arith.constant 0 : i32
        %add3A_94 = arith.addi %mul3A_92, %add3A_93 : i32
        %dma_wait3A_95 = arith.constant 0 : i32
        %dma_wait3A_96 = arith.constant 0 : i32
        %dma_wait3A_97 = tpu.memref_slice %arg10[%dma_wait3A_95, %dma_wait3A_96] : memref<128x128xf32, #tpu.memory_space<vmem>> -> memref<128x128xf32, #tpu.memory_space<vmem>>
        %dma_wait3A_98 = tpu.memref_slice %arg7[%add3A_94] : memref<5120xi32, #tpu.memory_space<vmem>> -> memref<128xi32, #tpu.memory_space<vmem>>
        %dma_wait3A_99 = arith.constant 0 : i32
        %dma_wait3A_100 = arith.constant 0 : i32
        %dma_wait3A_101 = tpu.memref_slice %arg2[%dma_wait3A_99, %dma_wait3A_100] : memref<10000x128xf32, #tpu.memory_space<hbm>> -> memref<10000x128xf32, #tpu.memory_space<hbm>>
        tpu.wait_indirect_dma semaphore(%arg13 : memref<!tpu.dma_semaphore, #tpu.memory_space<semaphore_mem>>) src(%dma_wait3A_101 : memref<10000x128xf32, #tpu.memory_space<hbm>>) dst(%dma_wait3A_97 : memref<128x128xf32, #tpu.memory_space<vmem>>)
        "tpu.region"() ({
          %run_scoped3A = tpu.sem_alloc : memref<!tpu.dma_semaphore, #tpu.memory_space<semaphore_mem>>
          %dma_start3A_109 = arith.constant 0 : i32
          %dma_start3A_110 = tpu.memref_slice %arg8[%add3A_90, %dma_start3A_109] : memref<40x128xi32, #tpu.memory_space<vmem>> -> memref<1x128xi32, #tpu.memory_space<vmem>>
          %dma_start3A_111 = tpu.memref_squeeze %dma_start3A_110 : memref<1x128xi32, #tpu.memory_space<vmem>> -> memref<128xi32, #tpu.memory_space<vmem>>
          %dma_start3A_112 = arith.constant 0 : i32
          %dma_start3A_113 = arith.constant 0 : i32
          %dma_start3A_114 = tpu.memref_slice %arg11[%dma_start3A_112, %dma_start3A_113] : memref<10112x128xf32, #tpu.memory_space<vmem_shared>> -> memref<10112x128xf32, #tpu.memory_space<vmem_shared>>
          tpu.enqueue_indirect_dma source(%arg10 : memref<128x128xf32, #tpu.memory_space<vmem>>) target(%dma_start3A_114 : memref<10112x128xf32, #tpu.memory_space<vmem_shared>>) offsets(%dma_start3A_111 : memref<128xi32, #tpu.memory_space<vmem>>) semaphore(%run_scoped3A : memref<!tpu.dma_semaphore, #tpu.memory_space<semaphore_mem>>) {add = true}
          %dma_wait3A_115 = arith.constant 0 : i32
          %dma_wait3A_116 = tpu.memref_slice %arg8[%add3A_90, %dma_wait3A_115] : memref<40x128xi32, #tpu.memory_space<vmem>> -> memref<1x128xi32, #tpu.memory_space<vmem>>
          %dma_wait3A_117 = tpu.memref_squeeze %dma_wait3A_116 : memref<1x128xi32, #tpu.memory_space<vmem>> -> memref<128xi32, #tpu.memory_space<vmem>>
          %dma_wait3A_118 = arith.constant 0 : i32
          %dma_wait3A_119 = arith.constant 0 : i32
          %dma_wait3A_120 = tpu.memref_slice %arg11[%dma_wait3A_118, %dma_wait3A_119] : memref<10112x128xf32, #tpu.memory_space<vmem_shared>> -> memref<10112x128xf32, #tpu.memory_space<vmem_shared>>
          tpu.wait_indirect_dma semaphore(%run_scoped3A : memref<!tpu.dma_semaphore, #tpu.memory_space<semaphore_mem>>) src(%arg10 : memref<128x128xf32, #tpu.memory_space<vmem>>) dst(%dma_wait3A_120 : memref<10112x128xf32, #tpu.memory_space<vmem_shared>>)
          tpu.yield
        }) : () -> ()
        %add3A_102 = arith.constant 2 : i32
        %add3A_103 = arith.addi %add3A_90, %add3A_102 : i32
        %lt3A_104 = arith.constant 40 : i32
        %lt3A_105 = arith.cmpi slt, %add3A_103, %lt3A_104 : i32
        %convert_element_type3A_106 = arith.extui %lt3A_105 : i1 to i32
        %cond3A_107 = arith.constant 0 : i32
        %cond3A_108 = arith.cmpi ne, %convert_element_type3A_106, %cond3A_107 : i32
        scf.if %cond3A_108 {
          %add3A_109 = arith.constant 2 : i32
          %add3A_110 = arith.addi %add3A_90, %add3A_109 : i32
          %mul3A_111 = arith.constant 128 : i32
          %mul3A_112 = arith.muli %add3A_110, %mul3A_111 : i32
          %add3A_113 = arith.constant 0 : i32
          %add3A_114 = arith.addi %mul3A_112, %add3A_113 : i32
          %dma_start3A_115 = arith.constant 0 : i32
          %dma_start3A_116 = arith.constant 0 : i32
          %dma_start3A_117 = tpu.memref_slice %arg10[%dma_start3A_115, %dma_start3A_116] : memref<128x128xf32, #tpu.memory_space<vmem>> -> memref<128x128xf32, #tpu.memory_space<vmem>>
          %dma_start3A_118 = tpu.memref_slice %arg7[%add3A_114] : memref<5120xi32, #tpu.memory_space<vmem>> -> memref<128xi32, #tpu.memory_space<vmem>>
          %dma_start3A_119 = arith.constant 0 : i32
          %dma_start3A_120 = arith.constant 0 : i32
          %dma_start3A_121 = tpu.memref_slice %arg2[%dma_start3A_119, %dma_start3A_120] : memref<10000x128xf32, #tpu.memory_space<hbm>> -> memref<10000x128xf32, #tpu.memory_space<hbm>>
          tpu.enqueue_indirect_dma source(%dma_start3A_121 : memref<10000x128xf32, #tpu.memory_space<hbm>>) target(%dma_start3A_117 : memref<128x128xf32, #tpu.memory_space<vmem>>) offsets(%dma_start3A_118 : memref<128xi32, #tpu.memory_space<vmem>>) semaphore(%arg13 : memref<!tpu.dma_semaphore, #tpu.memory_space<semaphore_mem>>)
        } else {
        }
      }
      %scan3A_65 = arith.constant 20 : i32
    } else {
    }
    %eq3A_5 = arith.constant 1 : i32
    %eq3A_6 = arith.cmpi eq, %arg0, %eq3A_5 : i32
    %convert_element_type3A_7 = arith.extui %eq3A_6 : i1 to i32
    %cond3A_8 = arith.constant 0 : i32
    %cond3A_9 = arith.cmpi ne, %convert_element_type3A_7, %cond3A_8 : i32
    scf.if %cond3A_9 {
      %mul3A_15 = arith.constant 80 : i32
      %mul3A_16 = arith.muli %arg1, %mul3A_15 : i32
      %add3A = arith.constant 1280 : i32
      %add3A_17 = arith.addi %add3A, %mul3A_16 : i32
      %add3A_18 = arith.constant 0 : i32
      %add3A_19 = arith.addi %add3A_17, %add3A_18 : i32
      %mul3A_20 = arith.constant 128 : i32
      %mul3A_21 = arith.muli %add3A_19, %mul3A_20 : i32
      "tpu.region"() ({
        %run_scoped3A = tpu.sem_alloc : memref<!tpu.dma_semaphore, #tpu.memory_space<semaphore_mem>>
        %dma_start3A_68 = tpu.memref_slice %arg3[%mul3A_21] : memref<327680xi32, #tpu.memory_space<hbm>> -> memref<5120xi32, #tpu.memory_space<hbm>>
        %dma_start3A_69 = tpu.memref_slice %arg3[%mul3A_21] : memref<327680xi32, #tpu.memory_space<hbm>> -> memref<5120xi32, #tpu.memory_space<hbm>>
        tpu.enqueue_dma source(%dma_start3A_69 : memref<5120xi32, #tpu.memory_space<hbm>>) target(%arg7 : memref<5120xi32, #tpu.memory_space<vmem>>) target_semaphore(%run_scoped3A : memref<!tpu.dma_semaphore, #tpu.memory_space<semaphore_mem>>)
        %dma_wait3A = tpu.memref_slice %arg3[%mul3A_21] : memref<327680xi32, #tpu.memory_space<hbm>> -> memref<5120xi32, #tpu.memory_space<hbm>>
        %dma_wait3A_70 = tpu.memref_slice %arg3[%mul3A_21] : memref<327680xi32, #tpu.memory_space<hbm>> -> memref<5120xi32, #tpu.memory_space<hbm>>
        tpu.wait_dma2 semaphore(%run_scoped3A : memref<!tpu.dma_semaphore, #tpu.memory_space<semaphore_mem>>) src(%dma_wait3A_70 : memref<5120xi32, #tpu.memory_space<hbm>>) dst(%arg7 : memref<5120xi32, #tpu.memory_space<vmem>>)
        tpu.yield
      }) : () -> ()
      "tpu.region"() ({
        %run_scoped3A = tpu.sem_alloc : memref<!tpu.dma_semaphore, #tpu.memory_space<semaphore_mem>>
        %dma_start3A_68 = arith.constant 0 : i32
        %dma_start3A_69 = tpu.memref_slice %arg4[%add3A_19, %dma_start3A_68] : memref<2560x128xi32, #tpu.memory_space<hbm>> -> memref<40x128xi32, #tpu.memory_space<hbm>>
        %dma_start3A_70 = arith.constant 0 : i32
        %dma_start3A_71 = tpu.memref_slice %arg4[%add3A_19, %dma_start3A_70] : memref<2560x128xi32, #tpu.memory_space<hbm>> -> memref<40x128xi32, #tpu.memory_space<hbm>>
        tpu.enqueue_dma source(%dma_start3A_71 : memref<40x128xi32, #tpu.memory_space<hbm>>) target(%arg8 : memref<40x128xi32, #tpu.memory_space<vmem>>) target_semaphore(%run_scoped3A : memref<!tpu.dma_semaphore, #tpu.memory_space<semaphore_mem>>)
        %dma_wait3A = arith.constant 0 : i32
        %dma_wait3A_72 = tpu.memref_slice %arg4[%add3A_19, %dma_wait3A] : memref<2560x128xi32, #tpu.memory_space<hbm>> -> memref<40x128xi32, #tpu.memory_space<hbm>>
        %dma_wait3A_73 = arith.constant 0 : i32
        %dma_wait3A_74 = tpu.memref_slice %arg4[%add3A_19, %dma_wait3A_73] : memref<2560x128xi32, #tpu.memory_space<hbm>> -> memref<40x128xi32, #tpu.memory_space<hbm>>
        tpu.wait_dma2 semaphore(%run_scoped3A : memref<!tpu.dma_semaphore, #tpu.memory_space<semaphore_mem>>) src(%dma_wait3A_74 : memref<40x128xi32, #tpu.memory_space<hbm>>) dst(%arg8 : memref<40x128xi32, #tpu.memory_space<vmem>>)
        tpu.yield
      }) : () -> ()
      %dma_start3A = arith.constant 0 : i32
      %dma_start3A_22 = arith.constant 0 : i32
      %dma_start3A_23 = tpu.memref_slice %arg9[%dma_start3A, %dma_start3A_22] : memref<128x128xf32, #tpu.memory_space<vmem>> -> memref<128x128xf32, #tpu.memory_space<vmem>>
      %dma_start3A_24 = arith.constant 0 : i32
      %dma_start3A_25 = tpu.memref_slice %arg7[%dma_start3A_24] : memref<5120xi32, #tpu.memory_space<vmem>> -> memref<128xi32, #tpu.memory_space<vmem>>
      %dma_start3A_26 = arith.constant 0 : i32
      %dma_start3A_27 = arith.constant 0 : i32
      %dma_start3A_28 = tpu.memref_slice %arg2[%dma_start3A_26, %dma_start3A_27] : memref<10000x128xf32, #tpu.memory_space<hbm>> -> memref<10000x128xf32, #tpu.memory_space<hbm>>
      tpu.enqueue_indirect_dma source(%dma_start3A_28 : memref<10000x128xf32, #tpu.memory_space<hbm>>) target(%dma_start3A_23 : memref<128x128xf32, #tpu.memory_space<vmem>>) offsets(%dma_start3A_25 : memref<128xi32, #tpu.memory_space<vmem>>) semaphore(%arg12 : memref<!tpu.dma_semaphore, #tpu.memory_space<semaphore_mem>>)
      %dma_start3A_29 = arith.constant 0 : i32
      %dma_start3A_30 = arith.constant 0 : i32
      %dma_start3A_31 = tpu.memref_slice %arg10[%dma_start3A_29, %dma_start3A_30] : memref<128x128xf32, #tpu.memory_space<vmem>> -> memref<128x128xf32, #tpu.memory_space<vmem>>
      %dma_start3A_32 = arith.constant 128 : i32
      %dma_start3A_33 = tpu.memref_slice %arg7[%dma_start3A_32] : memref<5120xi32, #tpu.memory_space<vmem>> -> memref<128xi32, #tpu.memory_space<vmem>>
      %dma_start3A_34 = arith.constant 0 : i32
      %dma_start3A_35 = arith.constant 0 : i32
      %dma_start3A_36 = tpu.memref_slice %arg2[%dma_start3A_34, %dma_start3A_35] : memref<10000x128xf32, #tpu.memory_space<hbm>> -> memref<10000x128xf32, #tpu.memory_space<hbm>>
      tpu.enqueue_indirect_dma source(%dma_start3A_36 : memref<10000x128xf32, #tpu.memory_space<hbm>>) target(%dma_start3A_31 : memref<128x128xf32, #tpu.memory_space<vmem>>) offsets(%dma_start3A_33 : memref<128xi32, #tpu.memory_space<vmem>>) semaphore(%arg13 : memref<!tpu.dma_semaphore, #tpu.memory_space<semaphore_mem>>)
      %scan3A = arith.constant 0 : i32
      %scan3A_37 = arith.constant 0 : i32
      %scan3A_38 = arith.constant 20 : i32
      %scan3A_39 = arith.addi %scan3A_37, %scan3A_38 : i32
      %scan3A_40 = arith.constant 1 : i32
      scf.for %scan3A_68 = %scan3A_37 to %scan3A_39 step %scan3A_40  : i32 {
        %mul3A_69 = arith.constant 2 : i32
        %mul3A_70 = arith.muli %scan3A_68, %mul3A_69 : i32
        %add3A_71 = arith.constant 0 : i32
        %add3A_72 = arith.addi %mul3A_70, %add3A_71 : i32
        %mul3A_73 = arith.constant 128 : i32
        %mul3A_74 = arith.muli %add3A_72, %mul3A_73 : i32
        %add3A_75 = arith.constant 0 : i32
        %add3A_76 = arith.addi %mul3A_74, %add3A_75 : i32
        %dma_wait3A = arith.constant 0 : i32
        %dma_wait3A_77 = arith.constant 0 : i32
        %dma_wait3A_78 = tpu.memref_slice %arg9[%dma_wait3A, %dma_wait3A_77] : memref<128x128xf32, #tpu.memory_space<vmem>> -> memref<128x128xf32, #tpu.memory_space<vmem>>
        %dma_wait3A_79 = tpu.memref_slice %arg7[%add3A_76] : memref<5120xi32, #tpu.memory_space<vmem>> -> memref<128xi32, #tpu.memory_space<vmem>>
        %dma_wait3A_80 = arith.constant 0 : i32
        %dma_wait3A_81 = arith.constant 0 : i32
        %dma_wait3A_82 = tpu.memref_slice %arg2[%dma_wait3A_80, %dma_wait3A_81] : memref<10000x128xf32, #tpu.memory_space<hbm>> -> memref<10000x128xf32, #tpu.memory_space<hbm>>
        tpu.wait_indirect_dma semaphore(%arg12 : memref<!tpu.dma_semaphore, #tpu.memory_space<semaphore_mem>>) src(%dma_wait3A_82 : memref<10000x128xf32, #tpu.memory_space<hbm>>) dst(%dma_wait3A_78 : memref<128x128xf32, #tpu.memory_space<vmem>>)
        "tpu.region"() ({
          %run_scoped3A = tpu.sem_alloc : memref<!tpu.dma_semaphore, #tpu.memory_space<semaphore_mem>>
          %dma_start3A_111 = arith.constant 0 : i32
          %dma_start3A_112 = tpu.memref_slice %arg8[%add3A_72, %dma_start3A_111] : memref<40x128xi32, #tpu.memory_space<vmem>> -> memref<1x128xi32, #tpu.memory_space<vmem>>
          %dma_start3A_113 = tpu.memref_squeeze %dma_start3A_112 : memref<1x128xi32, #tpu.memory_space<vmem>> -> memref<128xi32, #tpu.memory_space<vmem>>
          %dma_start3A_114 = arith.constant 0 : i32
          %dma_start3A_115 = arith.constant 0 : i32
          %dma_start3A_116 = tpu.memref_slice %arg11[%dma_start3A_114, %dma_start3A_115] : memref<10112x128xf32, #tpu.memory_space<vmem_shared>> -> memref<10112x128xf32, #tpu.memory_space<vmem_shared>>
          tpu.enqueue_indirect_dma source(%arg9 : memref<128x128xf32, #tpu.memory_space<vmem>>) target(%dma_start3A_116 : memref<10112x128xf32, #tpu.memory_space<vmem_shared>>) offsets(%dma_start3A_113 : memref<128xi32, #tpu.memory_space<vmem>>) semaphore(%run_scoped3A : memref<!tpu.dma_semaphore, #tpu.memory_space<semaphore_mem>>) {add = true}
          %dma_wait3A_117 = arith.constant 0 : i32
          %dma_wait3A_118 = tpu.memref_slice %arg8[%add3A_72, %dma_wait3A_117] : memref<40x128xi32, #tpu.memory_space<vmem>> -> memref<1x128xi32, #tpu.memory_space<vmem>>
          %dma_wait3A_119 = tpu.memref_squeeze %dma_wait3A_118 : memref<1x128xi32, #tpu.memory_space<vmem>> -> memref<128xi32, #tpu.memory_space<vmem>>
          %dma_wait3A_120 = arith.constant 0 : i32
          %dma_wait3A_121 = arith.constant 0 : i32
          %dma_wait3A_122 = tpu.memref_slice %arg11[%dma_wait3A_120, %dma_wait3A_121] : memref<10112x128xf32, #tpu.memory_space<vmem_shared>> -> memref<10112x128xf32, #tpu.memory_space<vmem_shared>>
          tpu.wait_indirect_dma semaphore(%run_scoped3A : memref<!tpu.dma_semaphore, #tpu.memory_space<semaphore_mem>>) src(%arg9 : memref<128x128xf32, #tpu.memory_space<vmem>>) dst(%dma_wait3A_122 : memref<10112x128xf32, #tpu.memory_space<vmem_shared>>)
          tpu.yield
        }) : () -> ()
        %add3A_83 = arith.constant 2 : i32
        %add3A_84 = arith.addi %add3A_72, %add3A_83 : i32
        %lt3A = arith.constant 40 : i32
        %lt3A_85 = arith.cmpi slt, %add3A_84, %lt3A : i32
        %convert_element_type3A_86 = arith.extui %lt3A_85 : i1 to i32
        %cond3A_87 = arith.constant 0 : i32
        %cond3A_88 = arith.cmpi ne, %convert_element_type3A_86, %cond3A_87 : i32
        scf.if %cond3A_88 {
          %add3A_111 = arith.constant 2 : i32
          %add3A_112 = arith.addi %add3A_72, %add3A_111 : i32
          %mul3A_113 = arith.constant 128 : i32
          %mul3A_114 = arith.muli %add3A_112, %mul3A_113 : i32
          %add3A_115 = arith.constant 0 : i32
          %add3A_116 = arith.addi %mul3A_114, %add3A_115 : i32
          %dma_start3A_117 = arith.constant 0 : i32
          %dma_start3A_118 = arith.constant 0 : i32
          %dma_start3A_119 = tpu.memref_slice %arg9[%dma_start3A_117, %dma_start3A_118] : memref<128x128xf32, #tpu.memory_space<vmem>> -> memref<128x128xf32, #tpu.memory_space<vmem>>
          %dma_start3A_120 = tpu.memref_slice %arg7[%add3A_116] : memref<5120xi32, #tpu.memory_space<vmem>> -> memref<128xi32, #tpu.memory_space<vmem>>
          %dma_start3A_121 = arith.constant 0 : i32
          %dma_start3A_122 = arith.constant 0 : i32
          %dma_start3A_123 = tpu.memref_slice %arg2[%dma_start3A_121, %dma_start3A_122] : memref<10000x128xf32, #tpu.memory_space<hbm>> -> memref<10000x128xf32, #tpu.memory_space<hbm>>
          tpu.enqueue_indirect_dma source(%dma_start3A_123 : memref<10000x128xf32, #tpu.memory_space<hbm>>) target(%dma_start3A_119 : memref<128x128xf32, #tpu.memory_space<vmem>>) offsets(%dma_start3A_120 : memref<128xi32, #tpu.memory_space<vmem>>) semaphore(%arg12 : memref<!tpu.dma_semaphore, #tpu.memory_space<semaphore_mem>>)
        } else {
        }
        %mul3A_89 = arith.constant 2 : i32
        %mul3A_90 = arith.muli %scan3A_68, %mul3A_89 : i32
        %add3A_91 = arith.constant 1 : i32
        %add3A_92 = arith.addi %mul3A_90, %add3A_91 : i32
        %mul3A_93 = arith.constant 128 : i32
        %mul3A_94 = arith.muli %add3A_92, %mul3A_93 : i32
        %add3A_95 = arith.constant 0 : i32
        %add3A_96 = arith.addi %mul3A_94, %add3A_95 : i32
        %dma_wait3A_97 = arith.constant 0 : i32
        %dma_wait3A_98 = arith.constant 0 : i32
        %dma_wait3A_99 = tpu.memref_slice %arg10[%dma_wait3A_97, %dma_wait3A_98] : memref<128x128xf32, #tpu.memory_space<vmem>> -> memref<128x128xf32, #tpu.memory_space<vmem>>
        %dma_wait3A_100 = tpu.memref_slice %arg7[%add3A_96] : memref<5120xi32, #tpu.memory_space<vmem>> -> memref<128xi32, #tpu.memory_space<vmem>>
        %dma_wait3A_101 = arith.constant 0 : i32
        %dma_wait3A_102 = arith.constant 0 : i32
        %dma_wait3A_103 = tpu.memref_slice %arg2[%dma_wait3A_101, %dma_wait3A_102] : memref<10000x128xf32, #tpu.memory_space<hbm>> -> memref<10000x128xf32, #tpu.memory_space<hbm>>
        tpu.wait_indirect_dma semaphore(%arg13 : memref<!tpu.dma_semaphore, #tpu.memory_space<semaphore_mem>>) src(%dma_wait3A_103 : memref<10000x128xf32, #tpu.memory_space<hbm>>) dst(%dma_wait3A_99 : memref<128x128xf32, #tpu.memory_space<vmem>>)
        "tpu.region"() ({
          %run_scoped3A = tpu.sem_alloc : memref<!tpu.dma_semaphore, #tpu.memory_space<semaphore_mem>>
          %dma_start3A_111 = arith.constant 0 : i32
          %dma_start3A_112 = tpu.memref_slice %arg8[%add3A_92, %dma_start3A_111] : memref<40x128xi32, #tpu.memory_space<vmem>> -> memref<1x128xi32, #tpu.memory_space<vmem>>
          %dma_start3A_113 = tpu.memref_squeeze %dma_start3A_112 : memref<1x128xi32, #tpu.memory_space<vmem>> -> memref<128xi32, #tpu.memory_space<vmem>>
          %dma_start3A_114 = arith.constant 0 : i32
          %dma_start3A_115 = arith.constant 0 : i32
          %dma_start3A_116 = tpu.memref_slice %arg11[%dma_start3A_114, %dma_start3A_115] : memref<10112x128xf32, #tpu.memory_space<vmem_shared>> -> memref<10112x128xf32, #tpu.memory_space<vmem_shared>>
          tpu.enqueue_indirect_dma source(%arg10 : memref<128x128xf32, #tpu.memory_space<vmem>>) target(%dma_start3A_116 : memref<10112x128xf32, #tpu.memory_space<vmem_shared>>) offsets(%dma_start3A_113 : memref<128xi32, #tpu.memory_space<vmem>>) semaphore(%run_scoped3A : memref<!tpu.dma_semaphore, #tpu.memory_space<semaphore_mem>>) {add = true}
          %dma_wait3A_117 = arith.constant 0 : i32
          %dma_wait3A_118 = tpu.memref_slice %arg8[%add3A_92, %dma_wait3A_117] : memref<40x128xi32, #tpu.memory_space<vmem>> -> memref<1x128xi32, #tpu.memory_space<vmem>>
          %dma_wait3A_119 = tpu.memref_squeeze %dma_wait3A_118 : memref<1x128xi32, #tpu.memory_space<vmem>> -> memref<128xi32, #tpu.memory_space<vmem>>
          %dma_wait3A_120 = arith.constant 0 : i32
          %dma_wait3A_121 = arith.constant 0 : i32
          %dma_wait3A_122 = tpu.memref_slice %arg11[%dma_wait3A_120, %dma_wait3A_121] : memref<10112x128xf32, #tpu.memory_space<vmem_shared>> -> memref<10112x128xf32, #tpu.memory_space<vmem_shared>>
          tpu.wait_indirect_dma semaphore(%run_scoped3A : memref<!tpu.dma_semaphore, #tpu.memory_space<semaphore_mem>>) src(%arg10 : memref<128x128xf32, #tpu.memory_space<vmem>>) dst(%dma_wait3A_122 : memref<10112x128xf32, #tpu.memory_space<vmem_shared>>)
          tpu.yield
        }) : () -> ()
        %add3A_104 = arith.constant 2 : i32
        %add3A_105 = arith.addi %add3A_92, %add3A_104 : i32
        %lt3A_106 = arith.constant 40 : i32
        %lt3A_107 = arith.cmpi slt, %add3A_105, %lt3A_106 : i32
        %convert_element_type3A_108 = arith.extui %lt3A_107 : i1 to i32
        %cond3A_109 = arith.constant 0 : i32
        %cond3A_110 = arith.cmpi ne, %convert_element_type3A_108, %cond3A_109 : i32
        scf.if %cond3A_110 {
          %add3A_111 = arith.constant 2 : i32
          %add3A_112 = arith.addi %add3A_92, %add3A_111 : i32
          %mul3A_113 = arith.constant 128 : i32
          %mul3A_114 = arith.muli %add3A_112, %mul3A_113 : i32
          %add3A_115 = arith.constant 0 : i32
          %add3A_116 = arith.addi %mul3A_114, %add3A_115 : i32
          %dma_start3A_117 = arith.constant 0 : i32
          %dma_start3A_118 = arith.constant 0 : i32
          %dma_start3A_119 = tpu.memref_slice %arg10[%dma_start3A_117, %dma_start3A_118] : memref<128x128xf32, #tpu.memory_space<vmem>> -> memref<128x128xf32, #tpu.memory_space<vmem>>
          %dma_start3A_120 = tpu.memref_slice %arg7[%add3A_116] : memref<5120xi32, #tpu.memory_space<vmem>> -> memref<128xi32, #tpu.memory_space<vmem>>
          %dma_start3A_121 = arith.constant 0 : i32
          %dma_start3A_122 = arith.constant 0 : i32
          %dma_start3A_123 = tpu.memref_slice %arg2[%dma_start3A_121, %dma_start3A_122] : memref<10000x128xf32, #tpu.memory_space<hbm>> -> memref<10000x128xf32, #tpu.memory_space<hbm>>
          tpu.enqueue_indirect_dma source(%dma_start3A_123 : memref<10000x128xf32, #tpu.memory_space<hbm>>) target(%dma_start3A_119 : memref<128x128xf32, #tpu.memory_space<vmem>>) offsets(%dma_start3A_120 : memref<128xi32, #tpu.memory_space<vmem>>) semaphore(%arg13 : memref<!tpu.dma_semaphore, #tpu.memory_space<semaphore_mem>>)
        } else {
        }
      }
      %scan3A_41 = arith.constant 20 : i32
      %add3A_42 = arith.constant 40 : i32
      %add3A_43 = arith.addi %add3A_17, %add3A_42 : i32
      %mul3A_44 = arith.constant 128 : i32
      %mul3A_45 = arith.muli %add3A_43, %mul3A_44 : i32
      "tpu.region"() ({
        %run_scoped3A = tpu.sem_alloc : memref<!tpu.dma_semaphore, #tpu.memory_space<semaphore_mem>>
        %dma_start3A_68 = tpu.memref_slice %arg3[%mul3A_45] : memref<327680xi32, #tpu.memory_space<hbm>> -> memref<5120xi32, #tpu.memory_space<hbm>>
        %dma_start3A_69 = tpu.memref_slice %arg3[%mul3A_45] : memref<327680xi32, #tpu.memory_space<hbm>> -> memref<5120xi32, #tpu.memory_space<hbm>>
        tpu.enqueue_dma source(%dma_start3A_69 : memref<5120xi32, #tpu.memory_space<hbm>>) target(%arg7 : memref<5120xi32, #tpu.memory_space<vmem>>) target_semaphore(%run_scoped3A : memref<!tpu.dma_semaphore, #tpu.memory_space<semaphore_mem>>)
        %dma_wait3A = tpu.memref_slice %arg3[%mul3A_45] : memref<327680xi32, #tpu.memory_space<hbm>> -> memref<5120xi32, #tpu.memory_space<hbm>>
        %dma_wait3A_70 = tpu.memref_slice %arg3[%mul3A_45] : memref<327680xi32, #tpu.memory_space<hbm>> -> memref<5120xi32, #tpu.memory_space<hbm>>
        tpu.wait_dma2 semaphore(%run_scoped3A : memref<!tpu.dma_semaphore, #tpu.memory_space<semaphore_mem>>) src(%dma_wait3A_70 : memref<5120xi32, #tpu.memory_space<hbm>>) dst(%arg7 : memref<5120xi32, #tpu.memory_space<vmem>>)
        tpu.yield
      }) : () -> ()
      "tpu.region"() ({
        %run_scoped3A = tpu.sem_alloc : memref<!tpu.dma_semaphore, #tpu.memory_space<semaphore_mem>>
        %dma_start3A_68 = arith.constant 0 : i32
        %dma_start3A_69 = tpu.memref_slice %arg4[%add3A_43, %dma_start3A_68] : memref<2560x128xi32, #tpu.memory_space<hbm>> -> memref<40x128xi32, #tpu.memory_space<hbm>>
        %dma_start3A_70 = arith.constant 0 : i32
        %dma_start3A_71 = tpu.memref_slice %arg4[%add3A_43, %dma_start3A_70] : memref<2560x128xi32, #tpu.memory_space<hbm>> -> memref<40x128xi32, #tpu.memory_space<hbm>>
        tpu.enqueue_dma source(%dma_start3A_71 : memref<40x128xi32, #tpu.memory_space<hbm>>) target(%arg8 : memref<40x128xi32, #tpu.memory_space<vmem>>) target_semaphore(%run_scoped3A : memref<!tpu.dma_semaphore, #tpu.memory_space<semaphore_mem>>)
        %dma_wait3A = arith.constant 0 : i32
        %dma_wait3A_72 = tpu.memref_slice %arg4[%add3A_43, %dma_wait3A] : memref<2560x128xi32, #tpu.memory_space<hbm>> -> memref<40x128xi32, #tpu.memory_space<hbm>>
        %dma_wait3A_73 = arith.constant 0 : i32
        %dma_wait3A_74 = tpu.memref_slice %arg4[%add3A_43, %dma_wait3A_73] : memref<2560x128xi32, #tpu.memory_space<hbm>> -> memref<40x128xi32, #tpu.memory_space<hbm>>
        tpu.wait_dma2 semaphore(%run_scoped3A : memref<!tpu.dma_semaphore, #tpu.memory_space<semaphore_mem>>) src(%dma_wait3A_74 : memref<40x128xi32, #tpu.memory_space<hbm>>) dst(%arg8 : memref<40x128xi32, #tpu.memory_space<vmem>>)
        tpu.yield
      }) : () -> ()
      %dma_start3A_46 = arith.constant 0 : i32
      %dma_start3A_47 = arith.constant 0 : i32
      %dma_start3A_48 = tpu.memref_slice %arg9[%dma_start3A_46, %dma_start3A_47] : memref<128x128xf32, #tpu.memory_space<vmem>> -> memref<128x128xf32, #tpu.memory_space<vmem>>
      %dma_start3A_49 = arith.constant 0 : i32
      %dma_start3A_50 = tpu.memref_slice %arg7[%dma_start3A_49] : memref<5120xi32, #tpu.memory_space<vmem>> -> memref<128xi32, #tpu.memory_space<vmem>>
      %dma_start3A_51 = arith.constant 0 : i32
      %dma_start3A_52 = arith.constant 0 : i32
      %dma_start3A_53 = tpu.memref_slice %arg2[%dma_start3A_51, %dma_start3A_52] : memref<10000x128xf32, #tpu.memory_space<hbm>> -> memref<10000x128xf32, #tpu.memory_space<hbm>>
      tpu.enqueue_indirect_dma source(%dma_start3A_53 : memref<10000x128xf32, #tpu.memory_space<hbm>>) target(%dma_start3A_48 : memref<128x128xf32, #tpu.memory_space<vmem>>) offsets(%dma_start3A_50 : memref<128xi32, #tpu.memory_space<vmem>>) semaphore(%arg12 : memref<!tpu.dma_semaphore, #tpu.memory_space<semaphore_mem>>)
      %dma_start3A_54 = arith.constant 0 : i32
      %dma_start3A_55 = arith.constant 0 : i32
      %dma_start3A_56 = tpu.memref_slice %arg10[%dma_start3A_54, %dma_start3A_55] : memref<128x128xf32, #tpu.memory_space<vmem>> -> memref<128x128xf32, #tpu.memory_space<vmem>>
      %dma_start3A_57 = arith.constant 128 : i32
      %dma_start3A_58 = tpu.memref_slice %arg7[%dma_start3A_57] : memref<5120xi32, #tpu.memory_space<vmem>> -> memref<128xi32, #tpu.memory_space<vmem>>
      %dma_start3A_59 = arith.constant 0 : i32
      %dma_start3A_60 = arith.constant 0 : i32
      %dma_start3A_61 = tpu.memref_slice %arg2[%dma_start3A_59, %dma_start3A_60] : memref<10000x128xf32, #tpu.memory_space<hbm>> -> memref<10000x128xf32, #tpu.memory_space<hbm>>
      tpu.enqueue_indirect_dma source(%dma_start3A_61 : memref<10000x128xf32, #tpu.memory_space<hbm>>) target(%dma_start3A_56 : memref<128x128xf32, #tpu.memory_space<vmem>>) offsets(%dma_start3A_58 : memref<128xi32, #tpu.memory_space<vmem>>) semaphore(%arg13 : memref<!tpu.dma_semaphore, #tpu.memory_space<semaphore_mem>>)
      %scan3A_62 = arith.constant 0 : i32
      %scan3A_63 = arith.constant 0 : i32
      %scan3A_64 = arith.constant 20 : i32
      %scan3A_65 = arith.addi %scan3A_63, %scan3A_64 : i32
      %scan3A_66 = arith.constant 1 : i32
      scf.for %scan3A_68 = %scan3A_63 to %scan3A_65 step %scan3A_66  : i32 {
        %mul3A_69 = arith.constant 2 : i32
        %mul3A_70 = arith.muli %scan3A_68, %mul3A_69 : i32
        %add3A_71 = arith.constant 0 : i32
        %add3A_72 = arith.addi %mul3A_70, %add3A_71 : i32
        %mul3A_73 = arith.constant 128 : i32
        %mul3A_74 = arith.muli %add3A_72, %mul3A_73 : i32
        %add3A_75 = arith.constant 0 : i32
        %add3A_76 = arith.addi %mul3A_74, %add3A_75 : i32
        %dma_wait3A = arith.constant 0 : i32
        %dma_wait3A_77 = arith.constant 0 : i32
        %dma_wait3A_78 = tpu.memref_slice %arg9[%dma_wait3A, %dma_wait3A_77] : memref<128x128xf32, #tpu.memory_space<vmem>> -> memref<128x128xf32, #tpu.memory_space<vmem>>
        %dma_wait3A_79 = tpu.memref_slice %arg7[%add3A_76] : memref<5120xi32, #tpu.memory_space<vmem>> -> memref<128xi32, #tpu.memory_space<vmem>>
        %dma_wait3A_80 = arith.constant 0 : i32
        %dma_wait3A_81 = arith.constant 0 : i32
        %dma_wait3A_82 = tpu.memref_slice %arg2[%dma_wait3A_80, %dma_wait3A_81] : memref<10000x128xf32, #tpu.memory_space<hbm>> -> memref<10000x128xf32, #tpu.memory_space<hbm>>
        tpu.wait_indirect_dma semaphore(%arg12 : memref<!tpu.dma_semaphore, #tpu.memory_space<semaphore_mem>>) src(%dma_wait3A_82 : memref<10000x128xf32, #tpu.memory_space<hbm>>) dst(%dma_wait3A_78 : memref<128x128xf32, #tpu.memory_space<vmem>>)
        "tpu.region"() ({
          %run_scoped3A = tpu.sem_alloc : memref<!tpu.dma_semaphore, #tpu.memory_space<semaphore_mem>>
          %dma_start3A_111 = arith.constant 0 : i32
          %dma_start3A_112 = tpu.memref_slice %arg8[%add3A_72, %dma_start3A_111] : memref<40x128xi32, #tpu.memory_space<vmem>> -> memref<1x128xi32, #tpu.memory_space<vmem>>
          %dma_start3A_113 = tpu.memref_squeeze %dma_start3A_112 : memref<1x128xi32, #tpu.memory_space<vmem>> -> memref<128xi32, #tpu.memory_space<vmem>>
          %dma_start3A_114 = arith.constant 0 : i32
          %dma_start3A_115 = arith.constant 0 : i32
          %dma_start3A_116 = tpu.memref_slice %arg11[%dma_start3A_114, %dma_start3A_115] : memref<10112x128xf32, #tpu.memory_space<vmem_shared>> -> memref<10112x128xf32, #tpu.memory_space<vmem_shared>>
          tpu.enqueue_indirect_dma source(%arg9 : memref<128x128xf32, #tpu.memory_space<vmem>>) target(%dma_start3A_116 : memref<10112x128xf32, #tpu.memory_space<vmem_shared>>) offsets(%dma_start3A_113 : memref<128xi32, #tpu.memory_space<vmem>>) semaphore(%run_scoped3A : memref<!tpu.dma_semaphore, #tpu.memory_space<semaphore_mem>>) {add = true}
          %dma_wait3A_117 = arith.constant 0 : i32
          %dma_wait3A_118 = tpu.memref_slice %arg8[%add3A_72, %dma_wait3A_117] : memref<40x128xi32, #tpu.memory_space<vmem>> -> memref<1x128xi32, #tpu.memory_space<vmem>>
          %dma_wait3A_119 = tpu.memref_squeeze %dma_wait3A_118 : memref<1x128xi32, #tpu.memory_space<vmem>> -> memref<128xi32, #tpu.memory_space<vmem>>
          %dma_wait3A_120 = arith.constant 0 : i32
          %dma_wait3A_121 = arith.constant 0 : i32
          %dma_wait3A_122 = tpu.memref_slice %arg11[%dma_wait3A_120, %dma_wait3A_121] : memref<10112x128xf32, #tpu.memory_space<vmem_shared>> -> memref<10112x128xf32, #tpu.memory_space<vmem_shared>>
          tpu.wait_indirect_dma semaphore(%run_scoped3A : memref<!tpu.dma_semaphore, #tpu.memory_space<semaphore_mem>>) src(%arg9 : memref<128x128xf32, #tpu.memory_space<vmem>>) dst(%dma_wait3A_122 : memref<10112x128xf32, #tpu.memory_space<vmem_shared>>)
          tpu.yield
        }) : () -> ()
        %add3A_83 = arith.constant 2 : i32
        %add3A_84 = arith.addi %add3A_72, %add3A_83 : i32
        %lt3A = arith.constant 40 : i32
        %lt3A_85 = arith.cmpi slt, %add3A_84, %lt3A : i32
        %convert_element_type3A_86 = arith.extui %lt3A_85 : i1 to i32
        %cond3A_87 = arith.constant 0 : i32
        %cond3A_88 = arith.cmpi ne, %convert_element_type3A_86, %cond3A_87 : i32
        scf.if %cond3A_88 {
          %add3A_111 = arith.constant 2 : i32
          %add3A_112 = arith.addi %add3A_72, %add3A_111 : i32
          %mul3A_113 = arith.constant 128 : i32
          %mul3A_114 = arith.muli %add3A_112, %mul3A_113 : i32
          %add3A_115 = arith.constant 0 : i32
          %add3A_116 = arith.addi %mul3A_114, %add3A_115 : i32
          %dma_start3A_117 = arith.constant 0 : i32
          %dma_start3A_118 = arith.constant 0 : i32
          %dma_start3A_119 = tpu.memref_slice %arg9[%dma_start3A_117, %dma_start3A_118] : memref<128x128xf32, #tpu.memory_space<vmem>> -> memref<128x128xf32, #tpu.memory_space<vmem>>
          %dma_start3A_120 = tpu.memref_slice %arg7[%add3A_116] : memref<5120xi32, #tpu.memory_space<vmem>> -> memref<128xi32, #tpu.memory_space<vmem>>
          %dma_start3A_121 = arith.constant 0 : i32
          %dma_start3A_122 = arith.constant 0 : i32
          %dma_start3A_123 = tpu.memref_slice %arg2[%dma_start3A_121, %dma_start3A_122] : memref<10000x128xf32, #tpu.memory_space<hbm>> -> memref<10000x128xf32, #tpu.memory_space<hbm>>
          tpu.enqueue_indirect_dma source(%dma_start3A_123 : memref<10000x128xf32, #tpu.memory_space<hbm>>) target(%dma_start3A_119 : memref<128x128xf32, #tpu.memory_space<vmem>>) offsets(%dma_start3A_120 : memref<128xi32, #tpu.memory_space<vmem>>) semaphore(%arg12 : memref<!tpu.dma_semaphore, #tpu.memory_space<semaphore_mem>>)
        } else {
        }
        %mul3A_89 = arith.constant 2 : i32
        %mul3A_90 = arith.muli %scan3A_68, %mul3A_89 : i32
        %add3A_91 = arith.constant 1 : i32
        %add3A_92 = arith.addi %mul3A_90, %add3A_91 : i32
        %mul3A_93 = arith.constant 128 : i32
        %mul3A_94 = arith.muli %add3A_92, %mul3A_93 : i32
        %add3A_95 = arith.constant 0 : i32
        %add3A_96 = arith.addi %mul3A_94, %add3A_95 : i32
        %dma_wait3A_97 = arith.constant 0 : i32
        %dma_wait3A_98 = arith.constant 0 : i32
        %dma_wait3A_99 = tpu.memref_slice %arg10[%dma_wait3A_97, %dma_wait3A_98] : memref<128x128xf32, #tpu.memory_space<vmem>> -> memref<128x128xf32, #tpu.memory_space<vmem>>
        %dma_wait3A_100 = tpu.memref_slice %arg7[%add3A_96] : memref<5120xi32, #tpu.memory_space<vmem>> -> memref<128xi32, #tpu.memory_space<vmem>>
        %dma_wait3A_101 = arith.constant 0 : i32
        %dma_wait3A_102 = arith.constant 0 : i32
        %dma_wait3A_103 = tpu.memref_slice %arg2[%dma_wait3A_101, %dma_wait3A_102] : memref<10000x128xf32, #tpu.memory_space<hbm>> -> memref<10000x128xf32, #tpu.memory_space<hbm>>
        tpu.wait_indirect_dma semaphore(%arg13 : memref<!tpu.dma_semaphore, #tpu.memory_space<semaphore_mem>>) src(%dma_wait3A_103 : memref<10000x128xf32, #tpu.memory_space<hbm>>) dst(%dma_wait3A_99 : memref<128x128xf32, #tpu.memory_space<vmem>>)
        "tpu.region"() ({
          %run_scoped3A = tpu.sem_alloc : memref<!tpu.dma_semaphore, #tpu.memory_space<semaphore_mem>>
          %dma_start3A_111 = arith.constant 0 : i32
          %dma_start3A_112 = tpu.memref_slice %arg8[%add3A_92, %dma_start3A_111] : memref<40x128xi32, #tpu.memory_space<vmem>> -> memref<1x128xi32, #tpu.memory_space<vmem>>
          %dma_start3A_113 = tpu.memref_squeeze %dma_start3A_112 : memref<1x128xi32, #tpu.memory_space<vmem>> -> memref<128xi32, #tpu.memory_space<vmem>>
          %dma_start3A_114 = arith.constant 0 : i32
          %dma_start3A_115 = arith.constant 0 : i32
          %dma_start3A_116 = tpu.memref_slice %arg11[%dma_start3A_114, %dma_start3A_115] : memref<10112x128xf32, #tpu.memory_space<vmem_shared>> -> memref<10112x128xf32, #tpu.memory_space<vmem_shared>>
          tpu.enqueue_indirect_dma source(%arg10 : memref<128x128xf32, #tpu.memory_space<vmem>>) target(%dma_start3A_116 : memref<10112x128xf32, #tpu.memory_space<vmem_shared>>) offsets(%dma_start3A_113 : memref<128xi32, #tpu.memory_space<vmem>>) semaphore(%run_scoped3A : memref<!tpu.dma_semaphore, #tpu.memory_space<semaphore_mem>>) {add = true}
          %dma_wait3A_117 = arith.constant 0 : i32
          %dma_wait3A_118 = tpu.memref_slice %arg8[%add3A_92, %dma_wait3A_117] : memref<40x128xi32, #tpu.memory_space<vmem>> -> memref<1x128xi32, #tpu.memory_space<vmem>>
          %dma_wait3A_119 = tpu.memref_squeeze %dma_wait3A_118 : memref<1x128xi32, #tpu.memory_space<vmem>> -> memref<128xi32, #tpu.memory_space<vmem>>
          %dma_wait3A_120 = arith.constant 0 : i32
          %dma_wait3A_121 = arith.constant 0 : i32
          %dma_wait3A_122 = tpu.memref_slice %arg11[%dma_wait3A_120, %dma_wait3A_121] : memref<10112x128xf32, #tpu.memory_space<vmem_shared>> -> memref<10112x128xf32, #tpu.memory_space<vmem_shared>>
          tpu.wait_indirect_dma semaphore(%run_scoped3A : memref<!tpu.dma_semaphore, #tpu.memory_space<semaphore_mem>>) src(%arg10 : memref<128x128xf32, #tpu.memory_space<vmem>>) dst(%dma_wait3A_122 : memref<10112x128xf32, #tpu.memory_space<vmem_shared>>)
          tpu.yield
        }) : () -> ()
        %add3A_104 = arith.constant 2 : i32
        %add3A_105 = arith.addi %add3A_92, %add3A_104 : i32
        %lt3A_106 = arith.constant 40 : i32
        %lt3A_107 = arith.cmpi slt, %add3A_105, %lt3A_106 : i32
        %convert_element_type3A_108 = arith.extui %lt3A_107 : i1 to i32
        %cond3A_109 = arith.constant 0 : i32
        %cond3A_110 = arith.cmpi ne, %convert_element_type3A_108, %cond3A_109 : i32
        scf.if %cond3A_110 {
          %add3A_111 = arith.constant 2 : i32
          %add3A_112 = arith.addi %add3A_92, %add3A_111 : i32
          %mul3A_113 = arith.constant 128 : i32
          %mul3A_114 = arith.muli %add3A_112, %mul3A_113 : i32
          %add3A_115 = arith.constant 0 : i32
          %add3A_116 = arith.addi %mul3A_114, %add3A_115 : i32
          %dma_start3A_117 = arith.constant 0 : i32
          %dma_start3A_118 = arith.constant 0 : i32
          %dma_start3A_119 = tpu.memref_slice %arg10[%dma_start3A_117, %dma_start3A_118] : memref<128x128xf32, #tpu.memory_space<vmem>> -> memref<128x128xf32, #tpu.memory_space<vmem>>
          %dma_start3A_120 = tpu.memref_slice %arg7[%add3A_116] : memref<5120xi32, #tpu.memory_space<vmem>> -> memref<128xi32, #tpu.memory_space<vmem>>
          %dma_start3A_121 = arith.constant 0 : i32
          %dma_start3A_122 = arith.constant 0 : i32
          %dma_start3A_123 = tpu.memref_slice %arg2[%dma_start3A_121, %dma_start3A_122] : memref<10000x128xf32, #tpu.memory_space<hbm>> -> memref<10000x128xf32, #tpu.memory_space<hbm>>
          tpu.enqueue_indirect_dma source(%dma_start3A_123 : memref<10000x128xf32, #tpu.memory_space<hbm>>) target(%dma_start3A_119 : memref<128x128xf32, #tpu.memory_space<vmem>>) offsets(%dma_start3A_120 : memref<128xi32, #tpu.memory_space<vmem>>) semaphore(%arg13 : memref<!tpu.dma_semaphore, #tpu.memory_space<semaphore_mem>>)
        } else {
        }
      }
      %scan3A_67 = arith.constant 20 : i32
    } else {
    }
    %barrier3A_10 = arith.constant 0 : index
    tpu.barrier barrier_id(%barrier3A_10)
    %mul3A_11 = arith.constant 632 : i32
    %mul3A_12 = arith.muli %arg1, %mul3A_11 : i32
    %mul3A_13 = arith.constant 632 : i32
    %mul3A_14 = arith.muli %arg1, %mul3A_13 : i32
    "tpu.region"() ({
      %run_scoped3A = tpu.sem_alloc : memref<!tpu.dma_semaphore, #tpu.memory_space<semaphore_mem>>
      %dma_start3A = arith.constant 0 : i32
      %dma_start3A_15 = tpu.memref_slice %arg6[%arg0, %mul3A_14, %dma_start3A] : memref<2x10112x128xf32, #tpu.memory_space<hbm>> -> memref<1x632x128xf32, #tpu.memory_space<hbm>>
      %dma_start3A_16 = tpu.memref_squeeze %dma_start3A_15 : memref<1x632x128xf32, #tpu.memory_space<hbm>> -> memref<632x128xf32, #tpu.memory_space<hbm>>
      %dma_start3A_17 = arith.constant 0 : i32
      %dma_start3A_18 = tpu.memref_slice %arg11[%mul3A_12, %dma_start3A_17] : memref<10112x128xf32, #tpu.memory_space<vmem_shared>> -> memref<632x128xf32, #tpu.memory_space<vmem_shared>>
      tpu.enqueue_dma source(%dma_start3A_18 : memref<632x128xf32, #tpu.memory_space<vmem_shared>>) target(%dma_start3A_16 : memref<632x128xf32, #tpu.memory_space<hbm>>) target_semaphore(%run_scoped3A : memref<!tpu.dma_semaphore, #tpu.memory_space<semaphore_mem>>)
      %dma_wait3A = arith.constant 0 : i32
      %dma_wait3A_19 = tpu.memref_slice %arg6[%arg0, %mul3A_14, %dma_wait3A] : memref<2x10112x128xf32, #tpu.memory_space<hbm>> -> memref<1x632x128xf32, #tpu.memory_space<hbm>>
      %dma_wait3A_20 = tpu.memref_squeeze %dma_wait3A_19 : memref<1x632x128xf32, #tpu.memory_space<hbm>> -> memref<632x128xf32, #tpu.memory_space<hbm>>
      %dma_wait3A_21 = arith.constant 0 : i32
      %dma_wait3A_22 = tpu.memref_slice %arg11[%mul3A_12, %dma_wait3A_21] : memref<10112x128xf32, #tpu.memory_space<vmem_shared>> -> memref<632x128xf32, #tpu.memory_space<vmem_shared>>
      tpu.wait_dma2 semaphore(%run_scoped3A : memref<!tpu.dma_semaphore, #tpu.memory_space<semaphore_mem>>) src(%dma_wait3A_22 : memref<632x128xf32, #tpu.memory_space<vmem_shared>>) dst(%dma_wait3A_20 : memref<632x128xf32, #tpu.memory_space<hbm>>)
      tpu.yield
    }) : () -> ()
    return
  }
}

#map = affine_map<(d0, d1) -> (0, 0)>
#map1 = affine_map<(d0, d1) -> (0)>
#map2 = affine_map<(d0, d1) -> (0, 0, 0)>
module attributes {stable_mosaic.version = 14 : i64} {
  func.func @_agg_kernel(%arg0: i32, %arg1: i32, %arg2: memref<10000x128xf32, #tpu.memory_space<hbm>>, %arg3: memref<327680xi32, #tpu.memory_space<hbm>>, %arg4: memref<2560x128xi32, #tpu.memory_space<hbm>>, %arg5: memref<10112x128xf32, #tpu.memory_space<hbm>>, %arg6: memref<2x10112x128xf32, #tpu.memory_space<hbm>>, %arg7: memref<5120xi32, #tpu.memory_space<vmem>>, %arg8: memref<40x128xi32, #tpu.memory_space<vmem>>, %arg9: memref<128x128xf32, #tpu.memory_space<vmem>>, %arg10: memref<128x128xf32, #tpu.memory_space<vmem>>, %arg11: memref<10112x128xf32, #tpu.memory_space<vmem_shared>>, %arg12: memref<!tpu.dma_semaphore, #tpu.memory_space<semaphore_mem>>, %arg13: memref<!tpu.dma_semaphore, #tpu.memory_space<semaphore_mem>>) attributes {dimension_semantics = [#tpu.dimension_semantics<core_parallel>, #tpu.dimension_semantics<subcore_parallel>], iteration_bounds = array<i64: 2, 16>, scalar_prefetch = 0 : i64, scratch_operands = 7 : i64, tpu.core_type = #tpu.core_type<sc_vector_subcore>, window_params = [{transform_indices = #map}, {transform_indices = #map1}, {transform_indices = #map}, {transform_indices = #map}, {transform_indices = #map2}]} {
    %mul3A = arith.constant 632 : i32
    %mul3A_0 = arith.muli %arg1, %mul3A : i32
    %mul3A_1 = arith.constant 632 : i32
    %mul3A_2 = arith.muli %arg1, %mul3A_1 : i32
    "tpu.region"() ({
      %run_scoped3A = tpu.sem_alloc : memref<!tpu.dma_semaphore, #tpu.memory_space<semaphore_mem>>
      %dma_start3A = arith.constant 0 : i32
      %dma_start3A_15 = tpu.memref_slice %arg11[%mul3A_2, %dma_start3A] : memref<10112x128xf32, #tpu.memory_space<vmem_shared>> -> memref<632x128xf32, #tpu.memory_space<vmem_shared>>
      %dma_start3A_16 = arith.constant 0 : i32
      %dma_start3A_17 = tpu.memref_slice %arg5[%mul3A_0, %dma_start3A_16] : memref<10112x128xf32, #tpu.memory_space<hbm>> -> memref<632x128xf32, #tpu.memory_space<hbm>>
      tpu.enqueue_dma source(%dma_start3A_17 : memref<632x128xf32, #tpu.memory_space<hbm>>) target(%dma_start3A_15 : memref<632x128xf32, #tpu.memory_space<vmem_shared>>) target_semaphore(%run_scoped3A : memref<!tpu.dma_semaphore, #tpu.memory_space<semaphore_mem>>)
      %dma_wait3A = arith.constant 0 : i32
      %dma_wait3A_18 = tpu.memref_slice %arg11[%mul3A_2, %dma_wait3A] : memref<10112x128xf32, #tpu.memory_space<vmem_shared>> -> memref<632x128xf32, #tpu.memory_space<vmem_shared>>
      %dma_wait3A_19 = arith.constant 0 : i32
      %dma_wait3A_20 = tpu.memref_slice %arg5[%mul3A_0, %dma_wait3A_19] : memref<10112x128xf32, #tpu.memory_space<hbm>> -> memref<632x128xf32, #tpu.memory_space<hbm>>
      tpu.wait_dma2 semaphore(%run_scoped3A : memref<!tpu.dma_semaphore, #tpu.memory_space<semaphore_mem>>) src(%dma_wait3A_20 : memref<632x128xf32, #tpu.memory_space<hbm>>) dst(%dma_wait3A_18 : memref<632x128xf32, #tpu.memory_space<vmem_shared>>)
      tpu.yield
    }) : () -> ()
    %barrier3A = arith.constant 0 : index
    tpu.barrier barrier_id(%barrier3A)
    %eq3A = arith.constant 0 : i32
    %eq3A_3 = arith.cmpi eq, %arg0, %eq3A : i32
    %convert_element_type3A = arith.extui %eq3A_3 : i1 to i32
    %cond3A = arith.constant 0 : i32
    %cond3A_4 = arith.cmpi ne, %convert_element_type3A, %cond3A : i32
    scf.if %cond3A_4 {
      %mul3A_15 = arith.constant 80 : i32
      %mul3A_16 = arith.muli %arg1, %mul3A_15 : i32
      %add3A = arith.constant 0 : i32
      %add3A_17 = arith.addi %mul3A_16, %add3A : i32
      %mul3A_18 = arith.constant 128 : i32
      %mul3A_19 = arith.muli %add3A_17, %mul3A_18 : i32
      "tpu.region"() ({
        %run_scoped3A = tpu.sem_alloc : memref<!tpu.dma_semaphore, #tpu.memory_space<semaphore_mem>>
        %dma_start3A_66 = tpu.memref_slice %arg3[%mul3A_19] : memref<327680xi32, #tpu.memory_space<hbm>> -> memref<5120xi32, #tpu.memory_space<hbm>>
        %dma_start3A_67 = tpu.memref_slice %arg3[%mul3A_19] : memref<327680xi32, #tpu.memory_space<hbm>> -> memref<5120xi32, #tpu.memory_space<hbm>>
        tpu.enqueue_dma source(%dma_start3A_67 : memref<5120xi32, #tpu.memory_space<hbm>>) target(%arg7 : memref<5120xi32, #tpu.memory_space<vmem>>) target_semaphore(%run_scoped3A : memref<!tpu.dma_semaphore, #tpu.memory_space<semaphore_mem>>)
        %dma_wait3A = tpu.memref_slice %arg3[%mul3A_19] : memref<327680xi32, #tpu.memory_space<hbm>> -> memref<5120xi32, #tpu.memory_space<hbm>>
        %dma_wait3A_68 = tpu.memref_slice %arg3[%mul3A_19] : memref<327680xi32, #tpu.memory_space<hbm>> -> memref<5120xi32, #tpu.memory_space<hbm>>
        tpu.wait_dma2 semaphore(%run_scoped3A : memref<!tpu.dma_semaphore, #tpu.memory_space<semaphore_mem>>) src(%dma_wait3A_68 : memref<5120xi32, #tpu.memory_space<hbm>>) dst(%arg7 : memref<5120xi32, #tpu.memory_space<vmem>>)
        tpu.yield
      }) : () -> ()
      "tpu.region"() ({
        %run_scoped3A = tpu.sem_alloc : memref<!tpu.dma_semaphore, #tpu.memory_space<semaphore_mem>>
        %dma_start3A_66 = arith.constant 0 : i32
        %dma_start3A_67 = tpu.memref_slice %arg4[%add3A_17, %dma_start3A_66] : memref<2560x128xi32, #tpu.memory_space<hbm>> -> memref<40x128xi32, #tpu.memory_space<hbm>>
        %dma_start3A_68 = arith.constant 0 : i32
        %dma_start3A_69 = tpu.memref_slice %arg4[%add3A_17, %dma_start3A_68] : memref<2560x128xi32, #tpu.memory_space<hbm>> -> memref<40x128xi32, #tpu.memory_space<hbm>>
        tpu.enqueue_dma source(%dma_start3A_69 : memref<40x128xi32, #tpu.memory_space<hbm>>) target(%arg8 : memref<40x128xi32, #tpu.memory_space<vmem>>) target_semaphore(%run_scoped3A : memref<!tpu.dma_semaphore, #tpu.memory_space<semaphore_mem>>)
        %dma_wait3A = arith.constant 0 : i32
        %dma_wait3A_70 = tpu.memref_slice %arg4[%add3A_17, %dma_wait3A] : memref<2560x128xi32, #tpu.memory_space<hbm>> -> memref<40x128xi32, #tpu.memory_space<hbm>>
        %dma_wait3A_71 = arith.constant 0 : i32
        %dma_wait3A_72 = tpu.memref_slice %arg4[%add3A_17, %dma_wait3A_71] : memref<2560x128xi32, #tpu.memory_space<hbm>> -> memref<40x128xi32, #tpu.memory_space<hbm>>
        tpu.wait_dma2 semaphore(%run_scoped3A : memref<!tpu.dma_semaphore, #tpu.memory_space<semaphore_mem>>) src(%dma_wait3A_72 : memref<40x128xi32, #tpu.memory_space<hbm>>) dst(%arg8 : memref<40x128xi32, #tpu.memory_space<vmem>>)
        tpu.yield
      }) : () -> ()
      %dma_start3A = arith.constant 0 : i32
      %dma_start3A_20 = arith.constant 0 : i32
      %dma_start3A_21 = tpu.memref_slice %arg9[%dma_start3A, %dma_start3A_20] : memref<128x128xf32, #tpu.memory_space<vmem>> -> memref<128x128xf32, #tpu.memory_space<vmem>>
      %dma_start3A_22 = arith.constant 0 : i32
      %dma_start3A_23 = tpu.memref_slice %arg7[%dma_start3A_22] : memref<5120xi32, #tpu.memory_space<vmem>> -> memref<128xi32, #tpu.memory_space<vmem>>
      %dma_start3A_24 = arith.constant 0 : i32
      %dma_start3A_25 = arith.constant 0 : i32
      %dma_start3A_26 = tpu.memref_slice %arg2[%dma_start3A_24, %dma_start3A_25] : memref<10000x128xf32, #tpu.memory_space<hbm>> -> memref<10000x128xf32, #tpu.memory_space<hbm>>
      tpu.enqueue_indirect_dma source(%dma_start3A_26 : memref<10000x128xf32, #tpu.memory_space<hbm>>) target(%dma_start3A_21 : memref<128x128xf32, #tpu.memory_space<vmem>>) offsets(%dma_start3A_23 : memref<128xi32, #tpu.memory_space<vmem>>) semaphore(%arg12 : memref<!tpu.dma_semaphore, #tpu.memory_space<semaphore_mem>>)
      %dma_start3A_27 = arith.constant 0 : i32
      %dma_start3A_28 = arith.constant 0 : i32
      %dma_start3A_29 = tpu.memref_slice %arg10[%dma_start3A_27, %dma_start3A_28] : memref<128x128xf32, #tpu.memory_space<vmem>> -> memref<128x128xf32, #tpu.memory_space<vmem>>
      %dma_start3A_30 = arith.constant 128 : i32
      %dma_start3A_31 = tpu.memref_slice %arg7[%dma_start3A_30] : memref<5120xi32, #tpu.memory_space<vmem>> -> memref<128xi32, #tpu.memory_space<vmem>>
      %dma_start3A_32 = arith.constant 0 : i32
      %dma_start3A_33 = arith.constant 0 : i32
      %dma_start3A_34 = tpu.memref_slice %arg2[%dma_start3A_32, %dma_start3A_33] : memref<10000x128xf32, #tpu.memory_space<hbm>> -> memref<10000x128xf32, #tpu.memory_space<hbm>>
      tpu.enqueue_indirect_dma source(%dma_start3A_34 : memref<10000x128xf32, #tpu.memory_space<hbm>>) target(%dma_start3A_29 : memref<128x128xf32, #tpu.memory_space<vmem>>) offsets(%dma_start3A_31 : memref<128xi32, #tpu.memory_space<vmem>>) semaphore(%arg13 : memref<!tpu.dma_semaphore, #tpu.memory_space<semaphore_mem>>)
      %scan3A = arith.constant 0 : i32
      %scan3A_35 = arith.constant 0 : i32
      %scan3A_36 = arith.constant 20 : i32
      %scan3A_37 = arith.addi %scan3A_35, %scan3A_36 : i32
      %scan3A_38 = arith.constant 1 : i32
      scf.for %scan3A_66 = %scan3A_35 to %scan3A_37 step %scan3A_38  : i32 {
        %mul3A_67 = arith.constant 2 : i32
        %mul3A_68 = arith.muli %scan3A_66, %mul3A_67 : i32
        %add3A_69 = arith.constant 0 : i32
        %add3A_70 = arith.addi %mul3A_68, %add3A_69 : i32
        %mul3A_71 = arith.constant 128 : i32
        %mul3A_72 = arith.muli %add3A_70, %mul3A_71 : i32
        %add3A_73 = arith.constant 0 : i32
        %add3A_74 = arith.addi %mul3A_72, %add3A_73 : i32
        %dma_wait3A = arith.constant 0 : i32
        %dma_wait3A_75 = arith.constant 0 : i32
        %dma_wait3A_76 = tpu.memref_slice %arg9[%dma_wait3A, %dma_wait3A_75] : memref<128x128xf32, #tpu.memory_space<vmem>> -> memref<128x128xf32, #tpu.memory_space<vmem>>
        %dma_wait3A_77 = tpu.memref_slice %arg7[%add3A_74] : memref<5120xi32, #tpu.memory_space<vmem>> -> memref<128xi32, #tpu.memory_space<vmem>>
        %dma_wait3A_78 = arith.constant 0 : i32
        %dma_wait3A_79 = arith.constant 0 : i32
        %dma_wait3A_80 = tpu.memref_slice %arg2[%dma_wait3A_78, %dma_wait3A_79] : memref<10000x128xf32, #tpu.memory_space<hbm>> -> memref<10000x128xf32, #tpu.memory_space<hbm>>
        tpu.wait_indirect_dma semaphore(%arg12 : memref<!tpu.dma_semaphore, #tpu.memory_space<semaphore_mem>>) src(%dma_wait3A_80 : memref<10000x128xf32, #tpu.memory_space<hbm>>) dst(%dma_wait3A_76 : memref<128x128xf32, #tpu.memory_space<vmem>>)
        "tpu.region"() ({
          %run_scoped3A = tpu.sem_alloc : memref<!tpu.dma_semaphore, #tpu.memory_space<semaphore_mem>>
          %dma_start3A_109 = arith.constant 0 : i32
          %dma_start3A_110 = tpu.memref_slice %arg8[%add3A_70, %dma_start3A_109] : memref<40x128xi32, #tpu.memory_space<vmem>> -> memref<1x128xi32, #tpu.memory_space<vmem>>
          %dma_start3A_111 = tpu.memref_squeeze %dma_start3A_110 : memref<1x128xi32, #tpu.memory_space<vmem>> -> memref<128xi32, #tpu.memory_space<vmem>>
          %dma_start3A_112 = arith.constant 0 : i32
          %dma_start3A_113 = arith.constant 0 : i32
          %dma_start3A_114 = tpu.memref_slice %arg11[%dma_start3A_112, %dma_start3A_113] : memref<10112x128xf32, #tpu.memory_space<vmem_shared>> -> memref<10112x128xf32, #tpu.memory_space<vmem_shared>>
          tpu.enqueue_indirect_dma source(%arg9 : memref<128x128xf32, #tpu.memory_space<vmem>>) target(%dma_start3A_114 : memref<10112x128xf32, #tpu.memory_space<vmem_shared>>) offsets(%dma_start3A_111 : memref<128xi32, #tpu.memory_space<vmem>>) semaphore(%run_scoped3A : memref<!tpu.dma_semaphore, #tpu.memory_space<semaphore_mem>>) {add = true}
          %dma_wait3A_115 = arith.constant 0 : i32
          %dma_wait3A_116 = tpu.memref_slice %arg8[%add3A_70, %dma_wait3A_115] : memref<40x128xi32, #tpu.memory_space<vmem>> -> memref<1x128xi32, #tpu.memory_space<vmem>>
          %dma_wait3A_117 = tpu.memref_squeeze %dma_wait3A_116 : memref<1x128xi32, #tpu.memory_space<vmem>> -> memref<128xi32, #tpu.memory_space<vmem>>
          %dma_wait3A_118 = arith.constant 0 : i32
          %dma_wait3A_119 = arith.constant 0 : i32
          %dma_wait3A_120 = tpu.memref_slice %arg11[%dma_wait3A_118, %dma_wait3A_119] : memref<10112x128xf32, #tpu.memory_space<vmem_shared>> -> memref<10112x128xf32, #tpu.memory_space<vmem_shared>>
          tpu.wait_indirect_dma semaphore(%run_scoped3A : memref<!tpu.dma_semaphore, #tpu.memory_space<semaphore_mem>>) src(%arg9 : memref<128x128xf32, #tpu.memory_space<vmem>>) dst(%dma_wait3A_120 : memref<10112x128xf32, #tpu.memory_space<vmem_shared>>)
          tpu.yield
        }) : () -> ()
        %add3A_81 = arith.constant 2 : i32
        %add3A_82 = arith.addi %add3A_70, %add3A_81 : i32
        %lt3A = arith.constant 40 : i32
        %lt3A_83 = arith.cmpi slt, %add3A_82, %lt3A : i32
        %convert_element_type3A_84 = arith.extui %lt3A_83 : i1 to i32
        %cond3A_85 = arith.constant 0 : i32
        %cond3A_86 = arith.cmpi ne, %convert_element_type3A_84, %cond3A_85 : i32
        scf.if %cond3A_86 {
          %add3A_109 = arith.constant 2 : i32
          %add3A_110 = arith.addi %add3A_70, %add3A_109 : i32
          %mul3A_111 = arith.constant 128 : i32
          %mul3A_112 = arith.muli %add3A_110, %mul3A_111 : i32
          %add3A_113 = arith.constant 0 : i32
          %add3A_114 = arith.addi %mul3A_112, %add3A_113 : i32
          %dma_start3A_115 = arith.constant 0 : i32
          %dma_start3A_116 = arith.constant 0 : i32
          %dma_start3A_117 = tpu.memref_slice %arg9[%dma_start3A_115, %dma_start3A_116] : memref<128x128xf32, #tpu.memory_space<vmem>> -> memref<128x128xf32, #tpu.memory_space<vmem>>
          %dma_start3A_118 = tpu.memref_slice %arg7[%add3A_114] : memref<5120xi32, #tpu.memory_space<vmem>> -> memref<128xi32, #tpu.memory_space<vmem>>
          %dma_start3A_119 = arith.constant 0 : i32
          %dma_start3A_120 = arith.constant 0 : i32
          %dma_start3A_121 = tpu.memref_slice %arg2[%dma_start3A_119, %dma_start3A_120] : memref<10000x128xf32, #tpu.memory_space<hbm>> -> memref<10000x128xf32, #tpu.memory_space<hbm>>
          tpu.enqueue_indirect_dma source(%dma_start3A_121 : memref<10000x128xf32, #tpu.memory_space<hbm>>) target(%dma_start3A_117 : memref<128x128xf32, #tpu.memory_space<vmem>>) offsets(%dma_start3A_118 : memref<128xi32, #tpu.memory_space<vmem>>) semaphore(%arg12 : memref<!tpu.dma_semaphore, #tpu.memory_space<semaphore_mem>>)
        } else {
        }
        %mul3A_87 = arith.constant 2 : i32
        %mul3A_88 = arith.muli %scan3A_66, %mul3A_87 : i32
        %add3A_89 = arith.constant 1 : i32
        %add3A_90 = arith.addi %mul3A_88, %add3A_89 : i32
        %mul3A_91 = arith.constant 128 : i32
        %mul3A_92 = arith.muli %add3A_90, %mul3A_91 : i32
        %add3A_93 = arith.constant 0 : i32
        %add3A_94 = arith.addi %mul3A_92, %add3A_93 : i32
        %dma_wait3A_95 = arith.constant 0 : i32
        %dma_wait3A_96 = arith.constant 0 : i32
        %dma_wait3A_97 = tpu.memref_slice %arg10[%dma_wait3A_95, %dma_wait3A_96] : memref<128x128xf32, #tpu.memory_space<vmem>> -> memref<128x128xf32, #tpu.memory_space<vmem>>
        %dma_wait3A_98 = tpu.memref_slice %arg7[%add3A_94] : memref<5120xi32, #tpu.memory_space<vmem>> -> memref<128xi32, #tpu.memory_space<vmem>>
        %dma_wait3A_99 = arith.constant 0 : i32
        %dma_wait3A_100 = arith.constant 0 : i32
        %dma_wait3A_101 = tpu.memref_slice %arg2[%dma_wait3A_99, %dma_wait3A_100] : memref<10000x128xf32, #tpu.memory_space<hbm>> -> memref<10000x128xf32, #tpu.memory_space<hbm>>
        tpu.wait_indirect_dma semaphore(%arg13 : memref<!tpu.dma_semaphore, #tpu.memory_space<semaphore_mem>>) src(%dma_wait3A_101 : memref<10000x128xf32, #tpu.memory_space<hbm>>) dst(%dma_wait3A_97 : memref<128x128xf32, #tpu.memory_space<vmem>>)
        "tpu.region"() ({
          %run_scoped3A = tpu.sem_alloc : memref<!tpu.dma_semaphore, #tpu.memory_space<semaphore_mem>>
          %dma_start3A_109 = arith.constant 0 : i32
          %dma_start3A_110 = tpu.memref_slice %arg8[%add3A_90, %dma_start3A_109] : memref<40x128xi32, #tpu.memory_space<vmem>> -> memref<1x128xi32, #tpu.memory_space<vmem>>
          %dma_start3A_111 = tpu.memref_squeeze %dma_start3A_110 : memref<1x128xi32, #tpu.memory_space<vmem>> -> memref<128xi32, #tpu.memory_space<vmem>>
          %dma_start3A_112 = arith.constant 0 : i32
          %dma_start3A_113 = arith.constant 0 : i32
          %dma_start3A_114 = tpu.memref_slice %arg11[%dma_start3A_112, %dma_start3A_113] : memref<10112x128xf32, #tpu.memory_space<vmem_shared>> -> memref<10112x128xf32, #tpu.memory_space<vmem_shared>>
          tpu.enqueue_indirect_dma source(%arg10 : memref<128x128xf32, #tpu.memory_space<vmem>>) target(%dma_start3A_114 : memref<10112x128xf32, #tpu.memory_space<vmem_shared>>) offsets(%dma_start3A_111 : memref<128xi32, #tpu.memory_space<vmem>>) semaphore(%run_scoped3A : memref<!tpu.dma_semaphore, #tpu.memory_space<semaphore_mem>>) {add = true}
          %dma_wait3A_115 = arith.constant 0 : i32
          %dma_wait3A_116 = tpu.memref_slice %arg8[%add3A_90, %dma_wait3A_115] : memref<40x128xi32, #tpu.memory_space<vmem>> -> memref<1x128xi32, #tpu.memory_space<vmem>>
          %dma_wait3A_117 = tpu.memref_squeeze %dma_wait3A_116 : memref<1x128xi32, #tpu.memory_space<vmem>> -> memref<128xi32, #tpu.memory_space<vmem>>
          %dma_wait3A_118 = arith.constant 0 : i32
          %dma_wait3A_119 = arith.constant 0 : i32
          %dma_wait3A_120 = tpu.memref_slice %arg11[%dma_wait3A_118, %dma_wait3A_119] : memref<10112x128xf32, #tpu.memory_space<vmem_shared>> -> memref<10112x128xf32, #tpu.memory_space<vmem_shared>>
          tpu.wait_indirect_dma semaphore(%run_scoped3A : memref<!tpu.dma_semaphore, #tpu.memory_space<semaphore_mem>>) src(%arg10 : memref<128x128xf32, #tpu.memory_space<vmem>>) dst(%dma_wait3A_120 : memref<10112x128xf32, #tpu.memory_space<vmem_shared>>)
          tpu.yield
        }) : () -> ()
        %add3A_102 = arith.constant 2 : i32
        %add3A_103 = arith.addi %add3A_90, %add3A_102 : i32
        %lt3A_104 = arith.constant 40 : i32
        %lt3A_105 = arith.cmpi slt, %add3A_103, %lt3A_104 : i32
        %convert_element_type3A_106 = arith.extui %lt3A_105 : i1 to i32
        %cond3A_107 = arith.constant 0 : i32
        %cond3A_108 = arith.cmpi ne, %convert_element_type3A_106, %cond3A_107 : i32
        scf.if %cond3A_108 {
          %add3A_109 = arith.constant 2 : i32
          %add3A_110 = arith.addi %add3A_90, %add3A_109 : i32
          %mul3A_111 = arith.constant 128 : i32
          %mul3A_112 = arith.muli %add3A_110, %mul3A_111 : i32
          %add3A_113 = arith.constant 0 : i32
          %add3A_114 = arith.addi %mul3A_112, %add3A_113 : i32
          %dma_start3A_115 = arith.constant 0 : i32
          %dma_start3A_116 = arith.constant 0 : i32
          %dma_start3A_117 = tpu.memref_slice %arg10[%dma_start3A_115, %dma_start3A_116] : memref<128x128xf32, #tpu.memory_space<vmem>> -> memref<128x128xf32, #tpu.memory_space<vmem>>
          %dma_start3A_118 = tpu.memref_slice %arg7[%add3A_114] : memref<5120xi32, #tpu.memory_space<vmem>> -> memref<128xi32, #tpu.memory_space<vmem>>
          %dma_start3A_119 = arith.constant 0 : i32
          %dma_start3A_120 = arith.constant 0 : i32
          %dma_start3A_121 = tpu.memref_slice %arg2[%dma_start3A_119, %dma_start3A_120] : memref<10000x128xf32, #tpu.memory_space<hbm>> -> memref<10000x128xf32, #tpu.memory_space<hbm>>
          tpu.enqueue_indirect_dma source(%dma_start3A_121 : memref<10000x128xf32, #tpu.memory_space<hbm>>) target(%dma_start3A_117 : memref<128x128xf32, #tpu.memory_space<vmem>>) offsets(%dma_start3A_118 : memref<128xi32, #tpu.memory_space<vmem>>) semaphore(%arg13 : memref<!tpu.dma_semaphore, #tpu.memory_space<semaphore_mem>>)
        } else {
        }
      }
      %scan3A_39 = arith.constant 20 : i32
      %add3A_40 = arith.constant 40 : i32
      %add3A_41 = arith.addi %mul3A_16, %add3A_40 : i32
      %mul3A_42 = arith.constant 128 : i32
      %mul3A_43 = arith.muli %add3A_41, %mul3A_42 : i32
      "tpu.region"() ({
        %run_scoped3A = tpu.sem_alloc : memref<!tpu.dma_semaphore, #tpu.memory_space<semaphore_mem>>
        %dma_start3A_66 = tpu.memref_slice %arg3[%mul3A_43] : memref<327680xi32, #tpu.memory_space<hbm>> -> memref<5120xi32, #tpu.memory_space<hbm>>
        %dma_start3A_67 = tpu.memref_slice %arg3[%mul3A_43] : memref<327680xi32, #tpu.memory_space<hbm>> -> memref<5120xi32, #tpu.memory_space<hbm>>
        tpu.enqueue_dma source(%dma_start3A_67 : memref<5120xi32, #tpu.memory_space<hbm>>) target(%arg7 : memref<5120xi32, #tpu.memory_space<vmem>>) target_semaphore(%run_scoped3A : memref<!tpu.dma_semaphore, #tpu.memory_space<semaphore_mem>>)
        %dma_wait3A = tpu.memref_slice %arg3[%mul3A_43] : memref<327680xi32, #tpu.memory_space<hbm>> -> memref<5120xi32, #tpu.memory_space<hbm>>
        %dma_wait3A_68 = tpu.memref_slice %arg3[%mul3A_43] : memref<327680xi32, #tpu.memory_space<hbm>> -> memref<5120xi32, #tpu.memory_space<hbm>>
        tpu.wait_dma2 semaphore(%run_scoped3A : memref<!tpu.dma_semaphore, #tpu.memory_space<semaphore_mem>>) src(%dma_wait3A_68 : memref<5120xi32, #tpu.memory_space<hbm>>) dst(%arg7 : memref<5120xi32, #tpu.memory_space<vmem>>)
        tpu.yield
      }) : () -> ()
      "tpu.region"() ({
        %run_scoped3A = tpu.sem_alloc : memref<!tpu.dma_semaphore, #tpu.memory_space<semaphore_mem>>
        %dma_start3A_66 = arith.constant 0 : i32
        %dma_start3A_67 = tpu.memref_slice %arg4[%add3A_41, %dma_start3A_66] : memref<2560x128xi32, #tpu.memory_space<hbm>> -> memref<40x128xi32, #tpu.memory_space<hbm>>
        %dma_start3A_68 = arith.constant 0 : i32
        %dma_start3A_69 = tpu.memref_slice %arg4[%add3A_41, %dma_start3A_68] : memref<2560x128xi32, #tpu.memory_space<hbm>> -> memref<40x128xi32, #tpu.memory_space<hbm>>
        tpu.enqueue_dma source(%dma_start3A_69 : memref<40x128xi32, #tpu.memory_space<hbm>>) target(%arg8 : memref<40x128xi32, #tpu.memory_space<vmem>>) target_semaphore(%run_scoped3A : memref<!tpu.dma_semaphore, #tpu.memory_space<semaphore_mem>>)
        %dma_wait3A = arith.constant 0 : i32
        %dma_wait3A_70 = tpu.memref_slice %arg4[%add3A_41, %dma_wait3A] : memref<2560x128xi32, #tpu.memory_space<hbm>> -> memref<40x128xi32, #tpu.memory_space<hbm>>
        %dma_wait3A_71 = arith.constant 0 : i32
        %dma_wait3A_72 = tpu.memref_slice %arg4[%add3A_41, %dma_wait3A_71] : memref<2560x128xi32, #tpu.memory_space<hbm>> -> memref<40x128xi32, #tpu.memory_space<hbm>>
        tpu.wait_dma2 semaphore(%run_scoped3A : memref<!tpu.dma_semaphore, #tpu.memory_space<semaphore_mem>>) src(%dma_wait3A_72 : memref<40x128xi32, #tpu.memory_space<hbm>>) dst(%arg8 : memref<40x128xi32, #tpu.memory_space<vmem>>)
        tpu.yield
      }) : () -> ()
      %dma_start3A_44 = arith.constant 0 : i32
      %dma_start3A_45 = arith.constant 0 : i32
      %dma_start3A_46 = tpu.memref_slice %arg9[%dma_start3A_44, %dma_start3A_45] : memref<128x128xf32, #tpu.memory_space<vmem>> -> memref<128x128xf32, #tpu.memory_space<vmem>>
      %dma_start3A_47 = arith.constant 0 : i32
      %dma_start3A_48 = tpu.memref_slice %arg7[%dma_start3A_47] : memref<5120xi32, #tpu.memory_space<vmem>> -> memref<128xi32, #tpu.memory_space<vmem>>
      %dma_start3A_49 = arith.constant 0 : i32
      %dma_start3A_50 = arith.constant 0 : i32
      %dma_start3A_51 = tpu.memref_slice %arg2[%dma_start3A_49, %dma_start3A_50] : memref<10000x128xf32, #tpu.memory_space<hbm>> -> memref<10000x128xf32, #tpu.memory_space<hbm>>
      tpu.enqueue_indirect_dma source(%dma_start3A_51 : memref<10000x128xf32, #tpu.memory_space<hbm>>) target(%dma_start3A_46 : memref<128x128xf32, #tpu.memory_space<vmem>>) offsets(%dma_start3A_48 : memref<128xi32, #tpu.memory_space<vmem>>) semaphore(%arg12 : memref<!tpu.dma_semaphore, #tpu.memory_space<semaphore_mem>>)
      %dma_start3A_52 = arith.constant 0 : i32
      %dma_start3A_53 = arith.constant 0 : i32
      %dma_start3A_54 = tpu.memref_slice %arg10[%dma_start3A_52, %dma_start3A_53] : memref<128x128xf32, #tpu.memory_space<vmem>> -> memref<128x128xf32, #tpu.memory_space<vmem>>
      %dma_start3A_55 = arith.constant 128 : i32
      %dma_start3A_56 = tpu.memref_slice %arg7[%dma_start3A_55] : memref<5120xi32, #tpu.memory_space<vmem>> -> memref<128xi32, #tpu.memory_space<vmem>>
      %dma_start3A_57 = arith.constant 0 : i32
      %dma_start3A_58 = arith.constant 0 : i32
      %dma_start3A_59 = tpu.memref_slice %arg2[%dma_start3A_57, %dma_start3A_58] : memref<10000x128xf32, #tpu.memory_space<hbm>> -> memref<10000x128xf32, #tpu.memory_space<hbm>>
      tpu.enqueue_indirect_dma source(%dma_start3A_59 : memref<10000x128xf32, #tpu.memory_space<hbm>>) target(%dma_start3A_54 : memref<128x128xf32, #tpu.memory_space<vmem>>) offsets(%dma_start3A_56 : memref<128xi32, #tpu.memory_space<vmem>>) semaphore(%arg13 : memref<!tpu.dma_semaphore, #tpu.memory_space<semaphore_mem>>)
      %scan3A_60 = arith.constant 0 : i32
      %scan3A_61 = arith.constant 0 : i32
      %scan3A_62 = arith.constant 20 : i32
      %scan3A_63 = arith.addi %scan3A_61, %scan3A_62 : i32
      %scan3A_64 = arith.constant 1 : i32
      scf.for %scan3A_66 = %scan3A_61 to %scan3A_63 step %scan3A_64  : i32 {
        %mul3A_67 = arith.constant 2 : i32
        %mul3A_68 = arith.muli %scan3A_66, %mul3A_67 : i32
        %add3A_69 = arith.constant 0 : i32
        %add3A_70 = arith.addi %mul3A_68, %add3A_69 : i32
        %mul3A_71 = arith.constant 128 : i32
        %mul3A_72 = arith.muli %add3A_70, %mul3A_71 : i32
        %add3A_73 = arith.constant 0 : i32
        %add3A_74 = arith.addi %mul3A_72, %add3A_73 : i32
        %dma_wait3A = arith.constant 0 : i32
        %dma_wait3A_75 = arith.constant 0 : i32
        %dma_wait3A_76 = tpu.memref_slice %arg9[%dma_wait3A, %dma_wait3A_75] : memref<128x128xf32, #tpu.memory_space<vmem>> -> memref<128x128xf32, #tpu.memory_space<vmem>>
        %dma_wait3A_77 = tpu.memref_slice %arg7[%add3A_74] : memref<5120xi32, #tpu.memory_space<vmem>> -> memref<128xi32, #tpu.memory_space<vmem>>
        %dma_wait3A_78 = arith.constant 0 : i32
        %dma_wait3A_79 = arith.constant 0 : i32
        %dma_wait3A_80 = tpu.memref_slice %arg2[%dma_wait3A_78, %dma_wait3A_79] : memref<10000x128xf32, #tpu.memory_space<hbm>> -> memref<10000x128xf32, #tpu.memory_space<hbm>>
        tpu.wait_indirect_dma semaphore(%arg12 : memref<!tpu.dma_semaphore, #tpu.memory_space<semaphore_mem>>) src(%dma_wait3A_80 : memref<10000x128xf32, #tpu.memory_space<hbm>>) dst(%dma_wait3A_76 : memref<128x128xf32, #tpu.memory_space<vmem>>)
        "tpu.region"() ({
          %run_scoped3A = tpu.sem_alloc : memref<!tpu.dma_semaphore, #tpu.memory_space<semaphore_mem>>
          %dma_start3A_109 = arith.constant 0 : i32
          %dma_start3A_110 = tpu.memref_slice %arg8[%add3A_70, %dma_start3A_109] : memref<40x128xi32, #tpu.memory_space<vmem>> -> memref<1x128xi32, #tpu.memory_space<vmem>>
          %dma_start3A_111 = tpu.memref_squeeze %dma_start3A_110 : memref<1x128xi32, #tpu.memory_space<vmem>> -> memref<128xi32, #tpu.memory_space<vmem>>
          %dma_start3A_112 = arith.constant 0 : i32
          %dma_start3A_113 = arith.constant 0 : i32
          %dma_start3A_114 = tpu.memref_slice %arg11[%dma_start3A_112, %dma_start3A_113] : memref<10112x128xf32, #tpu.memory_space<vmem_shared>> -> memref<10112x128xf32, #tpu.memory_space<vmem_shared>>
          tpu.enqueue_indirect_dma source(%arg9 : memref<128x128xf32, #tpu.memory_space<vmem>>) target(%dma_start3A_114 : memref<10112x128xf32, #tpu.memory_space<vmem_shared>>) offsets(%dma_start3A_111 : memref<128xi32, #tpu.memory_space<vmem>>) semaphore(%run_scoped3A : memref<!tpu.dma_semaphore, #tpu.memory_space<semaphore_mem>>) {add = true}
          %dma_wait3A_115 = arith.constant 0 : i32
          %dma_wait3A_116 = tpu.memref_slice %arg8[%add3A_70, %dma_wait3A_115] : memref<40x128xi32, #tpu.memory_space<vmem>> -> memref<1x128xi32, #tpu.memory_space<vmem>>
          %dma_wait3A_117 = tpu.memref_squeeze %dma_wait3A_116 : memref<1x128xi32, #tpu.memory_space<vmem>> -> memref<128xi32, #tpu.memory_space<vmem>>
          %dma_wait3A_118 = arith.constant 0 : i32
          %dma_wait3A_119 = arith.constant 0 : i32
          %dma_wait3A_120 = tpu.memref_slice %arg11[%dma_wait3A_118, %dma_wait3A_119] : memref<10112x128xf32, #tpu.memory_space<vmem_shared>> -> memref<10112x128xf32, #tpu.memory_space<vmem_shared>>
          tpu.wait_indirect_dma semaphore(%run_scoped3A : memref<!tpu.dma_semaphore, #tpu.memory_space<semaphore_mem>>) src(%arg9 : memref<128x128xf32, #tpu.memory_space<vmem>>) dst(%dma_wait3A_120 : memref<10112x128xf32, #tpu.memory_space<vmem_shared>>)
          tpu.yield
        }) : () -> ()
        %add3A_81 = arith.constant 2 : i32
        %add3A_82 = arith.addi %add3A_70, %add3A_81 : i32
        %lt3A = arith.constant 40 : i32
        %lt3A_83 = arith.cmpi slt, %add3A_82, %lt3A : i32
        %convert_element_type3A_84 = arith.extui %lt3A_83 : i1 to i32
        %cond3A_85 = arith.constant 0 : i32
        %cond3A_86 = arith.cmpi ne, %convert_element_type3A_84, %cond3A_85 : i32
        scf.if %cond3A_86 {
          %add3A_109 = arith.constant 2 : i32
          %add3A_110 = arith.addi %add3A_70, %add3A_109 : i32
          %mul3A_111 = arith.constant 128 : i32
          %mul3A_112 = arith.muli %add3A_110, %mul3A_111 : i32
          %add3A_113 = arith.constant 0 : i32
          %add3A_114 = arith.addi %mul3A_112, %add3A_113 : i32
          %dma_start3A_115 = arith.constant 0 : i32
          %dma_start3A_116 = arith.constant 0 : i32
          %dma_start3A_117 = tpu.memref_slice %arg9[%dma_start3A_115, %dma_start3A_116] : memref<128x128xf32, #tpu.memory_space<vmem>> -> memref<128x128xf32, #tpu.memory_space<vmem>>
          %dma_start3A_118 = tpu.memref_slice %arg7[%add3A_114] : memref<5120xi32, #tpu.memory_space<vmem>> -> memref<128xi32, #tpu.memory_space<vmem>>
          %dma_start3A_119 = arith.constant 0 : i32
          %dma_start3A_120 = arith.constant 0 : i32
          %dma_start3A_121 = tpu.memref_slice %arg2[%dma_start3A_119, %dma_start3A_120] : memref<10000x128xf32, #tpu.memory_space<hbm>> -> memref<10000x128xf32, #tpu.memory_space<hbm>>
          tpu.enqueue_indirect_dma source(%dma_start3A_121 : memref<10000x128xf32, #tpu.memory_space<hbm>>) target(%dma_start3A_117 : memref<128x128xf32, #tpu.memory_space<vmem>>) offsets(%dma_start3A_118 : memref<128xi32, #tpu.memory_space<vmem>>) semaphore(%arg12 : memref<!tpu.dma_semaphore, #tpu.memory_space<semaphore_mem>>)
        } else {
        }
        %mul3A_87 = arith.constant 2 : i32
        %mul3A_88 = arith.muli %scan3A_66, %mul3A_87 : i32
        %add3A_89 = arith.constant 1 : i32
        %add3A_90 = arith.addi %mul3A_88, %add3A_89 : i32
        %mul3A_91 = arith.constant 128 : i32
        %mul3A_92 = arith.muli %add3A_90, %mul3A_91 : i32
        %add3A_93 = arith.constant 0 : i32
        %add3A_94 = arith.addi %mul3A_92, %add3A_93 : i32
        %dma_wait3A_95 = arith.constant 0 : i32
        %dma_wait3A_96 = arith.constant 0 : i32
        %dma_wait3A_97 = tpu.memref_slice %arg10[%dma_wait3A_95, %dma_wait3A_96] : memref<128x128xf32, #tpu.memory_space<vmem>> -> memref<128x128xf32, #tpu.memory_space<vmem>>
        %dma_wait3A_98 = tpu.memref_slice %arg7[%add3A_94] : memref<5120xi32, #tpu.memory_space<vmem>> -> memref<128xi32, #tpu.memory_space<vmem>>
        %dma_wait3A_99 = arith.constant 0 : i32
        %dma_wait3A_100 = arith.constant 0 : i32
        %dma_wait3A_101 = tpu.memref_slice %arg2[%dma_wait3A_99, %dma_wait3A_100] : memref<10000x128xf32, #tpu.memory_space<hbm>> -> memref<10000x128xf32, #tpu.memory_space<hbm>>
        tpu.wait_indirect_dma semaphore(%arg13 : memref<!tpu.dma_semaphore, #tpu.memory_space<semaphore_mem>>) src(%dma_wait3A_101 : memref<10000x128xf32, #tpu.memory_space<hbm>>) dst(%dma_wait3A_97 : memref<128x128xf32, #tpu.memory_space<vmem>>)
        "tpu.region"() ({
          %run_scoped3A = tpu.sem_alloc : memref<!tpu.dma_semaphore, #tpu.memory_space<semaphore_mem>>
          %dma_start3A_109 = arith.constant 0 : i32
          %dma_start3A_110 = tpu.memref_slice %arg8[%add3A_90, %dma_start3A_109] : memref<40x128xi32, #tpu.memory_space<vmem>> -> memref<1x128xi32, #tpu.memory_space<vmem>>
          %dma_start3A_111 = tpu.memref_squeeze %dma_start3A_110 : memref<1x128xi32, #tpu.memory_space<vmem>> -> memref<128xi32, #tpu.memory_space<vmem>>
          %dma_start3A_112 = arith.constant 0 : i32
          %dma_start3A_113 = arith.constant 0 : i32
          %dma_start3A_114 = tpu.memref_slice %arg11[%dma_start3A_112, %dma_start3A_113] : memref<10112x128xf32, #tpu.memory_space<vmem_shared>> -> memref<10112x128xf32, #tpu.memory_space<vmem_shared>>
          tpu.enqueue_indirect_dma source(%arg10 : memref<128x128xf32, #tpu.memory_space<vmem>>) target(%dma_start3A_114 : memref<10112x128xf32, #tpu.memory_space<vmem_shared>>) offsets(%dma_start3A_111 : memref<128xi32, #tpu.memory_space<vmem>>) semaphore(%run_scoped3A : memref<!tpu.dma_semaphore, #tpu.memory_space<semaphore_mem>>) {add = true}
          %dma_wait3A_115 = arith.constant 0 : i32
          %dma_wait3A_116 = tpu.memref_slice %arg8[%add3A_90, %dma_wait3A_115] : memref<40x128xi32, #tpu.memory_space<vmem>> -> memref<1x128xi32, #tpu.memory_space<vmem>>
          %dma_wait3A_117 = tpu.memref_squeeze %dma_wait3A_116 : memref<1x128xi32, #tpu.memory_space<vmem>> -> memref<128xi32, #tpu.memory_space<vmem>>
          %dma_wait3A_118 = arith.constant 0 : i32
          %dma_wait3A_119 = arith.constant 0 : i32
          %dma_wait3A_120 = tpu.memref_slice %arg11[%dma_wait3A_118, %dma_wait3A_119] : memref<10112x128xf32, #tpu.memory_space<vmem_shared>> -> memref<10112x128xf32, #tpu.memory_space<vmem_shared>>
          tpu.wait_indirect_dma semaphore(%run_scoped3A : memref<!tpu.dma_semaphore, #tpu.memory_space<semaphore_mem>>) src(%arg10 : memref<128x128xf32, #tpu.memory_space<vmem>>) dst(%dma_wait3A_120 : memref<10112x128xf32, #tpu.memory_space<vmem_shared>>)
          tpu.yield
        }) : () -> ()
        %add3A_102 = arith.constant 2 : i32
        %add3A_103 = arith.addi %add3A_90, %add3A_102 : i32
        %lt3A_104 = arith.constant 40 : i32
        %lt3A_105 = arith.cmpi slt, %add3A_103, %lt3A_104 : i32
        %convert_element_type3A_106 = arith.extui %lt3A_105 : i1 to i32
        %cond3A_107 = arith.constant 0 : i32
        %cond3A_108 = arith.cmpi ne, %convert_element_type3A_106, %cond3A_107 : i32
        scf.if %cond3A_108 {
          %add3A_109 = arith.constant 2 : i32
          %add3A_110 = arith.addi %add3A_90, %add3A_109 : i32
          %mul3A_111 = arith.constant 128 : i32
          %mul3A_112 = arith.muli %add3A_110, %mul3A_111 : i32
          %add3A_113 = arith.constant 0 : i32
          %add3A_114 = arith.addi %mul3A_112, %add3A_113 : i32
          %dma_start3A_115 = arith.constant 0 : i32
          %dma_start3A_116 = arith.constant 0 : i32
          %dma_start3A_117 = tpu.memref_slice %arg10[%dma_start3A_115, %dma_start3A_116] : memref<128x128xf32, #tpu.memory_space<vmem>> -> memref<128x128xf32, #tpu.memory_space<vmem>>
          %dma_start3A_118 = tpu.memref_slice %arg7[%add3A_114] : memref<5120xi32, #tpu.memory_space<vmem>> -> memref<128xi32, #tpu.memory_space<vmem>>
          %dma_start3A_119 = arith.constant 0 : i32
          %dma_start3A_120 = arith.constant 0 : i32
          %dma_start3A_121 = tpu.memref_slice %arg2[%dma_start3A_119, %dma_start3A_120] : memref<10000x128xf32, #tpu.memory_space<hbm>> -> memref<10000x128xf32, #tpu.memory_space<hbm>>
          tpu.enqueue_indirect_dma source(%dma_start3A_121 : memref<10000x128xf32, #tpu.memory_space<hbm>>) target(%dma_start3A_117 : memref<128x128xf32, #tpu.memory_space<vmem>>) offsets(%dma_start3A_118 : memref<128xi32, #tpu.memory_space<vmem>>) semaphore(%arg13 : memref<!tpu.dma_semaphore, #tpu.memory_space<semaphore_mem>>)
        } else {
        }
      }
      %scan3A_65 = arith.constant 20 : i32
    } else {
    }
    %eq3A_5 = arith.constant 1 : i32
    %eq3A_6 = arith.cmpi eq, %arg0, %eq3A_5 : i32
    %convert_element_type3A_7 = arith.extui %eq3A_6 : i1 to i32
    %cond3A_8 = arith.constant 0 : i32
    %cond3A_9 = arith.cmpi ne, %convert_element_type3A_7, %cond3A_8 : i32
    scf.if %cond3A_9 {
      %mul3A_15 = arith.constant 80 : i32
      %mul3A_16 = arith.muli %arg1, %mul3A_15 : i32
      %add3A = arith.constant 1280 : i32
      %add3A_17 = arith.addi %add3A, %mul3A_16 : i32
      %add3A_18 = arith.constant 0 : i32
      %add3A_19 = arith.addi %add3A_17, %add3A_18 : i32
      %mul3A_20 = arith.constant 128 : i32
      %mul3A_21 = arith.muli %add3A_19, %mul3A_20 : i32
      "tpu.region"() ({
        %run_scoped3A = tpu.sem_alloc : memref<!tpu.dma_semaphore, #tpu.memory_space<semaphore_mem>>
        %dma_start3A_68 = tpu.memref_slice %arg3[%mul3A_21] : memref<327680xi32, #tpu.memory_space<hbm>> -> memref<5120xi32, #tpu.memory_space<hbm>>
        %dma_start3A_69 = tpu.memref_slice %arg3[%mul3A_21] : memref<327680xi32, #tpu.memory_space<hbm>> -> memref<5120xi32, #tpu.memory_space<hbm>>
        tpu.enqueue_dma source(%dma_start3A_69 : memref<5120xi32, #tpu.memory_space<hbm>>) target(%arg7 : memref<5120xi32, #tpu.memory_space<vmem>>) target_semaphore(%run_scoped3A : memref<!tpu.dma_semaphore, #tpu.memory_space<semaphore_mem>>)
        %dma_wait3A = tpu.memref_slice %arg3[%mul3A_21] : memref<327680xi32, #tpu.memory_space<hbm>> -> memref<5120xi32, #tpu.memory_space<hbm>>
        %dma_wait3A_70 = tpu.memref_slice %arg3[%mul3A_21] : memref<327680xi32, #tpu.memory_space<hbm>> -> memref<5120xi32, #tpu.memory_space<hbm>>
        tpu.wait_dma2 semaphore(%run_scoped3A : memref<!tpu.dma_semaphore, #tpu.memory_space<semaphore_mem>>) src(%dma_wait3A_70 : memref<5120xi32, #tpu.memory_space<hbm>>) dst(%arg7 : memref<5120xi32, #tpu.memory_space<vmem>>)
        tpu.yield
      }) : () -> ()
      "tpu.region"() ({
        %run_scoped3A = tpu.sem_alloc : memref<!tpu.dma_semaphore, #tpu.memory_space<semaphore_mem>>
        %dma_start3A_68 = arith.constant 0 : i32
        %dma_start3A_69 = tpu.memref_slice %arg4[%add3A_19, %dma_start3A_68] : memref<2560x128xi32, #tpu.memory_space<hbm>> -> memref<40x128xi32, #tpu.memory_space<hbm>>
        %dma_start3A_70 = arith.constant 0 : i32
        %dma_start3A_71 = tpu.memref_slice %arg4[%add3A_19, %dma_start3A_70] : memref<2560x128xi32, #tpu.memory_space<hbm>> -> memref<40x128xi32, #tpu.memory_space<hbm>>
        tpu.enqueue_dma source(%dma_start3A_71 : memref<40x128xi32, #tpu.memory_space<hbm>>) target(%arg8 : memref<40x128xi32, #tpu.memory_space<vmem>>) target_semaphore(%run_scoped3A : memref<!tpu.dma_semaphore, #tpu.memory_space<semaphore_mem>>)
        %dma_wait3A = arith.constant 0 : i32
        %dma_wait3A_72 = tpu.memref_slice %arg4[%add3A_19, %dma_wait3A] : memref<2560x128xi32, #tpu.memory_space<hbm>> -> memref<40x128xi32, #tpu.memory_space<hbm>>
        %dma_wait3A_73 = arith.constant 0 : i32
        %dma_wait3A_74 = tpu.memref_slice %arg4[%add3A_19, %dma_wait3A_73] : memref<2560x128xi32, #tpu.memory_space<hbm>> -> memref<40x128xi32, #tpu.memory_space<hbm>>
        tpu.wait_dma2 semaphore(%run_scoped3A : memref<!tpu.dma_semaphore, #tpu.memory_space<semaphore_mem>>) src(%dma_wait3A_74 : memref<40x128xi32, #tpu.memory_space<hbm>>) dst(%arg8 : memref<40x128xi32, #tpu.memory_space<vmem>>)
        tpu.yield
      }) : () -> ()
      %dma_start3A = arith.constant 0 : i32
      %dma_start3A_22 = arith.constant 0 : i32
      %dma_start3A_23 = tpu.memref_slice %arg9[%dma_start3A, %dma_start3A_22] : memref<128x128xf32, #tpu.memory_space<vmem>> -> memref<128x128xf32, #tpu.memory_space<vmem>>
      %dma_start3A_24 = arith.constant 0 : i32
      %dma_start3A_25 = tpu.memref_slice %arg7[%dma_start3A_24] : memref<5120xi32, #tpu.memory_space<vmem>> -> memref<128xi32, #tpu.memory_space<vmem>>
      %dma_start3A_26 = arith.constant 0 : i32
      %dma_start3A_27 = arith.constant 0 : i32
      %dma_start3A_28 = tpu.memref_slice %arg2[%dma_start3A_26, %dma_start3A_27] : memref<10000x128xf32, #tpu.memory_space<hbm>> -> memref<10000x128xf32, #tpu.memory_space<hbm>>
      tpu.enqueue_indirect_dma source(%dma_start3A_28 : memref<10000x128xf32, #tpu.memory_space<hbm>>) target(%dma_start3A_23 : memref<128x128xf32, #tpu.memory_space<vmem>>) offsets(%dma_start3A_25 : memref<128xi32, #tpu.memory_space<vmem>>) semaphore(%arg12 : memref<!tpu.dma_semaphore, #tpu.memory_space<semaphore_mem>>)
      %dma_start3A_29 = arith.constant 0 : i32
      %dma_start3A_30 = arith.constant 0 : i32
      %dma_start3A_31 = tpu.memref_slice %arg10[%dma_start3A_29, %dma_start3A_30] : memref<128x128xf32, #tpu.memory_space<vmem>> -> memref<128x128xf32, #tpu.memory_space<vmem>>
      %dma_start3A_32 = arith.constant 128 : i32
      %dma_start3A_33 = tpu.memref_slice %arg7[%dma_start3A_32] : memref<5120xi32, #tpu.memory_space<vmem>> -> memref<128xi32, #tpu.memory_space<vmem>>
      %dma_start3A_34 = arith.constant 0 : i32
      %dma_start3A_35 = arith.constant 0 : i32
      %dma_start3A_36 = tpu.memref_slice %arg2[%dma_start3A_34, %dma_start3A_35] : memref<10000x128xf32, #tpu.memory_space<hbm>> -> memref<10000x128xf32, #tpu.memory_space<hbm>>
      tpu.enqueue_indirect_dma source(%dma_start3A_36 : memref<10000x128xf32, #tpu.memory_space<hbm>>) target(%dma_start3A_31 : memref<128x128xf32, #tpu.memory_space<vmem>>) offsets(%dma_start3A_33 : memref<128xi32, #tpu.memory_space<vmem>>) semaphore(%arg13 : memref<!tpu.dma_semaphore, #tpu.memory_space<semaphore_mem>>)
      %scan3A = arith.constant 0 : i32
      %scan3A_37 = arith.constant 0 : i32
      %scan3A_38 = arith.constant 20 : i32
      %scan3A_39 = arith.addi %scan3A_37, %scan3A_38 : i32
      %scan3A_40 = arith.constant 1 : i32
      scf.for %scan3A_68 = %scan3A_37 to %scan3A_39 step %scan3A_40  : i32 {
        %mul3A_69 = arith.constant 2 : i32
        %mul3A_70 = arith.muli %scan3A_68, %mul3A_69 : i32
        %add3A_71 = arith.constant 0 : i32
        %add3A_72 = arith.addi %mul3A_70, %add3A_71 : i32
        %mul3A_73 = arith.constant 128 : i32
        %mul3A_74 = arith.muli %add3A_72, %mul3A_73 : i32
        %add3A_75 = arith.constant 0 : i32
        %add3A_76 = arith.addi %mul3A_74, %add3A_75 : i32
        %dma_wait3A = arith.constant 0 : i32
        %dma_wait3A_77 = arith.constant 0 : i32
        %dma_wait3A_78 = tpu.memref_slice %arg9[%dma_wait3A, %dma_wait3A_77] : memref<128x128xf32, #tpu.memory_space<vmem>> -> memref<128x128xf32, #tpu.memory_space<vmem>>
        %dma_wait3A_79 = tpu.memref_slice %arg7[%add3A_76] : memref<5120xi32, #tpu.memory_space<vmem>> -> memref<128xi32, #tpu.memory_space<vmem>>
        %dma_wait3A_80 = arith.constant 0 : i32
        %dma_wait3A_81 = arith.constant 0 : i32
        %dma_wait3A_82 = tpu.memref_slice %arg2[%dma_wait3A_80, %dma_wait3A_81] : memref<10000x128xf32, #tpu.memory_space<hbm>> -> memref<10000x128xf32, #tpu.memory_space<hbm>>
        tpu.wait_indirect_dma semaphore(%arg12 : memref<!tpu.dma_semaphore, #tpu.memory_space<semaphore_mem>>) src(%dma_wait3A_82 : memref<10000x128xf32, #tpu.memory_space<hbm>>) dst(%dma_wait3A_78 : memref<128x128xf32, #tpu.memory_space<vmem>>)
        "tpu.region"() ({
          %run_scoped3A = tpu.sem_alloc : memref<!tpu.dma_semaphore, #tpu.memory_space<semaphore_mem>>
          %dma_start3A_111 = arith.constant 0 : i32
          %dma_start3A_112 = tpu.memref_slice %arg8[%add3A_72, %dma_start3A_111] : memref<40x128xi32, #tpu.memory_space<vmem>> -> memref<1x128xi32, #tpu.memory_space<vmem>>
          %dma_start3A_113 = tpu.memref_squeeze %dma_start3A_112 : memref<1x128xi32, #tpu.memory_space<vmem>> -> memref<128xi32, #tpu.memory_space<vmem>>
          %dma_start3A_114 = arith.constant 0 : i32
          %dma_start3A_115 = arith.constant 0 : i32
          %dma_start3A_116 = tpu.memref_slice %arg11[%dma_start3A_114, %dma_start3A_115] : memref<10112x128xf32, #tpu.memory_space<vmem_shared>> -> memref<10112x128xf32, #tpu.memory_space<vmem_shared>>
          tpu.enqueue_indirect_dma source(%arg9 : memref<128x128xf32, #tpu.memory_space<vmem>>) target(%dma_start3A_116 : memref<10112x128xf32, #tpu.memory_space<vmem_shared>>) offsets(%dma_start3A_113 : memref<128xi32, #tpu.memory_space<vmem>>) semaphore(%run_scoped3A : memref<!tpu.dma_semaphore, #tpu.memory_space<semaphore_mem>>) {add = true}
          %dma_wait3A_117 = arith.constant 0 : i32
          %dma_wait3A_118 = tpu.memref_slice %arg8[%add3A_72, %dma_wait3A_117] : memref<40x128xi32, #tpu.memory_space<vmem>> -> memref<1x128xi32, #tpu.memory_space<vmem>>
          %dma_wait3A_119 = tpu.memref_squeeze %dma_wait3A_118 : memref<1x128xi32, #tpu.memory_space<vmem>> -> memref<128xi32, #tpu.memory_space<vmem>>
          %dma_wait3A_120 = arith.constant 0 : i32
          %dma_wait3A_121 = arith.constant 0 : i32
          %dma_wait3A_122 = tpu.memref_slice %arg11[%dma_wait3A_120, %dma_wait3A_121] : memref<10112x128xf32, #tpu.memory_space<vmem_shared>> -> memref<10112x128xf32, #tpu.memory_space<vmem_shared>>
          tpu.wait_indirect_dma semaphore(%run_scoped3A : memref<!tpu.dma_semaphore, #tpu.memory_space<semaphore_mem>>) src(%arg9 : memref<128x128xf32, #tpu.memory_space<vmem>>) dst(%dma_wait3A_122 : memref<10112x128xf32, #tpu.memory_space<vmem_shared>>)
          tpu.yield
        }) : () -> ()
        %add3A_83 = arith.constant 2 : i32
        %add3A_84 = arith.addi %add3A_72, %add3A_83 : i32
        %lt3A = arith.constant 40 : i32
        %lt3A_85 = arith.cmpi slt, %add3A_84, %lt3A : i32
        %convert_element_type3A_86 = arith.extui %lt3A_85 : i1 to i32
        %cond3A_87 = arith.constant 0 : i32
        %cond3A_88 = arith.cmpi ne, %convert_element_type3A_86, %cond3A_87 : i32
        scf.if %cond3A_88 {
          %add3A_111 = arith.constant 2 : i32
          %add3A_112 = arith.addi %add3A_72, %add3A_111 : i32
          %mul3A_113 = arith.constant 128 : i32
          %mul3A_114 = arith.muli %add3A_112, %mul3A_113 : i32
          %add3A_115 = arith.constant 0 : i32
          %add3A_116 = arith.addi %mul3A_114, %add3A_115 : i32
          %dma_start3A_117 = arith.constant 0 : i32
          %dma_start3A_118 = arith.constant 0 : i32
          %dma_start3A_119 = tpu.memref_slice %arg9[%dma_start3A_117, %dma_start3A_118] : memref<128x128xf32, #tpu.memory_space<vmem>> -> memref<128x128xf32, #tpu.memory_space<vmem>>
          %dma_start3A_120 = tpu.memref_slice %arg7[%add3A_116] : memref<5120xi32, #tpu.memory_space<vmem>> -> memref<128xi32, #tpu.memory_space<vmem>>
          %dma_start3A_121 = arith.constant 0 : i32
          %dma_start3A_122 = arith.constant 0 : i32
          %dma_start3A_123 = tpu.memref_slice %arg2[%dma_start3A_121, %dma_start3A_122] : memref<10000x128xf32, #tpu.memory_space<hbm>> -> memref<10000x128xf32, #tpu.memory_space<hbm>>
          tpu.enqueue_indirect_dma source(%dma_start3A_123 : memref<10000x128xf32, #tpu.memory_space<hbm>>) target(%dma_start3A_119 : memref<128x128xf32, #tpu.memory_space<vmem>>) offsets(%dma_start3A_120 : memref<128xi32, #tpu.memory_space<vmem>>) semaphore(%arg12 : memref<!tpu.dma_semaphore, #tpu.memory_space<semaphore_mem>>)
        } else {
        }
        %mul3A_89 = arith.constant 2 : i32
        %mul3A_90 = arith.muli %scan3A_68, %mul3A_89 : i32
        %add3A_91 = arith.constant 1 : i32
        %add3A_92 = arith.addi %mul3A_90, %add3A_91 : i32
        %mul3A_93 = arith.constant 128 : i32
        %mul3A_94 = arith.muli %add3A_92, %mul3A_93 : i32
        %add3A_95 = arith.constant 0 : i32
        %add3A_96 = arith.addi %mul3A_94, %add3A_95 : i32
        %dma_wait3A_97 = arith.constant 0 : i32
        %dma_wait3A_98 = arith.constant 0 : i32
        %dma_wait3A_99 = tpu.memref_slice %arg10[%dma_wait3A_97, %dma_wait3A_98] : memref<128x128xf32, #tpu.memory_space<vmem>> -> memref<128x128xf32, #tpu.memory_space<vmem>>
        %dma_wait3A_100 = tpu.memref_slice %arg7[%add3A_96] : memref<5120xi32, #tpu.memory_space<vmem>> -> memref<128xi32, #tpu.memory_space<vmem>>
        %dma_wait3A_101 = arith.constant 0 : i32
        %dma_wait3A_102 = arith.constant 0 : i32
        %dma_wait3A_103 = tpu.memref_slice %arg2[%dma_wait3A_101, %dma_wait3A_102] : memref<10000x128xf32, #tpu.memory_space<hbm>> -> memref<10000x128xf32, #tpu.memory_space<hbm>>
        tpu.wait_indirect_dma semaphore(%arg13 : memref<!tpu.dma_semaphore, #tpu.memory_space<semaphore_mem>>) src(%dma_wait3A_103 : memref<10000x128xf32, #tpu.memory_space<hbm>>) dst(%dma_wait3A_99 : memref<128x128xf32, #tpu.memory_space<vmem>>)
        "tpu.region"() ({
          %run_scoped3A = tpu.sem_alloc : memref<!tpu.dma_semaphore, #tpu.memory_space<semaphore_mem>>
          %dma_start3A_111 = arith.constant 0 : i32
          %dma_start3A_112 = tpu.memref_slice %arg8[%add3A_92, %dma_start3A_111] : memref<40x128xi32, #tpu.memory_space<vmem>> -> memref<1x128xi32, #tpu.memory_space<vmem>>
          %dma_start3A_113 = tpu.memref_squeeze %dma_start3A_112 : memref<1x128xi32, #tpu.memory_space<vmem>> -> memref<128xi32, #tpu.memory_space<vmem>>
          %dma_start3A_114 = arith.constant 0 : i32
          %dma_start3A_115 = arith.constant 0 : i32
          %dma_start3A_116 = tpu.memref_slice %arg11[%dma_start3A_114, %dma_start3A_115] : memref<10112x128xf32, #tpu.memory_space<vmem_shared>> -> memref<10112x128xf32, #tpu.memory_space<vmem_shared>>
          tpu.enqueue_indirect_dma source(%arg10 : memref<128x128xf32, #tpu.memory_space<vmem>>) target(%dma_start3A_116 : memref<10112x128xf32, #tpu.memory_space<vmem_shared>>) offsets(%dma_start3A_113 : memref<128xi32, #tpu.memory_space<vmem>>) semaphore(%run_scoped3A : memref<!tpu.dma_semaphore, #tpu.memory_space<semaphore_mem>>) {add = true}
          %dma_wait3A_117 = arith.constant 0 : i32
          %dma_wait3A_118 = tpu.memref_slice %arg8[%add3A_92, %dma_wait3A_117] : memref<40x128xi32, #tpu.memory_space<vmem>> -> memref<1x128xi32, #tpu.memory_space<vmem>>
          %dma_wait3A_119 = tpu.memref_squeeze %dma_wait3A_118 : memref<1x128xi32, #tpu.memory_space<vmem>> -> memref<128xi32, #tpu.memory_space<vmem>>
          %dma_wait3A_120 = arith.constant 0 : i32
          %dma_wait3A_121 = arith.constant 0 : i32
          %dma_wait3A_122 = tpu.memref_slice %arg11[%dma_wait3A_120, %dma_wait3A_121] : memref<10112x128xf32, #tpu.memory_space<vmem_shared>> -> memref<10112x128xf32, #tpu.memory_space<vmem_shared>>
          tpu.wait_indirect_dma semaphore(%run_scoped3A : memref<!tpu.dma_semaphore, #tpu.memory_space<semaphore_mem>>) src(%arg10 : memref<128x128xf32, #tpu.memory_space<vmem>>) dst(%dma_wait3A_122 : memref<10112x128xf32, #tpu.memory_space<vmem_shared>>)
          tpu.yield
        }) : () -> ()
        %add3A_104 = arith.constant 2 : i32
        %add3A_105 = arith.addi %add3A_92, %add3A_104 : i32
        %lt3A_106 = arith.constant 40 : i32
        %lt3A_107 = arith.cmpi slt, %add3A_105, %lt3A_106 : i32
        %convert_element_type3A_108 = arith.extui %lt3A_107 : i1 to i32
        %cond3A_109 = arith.constant 0 : i32
        %cond3A_110 = arith.cmpi ne, %convert_element_type3A_108, %cond3A_109 : i32
        scf.if %cond3A_110 {
          %add3A_111 = arith.constant 2 : i32
          %add3A_112 = arith.addi %add3A_92, %add3A_111 : i32
          %mul3A_113 = arith.constant 128 : i32
          %mul3A_114 = arith.muli %add3A_112, %mul3A_113 : i32
          %add3A_115 = arith.constant 0 : i32
          %add3A_116 = arith.addi %mul3A_114, %add3A_115 : i32
          %dma_start3A_117 = arith.constant 0 : i32
          %dma_start3A_118 = arith.constant 0 : i32
          %dma_start3A_119 = tpu.memref_slice %arg10[%dma_start3A_117, %dma_start3A_118] : memref<128x128xf32, #tpu.memory_space<vmem>> -> memref<128x128xf32, #tpu.memory_space<vmem>>
          %dma_start3A_120 = tpu.memref_slice %arg7[%add3A_116] : memref<5120xi32, #tpu.memory_space<vmem>> -> memref<128xi32, #tpu.memory_space<vmem>>
          %dma_start3A_121 = arith.constant 0 : i32
          %dma_start3A_122 = arith.constant 0 : i32
          %dma_start3A_123 = tpu.memref_slice %arg2[%dma_start3A_121, %dma_start3A_122] : memref<10000x128xf32, #tpu.memory_space<hbm>> -> memref<10000x128xf32, #tpu.memory_space<hbm>>
          tpu.enqueue_indirect_dma source(%dma_start3A_123 : memref<10000x128xf32, #tpu.memory_space<hbm>>) target(%dma_start3A_119 : memref<128x128xf32, #tpu.memory_space<vmem>>) offsets(%dma_start3A_120 : memref<128xi32, #tpu.memory_space<vmem>>) semaphore(%arg13 : memref<!tpu.dma_semaphore, #tpu.memory_space<semaphore_mem>>)
        } else {
        }
      }
      %scan3A_41 = arith.constant 20 : i32
      %add3A_42 = arith.constant 40 : i32
      %add3A_43 = arith.addi %add3A_17, %add3A_42 : i32
      %mul3A_44 = arith.constant 128 : i32
      %mul3A_45 = arith.muli %add3A_43, %mul3A_44 : i32
      "tpu.region"() ({
        %run_scoped3A = tpu.sem_alloc : memref<!tpu.dma_semaphore, #tpu.memory_space<semaphore_mem>>
        %dma_start3A_68 = tpu.memref_slice %arg3[%mul3A_45] : memref<327680xi32, #tpu.memory_space<hbm>> -> memref<5120xi32, #tpu.memory_space<hbm>>
        %dma_start3A_69 = tpu.memref_slice %arg3[%mul3A_45] : memref<327680xi32, #tpu.memory_space<hbm>> -> memref<5120xi32, #tpu.memory_space<hbm>>
        tpu.enqueue_dma source(%dma_start3A_69 : memref<5120xi32, #tpu.memory_space<hbm>>) target(%arg7 : memref<5120xi32, #tpu.memory_space<vmem>>) target_semaphore(%run_scoped3A : memref<!tpu.dma_semaphore, #tpu.memory_space<semaphore_mem>>)
        %dma_wait3A = tpu.memref_slice %arg3[%mul3A_45] : memref<327680xi32, #tpu.memory_space<hbm>> -> memref<5120xi32, #tpu.memory_space<hbm>>
        %dma_wait3A_70 = tpu.memref_slice %arg3[%mul3A_45] : memref<327680xi32, #tpu.memory_space<hbm>> -> memref<5120xi32, #tpu.memory_space<hbm>>
        tpu.wait_dma2 semaphore(%run_scoped3A : memref<!tpu.dma_semaphore, #tpu.memory_space<semaphore_mem>>) src(%dma_wait3A_70 : memref<5120xi32, #tpu.memory_space<hbm>>) dst(%arg7 : memref<5120xi32, #tpu.memory_space<vmem>>)
        tpu.yield
      }) : () -> ()
      "tpu.region"() ({
        %run_scoped3A = tpu.sem_alloc : memref<!tpu.dma_semaphore, #tpu.memory_space<semaphore_mem>>
        %dma_start3A_68 = arith.constant 0 : i32
        %dma_start3A_69 = tpu.memref_slice %arg4[%add3A_43, %dma_start3A_68] : memref<2560x128xi32, #tpu.memory_space<hbm>> -> memref<40x128xi32, #tpu.memory_space<hbm>>
        %dma_start3A_70 = arith.constant 0 : i32
        %dma_start3A_71 = tpu.memref_slice %arg4[%add3A_43, %dma_start3A_70] : memref<2560x128xi32, #tpu.memory_space<hbm>> -> memref<40x128xi32, #tpu.memory_space<hbm>>
        tpu.enqueue_dma source(%dma_start3A_71 : memref<40x128xi32, #tpu.memory_space<hbm>>) target(%arg8 : memref<40x128xi32, #tpu.memory_space<vmem>>) target_semaphore(%run_scoped3A : memref<!tpu.dma_semaphore, #tpu.memory_space<semaphore_mem>>)
        %dma_wait3A = arith.constant 0 : i32
        %dma_wait3A_72 = tpu.memref_slice %arg4[%add3A_43, %dma_wait3A] : memref<2560x128xi32, #tpu.memory_space<hbm>> -> memref<40x128xi32, #tpu.memory_space<hbm>>
        %dma_wait3A_73 = arith.constant 0 : i32
        %dma_wait3A_74 = tpu.memref_slice %arg4[%add3A_43, %dma_wait3A_73] : memref<2560x128xi32, #tpu.memory_space<hbm>> -> memref<40x128xi32, #tpu.memory_space<hbm>>
        tpu.wait_dma2 semaphore(%run_scoped3A : memref<!tpu.dma_semaphore, #tpu.memory_space<semaphore_mem>>) src(%dma_wait3A_74 : memref<40x128xi32, #tpu.memory_space<hbm>>) dst(%arg8 : memref<40x128xi32, #tpu.memory_space<vmem>>)
        tpu.yield
      }) : () -> ()
      %dma_start3A_46 = arith.constant 0 : i32
      %dma_start3A_47 = arith.constant 0 : i32
      %dma_start3A_48 = tpu.memref_slice %arg9[%dma_start3A_46, %dma_start3A_47] : memref<128x128xf32, #tpu.memory_space<vmem>> -> memref<128x128xf32, #tpu.memory_space<vmem>>
      %dma_start3A_49 = arith.constant 0 : i32
      %dma_start3A_50 = tpu.memref_slice %arg7[%dma_start3A_49] : memref<5120xi32, #tpu.memory_space<vmem>> -> memref<128xi32, #tpu.memory_space<vmem>>
      %dma_start3A_51 = arith.constant 0 : i32
      %dma_start3A_52 = arith.constant 0 : i32
      %dma_start3A_53 = tpu.memref_slice %arg2[%dma_start3A_51, %dma_start3A_52] : memref<10000x128xf32, #tpu.memory_space<hbm>> -> memref<10000x128xf32, #tpu.memory_space<hbm>>
      tpu.enqueue_indirect_dma source(%dma_start3A_53 : memref<10000x128xf32, #tpu.memory_space<hbm>>) target(%dma_start3A_48 : memref<128x128xf32, #tpu.memory_space<vmem>>) offsets(%dma_start3A_50 : memref<128xi32, #tpu.memory_space<vmem>>) semaphore(%arg12 : memref<!tpu.dma_semaphore, #tpu.memory_space<semaphore_mem>>)
      %dma_start3A_54 = arith.constant 0 : i32
      %dma_start3A_55 = arith.constant 0 : i32
      %dma_start3A_56 = tpu.memref_slice %arg10[%dma_start3A_54, %dma_start3A_55] : memref<128x128xf32, #tpu.memory_space<vmem>> -> memref<128x128xf32, #tpu.memory_space<vmem>>
      %dma_start3A_57 = arith.constant 128 : i32
      %dma_start3A_58 = tpu.memref_slice %arg7[%dma_start3A_57] : memref<5120xi32, #tpu.memory_space<vmem>> -> memref<128xi32, #tpu.memory_space<vmem>>
      %dma_start3A_59 = arith.constant 0 : i32
      %dma_start3A_60 = arith.constant 0 : i32
      %dma_start3A_61 = tpu.memref_slice %arg2[%dma_start3A_59, %dma_start3A_60] : memref<10000x128xf32, #tpu.memory_space<hbm>> -> memref<10000x128xf32, #tpu.memory_space<hbm>>
      tpu.enqueue_indirect_dma source(%dma_start3A_61 : memref<10000x128xf32, #tpu.memory_space<hbm>>) target(%dma_start3A_56 : memref<128x128xf32, #tpu.memory_space<vmem>>) offsets(%dma_start3A_58 : memref<128xi32, #tpu.memory_space<vmem>>) semaphore(%arg13 : memref<!tpu.dma_semaphore, #tpu.memory_space<semaphore_mem>>)
      %scan3A_62 = arith.constant 0 : i32
      %scan3A_63 = arith.constant 0 : i32
      %scan3A_64 = arith.constant 20 : i32
      %scan3A_65 = arith.addi %scan3A_63, %scan3A_64 : i32
      %scan3A_66 = arith.constant 1 : i32
      scf.for %scan3A_68 = %scan3A_63 to %scan3A_65 step %scan3A_66  : i32 {
        %mul3A_69 = arith.constant 2 : i32
        %mul3A_70 = arith.muli %scan3A_68, %mul3A_69 : i32
        %add3A_71 = arith.constant 0 : i32
        %add3A_72 = arith.addi %mul3A_70, %add3A_71 : i32
        %mul3A_73 = arith.constant 128 : i32
        %mul3A_74 = arith.muli %add3A_72, %mul3A_73 : i32
        %add3A_75 = arith.constant 0 : i32
        %add3A_76 = arith.addi %mul3A_74, %add3A_75 : i32
        %dma_wait3A = arith.constant 0 : i32
        %dma_wait3A_77 = arith.constant 0 : i32
        %dma_wait3A_78 = tpu.memref_slice %arg9[%dma_wait3A, %dma_wait3A_77] : memref<128x128xf32, #tpu.memory_space<vmem>> -> memref<128x128xf32, #tpu.memory_space<vmem>>
        %dma_wait3A_79 = tpu.memref_slice %arg7[%add3A_76] : memref<5120xi32, #tpu.memory_space<vmem>> -> memref<128xi32, #tpu.memory_space<vmem>>
        %dma_wait3A_80 = arith.constant 0 : i32
        %dma_wait3A_81 = arith.constant 0 : i32
        %dma_wait3A_82 = tpu.memref_slice %arg2[%dma_wait3A_80, %dma_wait3A_81] : memref<10000x128xf32, #tpu.memory_space<hbm>> -> memref<10000x128xf32, #tpu.memory_space<hbm>>
        tpu.wait_indirect_dma semaphore(%arg12 : memref<!tpu.dma_semaphore, #tpu.memory_space<semaphore_mem>>) src(%dma_wait3A_82 : memref<10000x128xf32, #tpu.memory_space<hbm>>) dst(%dma_wait3A_78 : memref<128x128xf32, #tpu.memory_space<vmem>>)
        "tpu.region"() ({
          %run_scoped3A = tpu.sem_alloc : memref<!tpu.dma_semaphore, #tpu.memory_space<semaphore_mem>>
          %dma_start3A_111 = arith.constant 0 : i32
          %dma_start3A_112 = tpu.memref_slice %arg8[%add3A_72, %dma_start3A_111] : memref<40x128xi32, #tpu.memory_space<vmem>> -> memref<1x128xi32, #tpu.memory_space<vmem>>
          %dma_start3A_113 = tpu.memref_squeeze %dma_start3A_112 : memref<1x128xi32, #tpu.memory_space<vmem>> -> memref<128xi32, #tpu.memory_space<vmem>>
          %dma_start3A_114 = arith.constant 0 : i32
          %dma_start3A_115 = arith.constant 0 : i32
          %dma_start3A_116 = tpu.memref_slice %arg11[%dma_start3A_114, %dma_start3A_115] : memref<10112x128xf32, #tpu.memory_space<vmem_shared>> -> memref<10112x128xf32, #tpu.memory_space<vmem_shared>>
          tpu.enqueue_indirect_dma source(%arg9 : memref<128x128xf32, #tpu.memory_space<vmem>>) target(%dma_start3A_116 : memref<10112x128xf32, #tpu.memory_space<vmem_shared>>) offsets(%dma_start3A_113 : memref<128xi32, #tpu.memory_space<vmem>>) semaphore(%run_scoped3A : memref<!tpu.dma_semaphore, #tpu.memory_space<semaphore_mem>>) {add = true}
          %dma_wait3A_117 = arith.constant 0 : i32
          %dma_wait3A_118 = tpu.memref_slice %arg8[%add3A_72, %dma_wait3A_117] : memref<40x128xi32, #tpu.memory_space<vmem>> -> memref<1x128xi32, #tpu.memory_space<vmem>>
          %dma_wait3A_119 = tpu.memref_squeeze %dma_wait3A_118 : memref<1x128xi32, #tpu.memory_space<vmem>> -> memref<128xi32, #tpu.memory_space<vmem>>
          %dma_wait3A_120 = arith.constant 0 : i32
          %dma_wait3A_121 = arith.constant 0 : i32
          %dma_wait3A_122 = tpu.memref_slice %arg11[%dma_wait3A_120, %dma_wait3A_121] : memref<10112x128xf32, #tpu.memory_space<vmem_shared>> -> memref<10112x128xf32, #tpu.memory_space<vmem_shared>>
          tpu.wait_indirect_dma semaphore(%run_scoped3A : memref<!tpu.dma_semaphore, #tpu.memory_space<semaphore_mem>>) src(%arg9 : memref<128x128xf32, #tpu.memory_space<vmem>>) dst(%dma_wait3A_122 : memref<10112x128xf32, #tpu.memory_space<vmem_shared>>)
          tpu.yield
        }) : () -> ()
        %add3A_83 = arith.constant 2 : i32
        %add3A_84 = arith.addi %add3A_72, %add3A_83 : i32
        %lt3A = arith.constant 40 : i32
        %lt3A_85 = arith.cmpi slt, %add3A_84, %lt3A : i32
        %convert_element_type3A_86 = arith.extui %lt3A_85 : i1 to i32
        %cond3A_87 = arith.constant 0 : i32
        %cond3A_88 = arith.cmpi ne, %convert_element_type3A_86, %cond3A_87 : i32
        scf.if %cond3A_88 {
          %add3A_111 = arith.constant 2 : i32
          %add3A_112 = arith.addi %add3A_72, %add3A_111 : i32
          %mul3A_113 = arith.constant 128 : i32
          %mul3A_114 = arith.muli %add3A_112, %mul3A_113 : i32
          %add3A_115 = arith.constant 0 : i32
          %add3A_116 = arith.addi %mul3A_114, %add3A_115 : i32
          %dma_start3A_117 = arith.constant 0 : i32
          %dma_start3A_118 = arith.constant 0 : i32
          %dma_start3A_119 = tpu.memref_slice %arg9[%dma_start3A_117, %dma_start3A_118] : memref<128x128xf32, #tpu.memory_space<vmem>> -> memref<128x128xf32, #tpu.memory_space<vmem>>
          %dma_start3A_120 = tpu.memref_slice %arg7[%add3A_116] : memref<5120xi32, #tpu.memory_space<vmem>> -> memref<128xi32, #tpu.memory_space<vmem>>
          %dma_start3A_121 = arith.constant 0 : i32
          %dma_start3A_122 = arith.constant 0 : i32
          %dma_start3A_123 = tpu.memref_slice %arg2[%dma_start3A_121, %dma_start3A_122] : memref<10000x128xf32, #tpu.memory_space<hbm>> -> memref<10000x128xf32, #tpu.memory_space<hbm>>
          tpu.enqueue_indirect_dma source(%dma_start3A_123 : memref<10000x128xf32, #tpu.memory_space<hbm>>) target(%dma_start3A_119 : memref<128x128xf32, #tpu.memory_space<vmem>>) offsets(%dma_start3A_120 : memref<128xi32, #tpu.memory_space<vmem>>) semaphore(%arg12 : memref<!tpu.dma_semaphore, #tpu.memory_space<semaphore_mem>>)
        } else {
        }
        %mul3A_89 = arith.constant 2 : i32
        %mul3A_90 = arith.muli %scan3A_68, %mul3A_89 : i32
        %add3A_91 = arith.constant 1 : i32
        %add3A_92 = arith.addi %mul3A_90, %add3A_91 : i32
        %mul3A_93 = arith.constant 128 : i32
        %mul3A_94 = arith.muli %add3A_92, %mul3A_93 : i32
        %add3A_95 = arith.constant 0 : i32
        %add3A_96 = arith.addi %mul3A_94, %add3A_95 : i32
        %dma_wait3A_97 = arith.constant 0 : i32
        %dma_wait3A_98 = arith.constant 0 : i32
        %dma_wait3A_99 = tpu.memref_slice %arg10[%dma_wait3A_97, %dma_wait3A_98] : memref<128x128xf32, #tpu.memory_space<vmem>> -> memref<128x128xf32, #tpu.memory_space<vmem>>
        %dma_wait3A_100 = tpu.memref_slice %arg7[%add3A_96] : memref<5120xi32, #tpu.memory_space<vmem>> -> memref<128xi32, #tpu.memory_space<vmem>>
        %dma_wait3A_101 = arith.constant 0 : i32
        %dma_wait3A_102 = arith.constant 0 : i32
        %dma_wait3A_103 = tpu.memref_slice %arg2[%dma_wait3A_101, %dma_wait3A_102] : memref<10000x128xf32, #tpu.memory_space<hbm>> -> memref<10000x128xf32, #tpu.memory_space<hbm>>
        tpu.wait_indirect_dma semaphore(%arg13 : memref<!tpu.dma_semaphore, #tpu.memory_space<semaphore_mem>>) src(%dma_wait3A_103 : memref<10000x128xf32, #tpu.memory_space<hbm>>) dst(%dma_wait3A_99 : memref<128x128xf32, #tpu.memory_space<vmem>>)
        "tpu.region"() ({
          %run_scoped3A = tpu.sem_alloc : memref<!tpu.dma_semaphore, #tpu.memory_space<semaphore_mem>>
          %dma_start3A_111 = arith.constant 0 : i32
          %dma_start3A_112 = tpu.memref_slice %arg8[%add3A_92, %dma_start3A_111] : memref<40x128xi32, #tpu.memory_space<vmem>> -> memref<1x128xi32, #tpu.memory_space<vmem>>
          %dma_start3A_113 = tpu.memref_squeeze %dma_start3A_112 : memref<1x128xi32, #tpu.memory_space<vmem>> -> memref<128xi32, #tpu.memory_space<vmem>>
          %dma_start3A_114 = arith.constant 0 : i32
          %dma_start3A_115 = arith.constant 0 : i32
          %dma_start3A_116 = tpu.memref_slice %arg11[%dma_start3A_114, %dma_start3A_115] : memref<10112x128xf32, #tpu.memory_space<vmem_shared>> -> memref<10112x128xf32, #tpu.memory_space<vmem_shared>>
          tpu.enqueue_indirect_dma source(%arg10 : memref<128x128xf32, #tpu.memory_space<vmem>>) target(%dma_start3A_116 : memref<10112x128xf32, #tpu.memory_space<vmem_shared>>) offsets(%dma_start3A_113 : memref<128xi32, #tpu.memory_space<vmem>>) semaphore(%run_scoped3A : memref<!tpu.dma_semaphore, #tpu.memory_space<semaphore_mem>>) {add = true}
          %dma_wait3A_117 = arith.constant 0 : i32
          %dma_wait3A_118 = tpu.memref_slice %arg8[%add3A_92, %dma_wait3A_117] : memref<40x128xi32, #tpu.memory_space<vmem>> -> memref<1x128xi32, #tpu.memory_space<vmem>>
          %dma_wait3A_119 = tpu.memref_squeeze %dma_wait3A_118 : memref<1x128xi32, #tpu.memory_space<vmem>> -> memref<128xi32, #tpu.memory_space<vmem>>
          %dma_wait3A_120 = arith.constant 0 : i32
          %dma_wait3A_121 = arith.constant 0 : i32
          %dma_wait3A_122 = tpu.memref_slice %arg11[%dma_wait3A_120, %dma_wait3A_121] : memref<10112x128xf32, #tpu.memory_space<vmem_shared>> -> memref<10112x128xf32, #tpu.memory_space<vmem_shared>>
          tpu.wait_indirect_dma semaphore(%run_scoped3A : memref<!tpu.dma_semaphore, #tpu.memory_space<semaphore_mem>>) src(%arg10 : memref<128x128xf32, #tpu.memory_space<vmem>>) dst(%dma_wait3A_122 : memref<10112x128xf32, #tpu.memory_space<vmem_shared>>)
          tpu.yield
        }) : () -> ()
        %add3A_104 = arith.constant 2 : i32
        %add3A_105 = arith.addi %add3A_92, %add3A_104 : i32
        %lt3A_106 = arith.constant 40 : i32
        %lt3A_107 = arith.cmpi slt, %add3A_105, %lt3A_106 : i32
        %convert_element_type3A_108 = arith.extui %lt3A_107 : i1 to i32
        %cond3A_109 = arith.constant 0 : i32
        %cond3A_110 = arith.cmpi ne, %convert_element_type3A_108, %cond3A_109 : i32
        scf.if %cond3A_110 {
          %add3A_111 = arith.constant 2 : i32
          %add3A_112 = arith.addi %add3A_92, %add3A_111 : i32
          %mul3A_113 = arith.constant 128 : i32
          %mul3A_114 = arith.muli %add3A_112, %mul3A_113 : i32
          %add3A_115 = arith.constant 0 : i32
          %add3A_116 = arith.addi %mul3A_114, %add3A_115 : i32
          %dma_start3A_117 = arith.constant 0 : i32
          %dma_start3A_118 = arith.constant 0 : i32
          %dma_start3A_119 = tpu.memref_slice %arg10[%dma_start3A_117, %dma_start3A_118] : memref<128x128xf32, #tpu.memory_space<vmem>> -> memref<128x128xf32, #tpu.memory_space<vmem>>
          %dma_start3A_120 = tpu.memref_slice %arg7[%add3A_116] : memref<5120xi32, #tpu.memory_space<vmem>> -> memref<128xi32, #tpu.memory_space<vmem>>
          %dma_start3A_121 = arith.constant 0 : i32
          %dma_start3A_122 = arith.constant 0 : i32
          %dma_start3A_123 = tpu.memref_slice %arg2[%dma_start3A_121, %dma_start3A_122] : memref<10000x128xf32, #tpu.memory_space<hbm>> -> memref<10000x128xf32, #tpu.memory_space<hbm>>
          tpu.enqueue_indirect_dma source(%dma_start3A_123 : memref<10000x128xf32, #tpu.memory_space<hbm>>) target(%dma_start3A_119 : memref<128x128xf32, #tpu.memory_space<vmem>>) offsets(%dma_start3A_120 : memref<128xi32, #tpu.memory_space<vmem>>) semaphore(%arg13 : memref<!tpu.dma_semaphore, #tpu.memory_space<semaphore_mem>>)
        } else {
        }
      }
      %scan3A_67 = arith.constant 20 : i32
    } else {
    }
    %barrier3A_10 = arith.constant 0 : index
    tpu.barrier barrier_id(%barrier3A_10)
    %mul3A_11 = arith.constant 632 : i32
    %mul3A_12 = arith.muli %arg1, %mul3A_11 : i32
    %mul3A_13 = arith.constant 632 : i32
    %mul3A_14 = arith.muli %arg1, %mul3A_13 : i32
    "tpu.region"() ({
      %run_scoped3A = tpu.sem_alloc : memref<!tpu.dma_semaphore, #tpu.memory_space<semaphore_mem>>
      %dma_start3A = arith.constant 0 : i32
      %dma_start3A_15 = tpu.memref_slice %arg6[%arg0, %mul3A_14, %dma_start3A] : memref<2x10112x128xf32, #tpu.memory_space<hbm>> -> memref<1x632x128xf32, #tpu.memory_space<hbm>>
      %dma_start3A_16 = tpu.memref_squeeze %dma_start3A_15 : memref<1x632x128xf32, #tpu.memory_space<hbm>> -> memref<632x128xf32, #tpu.memory_space<hbm>>
      %dma_start3A_17 = arith.constant 0 : i32
      %dma_start3A_18 = tpu.memref_slice %arg11[%mul3A_12, %dma_start3A_17] : memref<10112x128xf32, #tpu.memory_space<vmem_shared>> -> memref<632x128xf32, #tpu.memory_space<vmem_shared>>
      tpu.enqueue_dma source(%dma_start3A_18 : memref<632x128xf32, #tpu.memory_space<vmem_shared>>) target(%dma_start3A_16 : memref<632x128xf32, #tpu.memory_space<hbm>>) target_semaphore(%run_scoped3A : memref<!tpu.dma_semaphore, #tpu.memory_space<semaphore_mem>>)
      %dma_wait3A = arith.constant 0 : i32
      %dma_wait3A_19 = tpu.memref_slice %arg6[%arg0, %mul3A_14, %dma_wait3A] : memref<2x10112x128xf32, #tpu.memory_space<hbm>> -> memref<1x632x128xf32, #tpu.memory_space<hbm>>
      %dma_wait3A_20 = tpu.memref_squeeze %dma_wait3A_19 : memref<1x632x128xf32, #tpu.memory_space<hbm>> -> memref<632x128xf32, #tpu.memory_space<hbm>>
      %dma_wait3A_21 = arith.constant 0 : i32
      %dma_wait3A_22 = tpu.memref_slice %arg11[%mul3A_12, %dma_wait3A_21] : memref<10112x128xf32, #tpu.memory_space<vmem_shared>> -> memref<632x128xf32, #tpu.memory_space<vmem_shared>>
      tpu.wait_dma2 semaphore(%run_scoped3A : memref<!tpu.dma_semaphore, #tpu.memory_space<semaphore_mem>>) src(%dma_wait3A_22 : memref<632x128xf32, #tpu.memory_space<vmem_shared>>) dst(%dma_wait3A_20 : memref<632x128xf32, #tpu.memory_space<hbm>>)
      tpu.yield
    }) : () -> ()
    return
  }
}

module attributes {stable_mosaic.version = 14 : i64} {
  func.func @_mm_scale_body(%arg0: i32, %arg1: memref<2x2000x128xf32, #tpu.memory_space<vmem>>, %arg2: memref<2000x128xf32, #tpu.memory_space<vmem>>, %arg3: memref<128x128xf32, #tpu.memory_space<vmem>>, %arg4: memref<2000x128xf32, #tpu.memory_space<vmem>>) attributes {dimension_semantics = [#tpu.dimension_semantics<arbitrary>], iteration_bounds = array<i64: 5>, scalar_prefetch = 0 : i64, scratch_operands = 0 : i64, tpu.core_type = #tpu.core_type<tc>, window_params = [{transform_indices = @transform_0, window_bounds = array<i64: 2, 2000, 128>}, {transform_indices = @transform_1, window_bounds = array<i64: 2000, 128>}, {pipeline_mode = #tpu.pipeline_mode<synchronous>, transform_indices = @transform_2, window_bounds = array<i64: 128, 128>}, {transform_indices = @transform_3, window_bounds = array<i64: 2000, 128>}]} {
    %get3A = arith.constant 0 : index
    %get3A_0 = arith.constant 0 : index
    %get3A_1 = arith.constant 0 : index
    %get3A_2 = vector.load %arg1[%get3A, %get3A_0, %get3A_1] : memref<2x2000x128xf32, #tpu.memory_space<vmem>>, vector<1x2000x128xf32>
    %get3A_3 = vector.shape_cast %get3A_2 : vector<1x2000x128xf32> to vector<2000x128xf32>
    %get3A_4 = arith.constant 1 : index
    %get3A_5 = arith.constant 0 : index
    %get3A_6 = arith.constant 0 : index
    %get3A_7 = vector.load %arg1[%get3A_4, %get3A_5, %get3A_6] : memref<2x2000x128xf32, #tpu.memory_space<vmem>>, vector<1x2000x128xf32>
    %get3A_8 = vector.shape_cast %get3A_7 : vector<1x2000x128xf32> to vector<2000x128xf32>
    %add3A = arith.addf %get3A_3, %get3A_8 : vector<2000x128xf32>
    %add3A_9 = arith.constant 1.000000e+00 : f32
    %add3A_10 = vector.broadcast %add3A_9 : f32 to vector<2000x128xf32>
    %add3A_11 = arith.addf %add3A, %add3A_10 : vector<2000x128xf32>
    %rsqrt3A = math.rsqrt %add3A_11 : vector<2000x128xf32>
    %slice3A = vector.extract_strided_slice %rsqrt3A {offsets = [0, 0], sizes = [2000, 1], strides = [1, 1]} : vector<2000x128xf32> to vector<2000x1xf32>
    %get3A_12 = arith.constant 0 : index
    %get3A_13 = arith.constant 0 : index
    %get3A_14 = vector.load %arg2[%get3A_12, %get3A_13] : memref<2000x128xf32, #tpu.memory_space<vmem>>, vector<2000x128xf32>
    %get3A_15 = arith.constant 0 : index
    %get3A_16 = arith.constant 0 : index
    %get3A_17 = vector.load %arg3[%get3A_15, %get3A_16] : memref<128x128xf32, #tpu.memory_space<vmem>>, vector<128x128xf32>
    %dot_general3A = arith.constant dense<0.000000e+00> : vector<2000x128xf32>
    %dot_general3A_18 = tpu.matmul %get3A_14, %get3A_17, %dot_general3A {dimension_numbers = #tpu.dot_dimension_numbers<[1], [0], [0], [1], [0, 0, 1, 1], [], []>, transpose_lhs_hint = false} : vector<2000x128xf32>, vector<128x128xf32>, vector<2000x128xf32> -> vector<2000x128xf32>
    %mul3A = vector.broadcast %slice3A : vector<2000x1xf32> to vector<2000x128xf32>
    %mul3A_19 = arith.mulf %dot_general3A_18, %mul3A : vector<2000x128xf32>
    %swap3A = arith.constant 0 : index
    %swap3A_20 = arith.constant 0 : index
    %swap3A_21 = vector.load %arg4[%swap3A, %swap3A_20] : memref<2000x128xf32, #tpu.memory_space<vmem>>, vector<2000x128xf32>
    tpu.vector_store %arg4[%swap3A, %swap3A_20], %mul3A_19 {strides = array<i32>} : memref<2000x128xf32, #tpu.memory_space<vmem>>, vector<2000x128xf32>,
    return
  }
  func.func @transform_0(%arg0: i32) -> (i32, i32, i32) {
    %c0_i32 = arith.constant 0 : i32
    %c0_i32_0 = arith.constant 0 : i32
    %c0_i32_1 = arith.constant 0 : i32
    return %c0_i32, %arg0, %c0_i32_0 : i32, i32, i32
  }
  func.func @transform_1(%arg0: i32) -> (i32, i32) {
    %c0_i32 = arith.constant 0 : i32
    %c0_i32_0 = arith.constant 0 : i32
    return %arg0, %c0_i32 : i32, i32
  }
  func.func @transform_2(%arg0: i32) -> (i32, i32) {
    %c0_i32 = arith.constant 0 : i32
    %c0_i32_0 = arith.constant 0 : i32
    %c0_i32_1 = arith.constant 0 : i32
    return %c0_i32, %c0_i32_0 : i32, i32
  }
  func.func @transform_3(%arg0: i32) -> (i32, i32) {
    %c0_i32 = arith.constant 0 : i32
    %c0_i32_0 = arith.constant 0 : i32
    return %arg0, %c0_i32 : i32, i32
  }
}

module attributes {stable_mosaic.version = 14 : i64} {
  func.func @_layer_body(%arg0: i32, %arg1: memref<2x2000x128xf32, #tpu.memory_space<vmem>>, %arg2: memref<2x2000x128xf32, #tpu.memory_space<vmem>>, %arg3: memref<2000x128xf32, #tpu.memory_space<vmem>>, %arg4: memref<128x128xf32, #tpu.memory_space<vmem>>, %arg5: memref<1x128xf32, #tpu.memory_space<vmem>>, %arg6: memref<2000x128xf32, #tpu.memory_space<vmem>>) attributes {dimension_semantics = [#tpu.dimension_semantics<arbitrary>], iteration_bounds = array<i64: 5>, scalar_prefetch = 0 : i64, scratch_operands = 0 : i64, tpu.core_type = #tpu.core_type<tc>, window_params = [{transform_indices = @transform_0, window_bounds = array<i64: 2, 2000, 128>}, {transform_indices = @transform_1, window_bounds = array<i64: 2, 2000, 128>}, {transform_indices = @transform_2, window_bounds = array<i64: 2000, 128>}, {pipeline_mode = #tpu.pipeline_mode<synchronous>, transform_indices = @transform_3, window_bounds = array<i64: 128, 128>}, {pipeline_mode = #tpu.pipeline_mode<synchronous>, transform_indices = @transform_4, window_bounds = array<i64: 1, 128>}, {transform_indices = @transform_5, window_bounds = array<i64: 2000, 128>}]} {
    %get3A = arith.constant 0 : index
    %get3A_0 = arith.constant 0 : index
    %get3A_1 = arith.constant 0 : index
    %get3A_2 = vector.load %arg1[%get3A, %get3A_0, %get3A_1] : memref<2x2000x128xf32, #tpu.memory_space<vmem>>, vector<1x2000x128xf32>
    %get3A_3 = vector.shape_cast %get3A_2 : vector<1x2000x128xf32> to vector<2000x128xf32>
    %get3A_4 = arith.constant 1 : index
    %get3A_5 = arith.constant 0 : index
    %get3A_6 = arith.constant 0 : index
    %get3A_7 = vector.load %arg1[%get3A_4, %get3A_5, %get3A_6] : memref<2x2000x128xf32, #tpu.memory_space<vmem>>, vector<1x2000x128xf32>
    %get3A_8 = vector.shape_cast %get3A_7 : vector<1x2000x128xf32> to vector<2000x128xf32>
    %add3A = arith.addf %get3A_3, %get3A_8 : vector<2000x128xf32>
    %add3A_9 = arith.constant 1.000000e+00 : f32
    %add3A_10 = vector.broadcast %add3A_9 : f32 to vector<2000x128xf32>
    %add3A_11 = arith.addf %add3A, %add3A_10 : vector<2000x128xf32>
    %rsqrt3A = math.rsqrt %add3A_11 : vector<2000x128xf32>
    %slice3A = vector.extract_strided_slice %rsqrt3A {offsets = [0, 0], sizes = [2000, 1], strides = [1, 1]} : vector<2000x128xf32> to vector<2000x1xf32>
    %get3A_12 = arith.constant 0 : index
    %get3A_13 = arith.constant 0 : index
    %get3A_14 = arith.constant 0 : index
    %get3A_15 = vector.load %arg2[%get3A_12, %get3A_13, %get3A_14] : memref<2x2000x128xf32, #tpu.memory_space<vmem>>, vector<1x2000x128xf32>
    %get3A_16 = vector.shape_cast %get3A_15 : vector<1x2000x128xf32> to vector<2000x128xf32>
    %get3A_17 = arith.constant 1 : index
    %get3A_18 = arith.constant 0 : index
    %get3A_19 = arith.constant 0 : index
    %get3A_20 = vector.load %arg2[%get3A_17, %get3A_18, %get3A_19] : memref<2x2000x128xf32, #tpu.memory_space<vmem>>, vector<1x2000x128xf32>
    %get3A_21 = vector.shape_cast %get3A_20 : vector<1x2000x128xf32> to vector<2000x128xf32>
    %add3A_22 = arith.addf %get3A_16, %get3A_21 : vector<2000x128xf32>
    %get3A_23 = arith.constant 0 : index
    %get3A_24 = arith.constant 0 : index
    %get3A_25 = vector.load %arg3[%get3A_23, %get3A_24] : memref<2000x128xf32, #tpu.memory_space<vmem>>, vector<2000x128xf32>
    %add3A_26 = arith.addf %add3A_22, %get3A_25 : vector<2000x128xf32>
    %mul3A = vector.broadcast %slice3A : vector<2000x1xf32> to vector<2000x128xf32>
    %mul3A_27 = arith.mulf %mul3A, %add3A_26 : vector<2000x128xf32>
    %get3A_28 = arith.constant 0 : index
    %get3A_29 = arith.constant 0 : index
    %get3A_30 = vector.load %arg5[%get3A_28, %get3A_29] : memref<1x128xf32, #tpu.memory_space<vmem>>, vector<1x128xf32>
    %add3A_31 = vector.broadcast %get3A_30 : vector<1x128xf32> to vector<2000x128xf32>
    %add3A_32 = arith.addf %mul3A_27, %add3A_31 : vector<2000x128xf32>
    %max3A = arith.constant 0.000000e+00 : f32
    %max3A_33 = vector.broadcast %max3A : f32 to vector<2000x128xf32>
    %max3A_34 = arith.maximumf %add3A_32, %max3A_33 : vector<2000x128xf32>
    %get3A_35 = arith.constant 0 : index
    %get3A_36 = arith.constant 0 : index
    %get3A_37 = vector.load %arg4[%get3A_35, %get3A_36] : memref<128x128xf32, #tpu.memory_space<vmem>>, vector<128x128xf32>
    %dot_general3A = arith.constant dense<0.000000e+00> : vector<2000x128xf32>
    %dot_general3A_38 = tpu.matmul %max3A_34, %get3A_37, %dot_general3A {dimension_numbers = #tpu.dot_dimension_numbers<[1], [0], [0], [1], [0, 0, 1, 1], [], []>, transpose_lhs_hint = false} : vector<2000x128xf32>, vector<128x128xf32>, vector<2000x128xf32> -> vector<2000x128xf32>
    %mul3A_39 = vector.broadcast %slice3A : vector<2000x1xf32> to vector<2000x128xf32>
    %mul3A_40 = arith.mulf %dot_general3A_38, %mul3A_39 : vector<2000x128xf32>
    %swap3A = arith.constant 0 : index
    %swap3A_41 = arith.constant 0 : index
    %swap3A_42 = vector.load %arg6[%swap3A, %swap3A_41] : memref<2000x128xf32, #tpu.memory_space<vmem>>, vector<2000x128xf32>
    tpu.vector_store %arg6[%swap3A, %swap3A_41], %mul3A_40 {strides = array<i32>} : memref<2000x128xf32, #tpu.memory_space<vmem>>, vector<2000x128xf32>,
    return
  }
  func.func @transform_0(%arg0: i32) -> (i32, i32, i32) {
    %c0_i32 = arith.constant 0 : i32
    %c0_i32_0 = arith.constant 0 : i32
    %c0_i32_1 = arith.constant 0 : i32
    return %c0_i32, %arg0, %c0_i32_0 : i32, i32, i32
  }
  func.func @transform_1(%arg0: i32) -> (i32, i32, i32) {
    %c0_i32 = arith.constant 0 : i32
    %c0_i32_0 = arith.constant 0 : i32
    %c0_i32_1 = arith.constant 0 : i32
    return %c0_i32, %arg0, %c0_i32_0 : i32, i32, i32
  }
  func.func @transform_2(%arg0: i32) -> (i32, i32) {
    %c0_i32 = arith.constant 0 : i32
    %c0_i32_0 = arith.constant 0 : i32
    return %arg0, %c0_i32 : i32, i32
  }
  func.func @transform_3(%arg0: i32) -> (i32, i32) {
    %c0_i32 = arith.constant 0 : i32
    %c0_i32_0 = arith.constant 0 : i32
    %c0_i32_1 = arith.constant 0 : i32
    return %c0_i32, %c0_i32_0 : i32, i32
  }
  func.func @transform_4(%arg0: i32) -> (i32, i32) {
    %c0_i32 = arith.constant 0 : i32
    %c0_i32_0 = arith.constant 0 : i32
    %c0_i32_1 = arith.constant 0 : i32
    return %c0_i32, %c0_i32_0 : i32, i32
  }
  func.func @transform_5(%arg0: i32) -> (i32, i32) {
    %c0_i32 = arith.constant 0 : i32
    %c0_i32_0 = arith.constant 0 : i32
    return %arg0, %c0_i32 : i32, i32
  }
}

module attributes {stable_mosaic.version = 14 : i64} {
  func.func @_final_body(%arg0: i32, %arg1: memref<2x2000x128xf32, #tpu.memory_space<vmem>>, %arg2: memref<2x2000x128xf32, #tpu.memory_space<vmem>>, %arg3: memref<2000x128xf32, #tpu.memory_space<vmem>>, %arg4: memref<128x128xf32, #tpu.memory_space<vmem>>, %arg5: memref<1x128xf32, #tpu.memory_space<vmem>>, %arg6: memref<1x128xf32, #tpu.memory_space<vmem>>, %arg7: memref<2000x128xf32, #tpu.memory_space<vmem>>) attributes {dimension_semantics = [#tpu.dimension_semantics<arbitrary>], iteration_bounds = array<i64: 5>, scalar_prefetch = 0 : i64, scratch_operands = 0 : i64, tpu.core_type = #tpu.core_type<tc>, window_params = [{transform_indices = @transform_0, window_bounds = array<i64: 2, 2000, 128>}, {transform_indices = @transform_1, window_bounds = array<i64: 2, 2000, 128>}, {transform_indices = @transform_2, window_bounds = array<i64: 2000, 128>}, {pipeline_mode = #tpu.pipeline_mode<synchronous>, transform_indices = @transform_3, window_bounds = array<i64: 128, 128>}, {pipeline_mode = #tpu.pipeline_mode<synchronous>, transform_indices = @transform_4, window_bounds = array<i64: 1, 128>}, {pipeline_mode = #tpu.pipeline_mode<synchronous>, transform_indices = @transform_5, window_bounds = array<i64: 1, 128>}, {transform_indices = @transform_6, window_bounds = array<i64: 2000, 128>}]} {
    %get3A = arith.constant 0 : index
    %get3A_0 = arith.constant 0 : index
    %get3A_1 = arith.constant 0 : index
    %get3A_2 = vector.load %arg1[%get3A, %get3A_0, %get3A_1] : memref<2x2000x128xf32, #tpu.memory_space<vmem>>, vector<1x2000x128xf32>
    %get3A_3 = vector.shape_cast %get3A_2 : vector<1x2000x128xf32> to vector<2000x128xf32>
    %get3A_4 = arith.constant 1 : index
    %get3A_5 = arith.constant 0 : index
    %get3A_6 = arith.constant 0 : index
    %get3A_7 = vector.load %arg1[%get3A_4, %get3A_5, %get3A_6] : memref<2x2000x128xf32, #tpu.memory_space<vmem>>, vector<1x2000x128xf32>
    %get3A_8 = vector.shape_cast %get3A_7 : vector<1x2000x128xf32> to vector<2000x128xf32>
    %add3A = arith.addf %get3A_3, %get3A_8 : vector<2000x128xf32>
    %add3A_9 = arith.constant 1.000000e+00 : f32
    %add3A_10 = vector.broadcast %add3A_9 : f32 to vector<2000x128xf32>
    %add3A_11 = arith.addf %add3A, %add3A_10 : vector<2000x128xf32>
    %rsqrt3A = math.rsqrt %add3A_11 : vector<2000x128xf32>
    %slice3A = vector.extract_strided_slice %rsqrt3A {offsets = [0, 0], sizes = [2000, 1], strides = [1, 1]} : vector<2000x128xf32> to vector<2000x1xf32>
    %get3A_12 = arith.constant 0 : index
    %get3A_13 = arith.constant 0 : index
    %get3A_14 = arith.constant 0 : index
    %get3A_15 = vector.load %arg2[%get3A_12, %get3A_13, %get3A_14] : memref<2x2000x128xf32, #tpu.memory_space<vmem>>, vector<1x2000x128xf32>
    %get3A_16 = vector.shape_cast %get3A_15 : vector<1x2000x128xf32> to vector<2000x128xf32>
    %get3A_17 = arith.constant 1 : index
    %get3A_18 = arith.constant 0 : index
    %get3A_19 = arith.constant 0 : index
    %get3A_20 = vector.load %arg2[%get3A_17, %get3A_18, %get3A_19] : memref<2x2000x128xf32, #tpu.memory_space<vmem>>, vector<1x2000x128xf32>
    %get3A_21 = vector.shape_cast %get3A_20 : vector<1x2000x128xf32> to vector<2000x128xf32>
    %add3A_22 = arith.addf %get3A_16, %get3A_21 : vector<2000x128xf32>
    %get3A_23 = arith.constant 0 : index
    %get3A_24 = arith.constant 0 : index
    %get3A_25 = vector.load %arg3[%get3A_23, %get3A_24] : memref<2000x128xf32, #tpu.memory_space<vmem>>, vector<2000x128xf32>
    %add3A_26 = arith.addf %add3A_22, %get3A_25 : vector<2000x128xf32>
    %mul3A = vector.broadcast %slice3A : vector<2000x1xf32> to vector<2000x128xf32>
    %mul3A_27 = arith.mulf %mul3A, %add3A_26 : vector<2000x128xf32>
    %get3A_28 = arith.constant 0 : index
    %get3A_29 = arith.constant 0 : index
    %get3A_30 = vector.load %arg5[%get3A_28, %get3A_29] : memref<1x128xf32, #tpu.memory_space<vmem>>, vector<1x128xf32>
    %add3A_31 = vector.broadcast %get3A_30 : vector<1x128xf32> to vector<2000x128xf32>
    %add3A_32 = arith.addf %mul3A_27, %add3A_31 : vector<2000x128xf32>
    %max3A = arith.constant 0.000000e+00 : f32
    %max3A_33 = vector.broadcast %max3A : f32 to vector<2000x128xf32>
    %max3A_34 = arith.maximumf %add3A_32, %max3A_33 : vector<2000x128xf32>
    %get3A_35 = arith.constant 0 : index
    %get3A_36 = arith.constant 0 : index
    %get3A_37 = vector.load %arg4[%get3A_35, %get3A_36] : memref<128x128xf32, #tpu.memory_space<vmem>>, vector<128x128xf32>
    %dot_general3A = arith.constant dense<0.000000e+00> : vector<2000x128xf32>
    %dot_general3A_38 = tpu.matmul %max3A_34, %get3A_37, %dot_general3A {dimension_numbers = #tpu.dot_dimension_numbers<[1], [0], [0], [1], [0, 0, 1, 1], [], []>, transpose_lhs_hint = false} : vector<2000x128xf32>, vector<128x128xf32>, vector<2000x128xf32> -> vector<2000x128xf32>
    %get3A_39 = arith.constant 0 : index
    %get3A_40 = arith.constant 0 : index
    %get3A_41 = vector.load %arg6[%get3A_39, %get3A_40] : memref<1x128xf32, #tpu.memory_space<vmem>>, vector<1x128xf32>
    %add3A_42 = vector.broadcast %get3A_41 : vector<1x128xf32> to vector<2000x128xf32>
    %add3A_43 = arith.addf %dot_general3A_38, %add3A_42 : vector<2000x128xf32>
    %swap3A = arith.constant 0 : index
    %swap3A_44 = arith.constant 0 : index
    %swap3A_45 = vector.load %arg7[%swap3A, %swap3A_44] : memref<2000x128xf32, #tpu.memory_space<vmem>>, vector<2000x128xf32>
    tpu.vector_store %arg7[%swap3A, %swap3A_44], %add3A_43 {strides = array<i32>} : memref<2000x128xf32, #tpu.memory_space<vmem>>, vector<2000x128xf32>,
    return
  }
  func.func @transform_0(%arg0: i32) -> (i32, i32, i32) {
    %c0_i32 = arith.constant 0 : i32
    %c0_i32_0 = arith.constant 0 : i32
    %c0_i32_1 = arith.constant 0 : i32
    return %c0_i32, %arg0, %c0_i32_0 : i32, i32, i32
  }
  func.func @transform_1(%arg0: i32) -> (i32, i32, i32) {
    %c0_i32 = arith.constant 0 : i32
    %c0_i32_0 = arith.constant 0 : i32
    %c0_i32_1 = arith.constant 0 : i32
    return %c0_i32, %arg0, %c0_i32_0 : i32, i32, i32
  }
  func.func @transform_2(%arg0: i32) -> (i32, i32) {
    %c0_i32 = arith.constant 0 : i32
    %c0_i32_0 = arith.constant 0 : i32
    return %arg0, %c0_i32 : i32, i32
  }
  func.func @transform_3(%arg0: i32) -> (i32, i32) {
    %c0_i32 = arith.constant 0 : i32
    %c0_i32_0 = arith.constant 0 : i32
    %c0_i32_1 = arith.constant 0 : i32
    return %c0_i32, %c0_i32_0 : i32, i32
  }
  func.func @transform_4(%arg0: i32) -> (i32, i32) {
    %c0_i32 = arith.constant 0 : i32
    %c0_i32_0 = arith.constant 0 : i32
    %c0_i32_1 = arith.constant 0 : i32
    return %c0_i32, %c0_i32_0 : i32, i32
  }
  func.func @transform_5(%arg0: i32) -> (i32, i32) {
    %c0_i32 = arith.constant 0 : i32
    %c0_i32_0 = arith.constant 0 : i32
    %c0_i32_1 = arith.constant 0 : i32
    return %c0_i32, %c0_i32_0 : i32, i32
  }
  func.func @transform_6(%arg0: i32) -> (i32, i32) {
    %c0_i32 = arith.constant 0 : i32
    %c0_i32_0 = arith.constant 0 : i32
    return %arg0, %c0_i32 : i32, i32
  }
}

</mosaic_0001>

<sc_bundles>
// kernel: kernel.11.cloned.1.call-start
scs
__scs_entry_jumppad:
0x0: {  	(pc) =	sbr.rel $0x88, $3  }
0x1: {  	(tag) =	ssettag $0x0;
	lr =	simm.s32 $0x1  }
0x2: {  	[smem:$0x3F99] =	sst lr;
	_ =	strace $0xD0000000  }
0x3: {  	_ = 	snop  }
0x4: {  	_ = 	snop  }
0x5: {  	_ = 	snop  }
0x6: {  	_ = 	snop  }
0x7: {  	_ = 	snop  }
__scs_overlays_trampoline_lowered:
0x8: {  	[smem:$0x3FA8] =	sst s0  }
0x9: {  	[smem:$0x3FA9] =	sst s1  }
0xa: {  	[smem:$0x3FAA] =	sst s2  }
0xb: {  	[smem:$0x3FAB] =	sst s3  }
0xc: {  	[smem:$0x3FAC] =	sst s4  }
0xd: {  	[smem:$0x3FAD] =	sst s5  }
0xe: {  	[smem:$0x3FAE] =	sst s6  }
0xf: {  	[smem:$0x3FAF] =	sst s7  }
0x10: {  	[smem:$0x3FB0] =	sst s8  }
0x11: {  	[smem:$0x3FB1] =	sst s9;
	s0 =	simm.s32 @!p0 $0x0  }
0x12: {  	s1 =	sld [smem:$0x3F97];
	s0 =	simm.s32 @p0 $0x1  }
0x13: {  	[smem:$0x3FB2] =	sst s0;
	s0 =	simm.s32 @!p1 $0x0  }
0x14: {  	s2 =	sld [smem:$0x3F96];
	s0 =	simm.s32 @p1 $0x1  }
0x15: {  	[smem:$0x3FB3] =	sst s0;
	s0 =	simm.s32 @!p2 $0x0  }
0x16: {  	s3 =	sld [smem:$0x3FDB];
	s0 =	simm.s32 @p2 $0x1  }
0x17: {  	s4 =	simm.s32 $0x1BF5;
	[smem:$0x3FB5] =	sst s0  }
0x18: {  	s0 =	sld [smem:$0x3F98];
	_ =	swait.ge [sflag:s4], $0x0  }
0x19: {  	s7 =	sld [smem:$0x3F99]  }
0x1a: {  	s8 =	sadd.s32 $0xFFFFE003, lr  }
0x1b: {  	s9 =	sadd.s32 $0xFFFFFEF7, lr;
	s5 =	simm.s32 $0xFFFFFFFF;
	p2 =	slt.u32 s8, $0xFFFFF086  }
0x1c: {  	p1 =	slt.u32 s9, $0xF7A;
	s5 =	simm.s32 @!p2 $0x0  }
0x1d: {  	s5 =	simm.s32 @p1 $0x1;
	p0 =	seq.s32 s7, s2  }
0x1e: {  	s7 =	smul.u32 @!p0 $0xF7A, s2;
	p2 =	seq.s32 @!p0 s5, $0x0  }
0x1f: {  	s9 =	smul.u32 $0xF7A, s1;
	s8 =	simm.s32 @!p0 $0x1BF5;
	p2 =	por !p2, p0  }
0x20: {  	[sflag:s8] =	ssyncset.s32 @!p0 $0xFFFFF086;
	s6 =	sadd.s32 @!p0 s3, s7;
	s7 =	simm.s32 @!p0 $0x108  }
0x21: {  	s3 =	sadd.s32 s3, s9;
	s6 =	sadd.s32 @!p0 $0x88, s6;
	s7 =	simm.s32 @p2 $0x1082  }
0x22: {  	[simem:s7], [sflag:s8] =	dma.local @!p0 [hbm:s6], $0xF7A  }
0x23: {  	s9 =	sor.u32 $0xD0000000, s2;
	s6 =	simm.s32 $0x108;
	_ =	swait.ge @!p0 [sflag:s8], $0x0  }
0x24: {  	s3 =	sadd.s32 $0x88, s3;
	s6 =	simm.s32 @!p1 $0x1082;
	[sflag:s4] =	ssyncset.s32 $0xFFFFF086  }
0x25: {  	[simem:s6], [sflag:s4] =	dma.local [hbm:s3], $0xF7A  }
0x26: {  	[smem:$0x3F99] =	sst s1;
	(tag) =	ssettag s2;
	_ =	strace s9  }
0x27: {  	s1 =	sld [smem:$0x3FA9]  }
0x28: {  	s2 =	sld [smem:$0x3FAA]  }
0x29: {  	s4 =	sld [smem:$0x3FAC]  }
0x2a: {  	p0 =	seq.s32 s5, $0x0;
	s5 =	sld [smem:$0x3FAD]  }
0x2b: {  	s6 =	sld [smem:$0x3FAE]  }
0x2c: {  	s7 =	sld [smem:$0x3FAF]  }
0x2d: {  	s3 =	simm.s32 $0x108;
	s8 =	sld [smem:$0x3FB0]  }
0x2e: {  	s3 =	simm.s32 @!p0 $0x1082;
	s9 =	sld [smem:$0x3FB1]  }
0x2f: {  	lr =	sadd.s32 s0, s3;
	s0 =	sld [smem:$0x3FA8]  }
0x30: {  	s3 =	sld [smem:$0x3FAB]  }
0x31: {  	[smem:$0x3FB4] =	sst s10  }
0x32: {  	s10 =	sld [smem:$0x3FB2];
	_ =	sdelay $0x3  }
0x33: {  	p0 =	seq.s32 s10, $0x1;
	s10 =	sld [smem:$0x3FB4];
	_ =	sdelay $0x3  }
0x34: {  	[smem:$0x3FB4] =	sst s10  }
0x35: {  	s10 =	sld [smem:$0x3FB3];
	_ =	sdelay $0x3  }
0x36: {  	p1 =	seq.s32 s10, $0x1;
	s10 =	sld [smem:$0x3FB4];
	_ =	sdelay $0x3  }
0x37: {  	[smem:$0x3FB4] =	sst s10  }
0x38: {  	s10 =	sld [smem:$0x3FB5]  }
0x39: {  	_ = 	snop;
	(pc) =	sbr.ind lr, $3  }
0x3a: {  	_ = 	snop  }
0x3b: {  	_ = 	snop  }
0x3c: {  	p2 =	seq.s32 s10, $0x1;
	s10 =	sld [smem:$0x3FB4]  }
0x3d: {  	_ =	shalt  }
0x3e: {  	_ =	shalt  }
0x3f: {  	_ =	shalt  }
0x40: {  	_ =	shalt  }
0x41: {  	_ =	shalt  }
0x42: {  	_ =	shalt  }
0x43: {  	_ =	shalt  }
0x44: {  	_ =	shalt  }
0x45: {  	_ =	shalt  }
0x46: {  	_ =	shalt  }
0x47: {  	_ =	shalt  }
0x48: {  	_ =	shalt  }
0x49: {  	_ =	shalt  }
0x4a: {  	_ =	shalt  }
0x4b: {  	_ =	shalt  }
0x4c: {  	_ =	shalt  }
0x4d: {  	_ =	shalt  }
0x4e: {  	_ =	shalt  }
0x4f: {  	_ =	shalt  }
0x50: {  	_ =	shalt  }
0x51: {  	_ =	shalt  }
0x52: {  	_ =	shalt  }
0x53: {  	_ =	shalt  }
0x54: {  	_ =	shalt  }
0x55: {  	_ =	shalt  }
0x56: {  	_ =	shalt  }
0x57: {  	_ =	shalt  }
0x58: {  	_ =	shalt  }
0x59: {  	_ =	shalt  }
0x5a: {  	_ =	shalt  }
0x5b: {  	_ =	shalt  }
0x5c: {  	_ =	shalt  }
0x5d: {  	_ =	shalt  }
0x5e: {  	_ =	shalt  }
0x5f: {  	_ =	shalt  }
0x60: {  	_ =	shalt  }
0x61: {  	_ =	shalt  }
0x62: {  	_ =	shalt  }
0x63: {  	_ =	shalt  }
0x64: {  	_ =	shalt  }
0x65: {  	_ =	shalt  }
0x66: {  	_ =	shalt  }
0x67: {  	_ =	shalt  }
0x68: {  	_ =	shalt  }
0x69: {  	_ =	shalt  }
0x6a: {  	_ =	shalt  }
0x6b: {  	_ =	shalt  }
0x6c: {  	_ =	shalt  }
0x6d: {  	_ =	shalt  }
0x6e: {  	_ =	shalt  }
0x6f: {  	_ =	shalt  }
0x70: {  	_ =	shalt  }
0x71: {  	_ =	shalt  }
0x72: {  	_ =	shalt  }
0x73: {  	_ =	shalt  }
0x74: {  	_ =	shalt  }
0x75: {  	_ =	shalt  }
0x76: {  	_ =	shalt  }
0x77: {  	_ =	shalt  }
0x78: {  	_ =	shalt  }
0x79: {  	_ =	shalt  }
0x7a: {  	_ =	shalt  }
0x7b: {  	_ =	shalt  }
0x7c: {  	_ =	shalt  }
0x7d: {  	_ =	shalt  }
0x7e: {  	_ =	shalt  }
0x7f: {  	_ =	shalt  }
0x80: {  	_ =	shalt  }
0x81: {  	_ =	shalt  }
0x82: {  	_ =	shalt  }
0x83: {  	_ =	shalt  }
0x84: {  	_ =	shalt  }
0x85: {  	_ =	shalt  }
0x86: {  	_ =	shalt  }
0x87: {  	_ =	shalt  }
.Lfunc_end0:
.L_simem_size_0:
called_computation.1_lowered:
.L_overlay_start_0:
0x88: {  	s2 =	sld [smem:$0x3FD9]  }
0x89: {  	s3 =	sld [smem:$0x3FFE];
	_ =	sdelay $0x1  }
0x8a: {  	s1 =	srdreg.scid  }
0x8b: {  	s0 =	sand.u32 $0x1, s1  }
0x8c: {  	s16 =	sshll.u32 s0, $0xA;
	s2 =	sadd.s32 s3, s2  }
0x8d: {  	s2 =	sadd.s32 s2, s16  }
0x8e: {  	[smem:$0x3FC0] =	sst s2  }
0x8f: {  	_ = 	snop  }
0x90: {  	(tm) =	ssettm $0x1  }
0x91: {  	s17 =	sld [smem:$0x3FFB];
	_ =	sdelay $0x3  }
0x92: {  	_ =	strace s17  }
0x93: {  	s2 =	sld [smem:$0x3FFC];
	_ =	sdelay $0x3  }
0x94: {  	_ =	strace s2  }
0x95: {  	s2 =	sld [smem:$0x3FFD];
	_ =	sdelay $0x3  }
0x96: {  	_ =	strace s2  }
0x97: {  	_ =	strace $0x8FFFFFFF  }
0x98: {  	s18 =	sld [smem:$0x3FDB];
	_ =	sdelay $0x1  }
0x99: {  	s19 =	simm.s32 $_scs_section_size  }
0x9a: {  	s4 =	simm.s32 $_size__tile_overlayer_lowered;
	s5 =	simm.s32 $_tile_overlayer_lowered  }
0x9b: {  	s22 =	simm.s32 $0x1BFF;
	s21 =	sshll.u32 s5, $0x1;
	s2 =	sadd.s32 s19, s18  }
0x9c: {  	s6 =	simm.s32 $0x0;
	s20 =	sshll.u32 s4, $0x1;
	s4 =	sadd.s32 s21, s2  }
0x9d: {  	[timem:s6], [sflag:s22] =	dma.local [hbm:s4], s20  }
0x9e: {  	_ =	swait.ge [sflag:s22], s20  }
0x9f: {  	s3 =	ssub.s32 $0x0, s20;
	[sflag:s22] =	ssyncset.done $0x0  }
0xa0: {  	[sflag:s22] =	ssyncadd.s32 s3;
	_ =	sdelay $0x1  }
0xa1: {  	s23 =	simm.s32 $0x1B8B  }
0xa2: {  	_ =	swait.ge [sflag:s23], $0x1  }
0xa3: {  	[sflag:s23] =	ssyncset.done $0x0  }
0xa4: {  	s25 =	simm.s32 $0x1B8E;
	s24 =	sld [smem:$0x3FFE];
	[sflag:s23] =	ssyncadd.s32 $0xFFFFFFFF  }
0xa5: {  	s26 =	simm.s32 $execute0_lowered;
	[smem:$0x3FD2] =	sst s25  }
0xa6: {  	s4 =	sshll.u32 s26, $0x1;
	_ =	strace $0x80000049;
	[dreg:$0x1] =	wrdreg $0xFFFFFFFF  }
0xa7: {  	s28 =	simm.s32 $_size_execute0_lowered;
	s2 =	sadd.s32 s2, s4;
	[dreg:$0x0] =	wrdreg $0x0  }
0xa8: {  	s4 =	sshll.u32 s28, $0x1;
	[dreg:$0x2] =	wrdreg s2  }
0xa9: {  	[dreg:$0x3] =	wrdreg s4  }
0xaa: {  	[dreg:$0x4] =	wrdreg $0xC0  }
0xab: {  	_ =	task [dreg:s6], $0x5FFFF  }
0xac: {  	[dreg:$0x1] =	wrdreg $0xFFFFFFFF  }
0xad: {  	[dreg:$0x0] =	wrdreg $0x60  }
0xae: {  	[dreg:$0x2] =	wrdreg s24  }
0xaf: {  	[dreg:$0x3] =	wrdreg $0xA8000  }
0xb0: {  	[dreg:$0x4] =	wrdreg $0x9  }
0xb1: {  	_ =	task.clear_ibuf [dreg:s6], $0x5FFFF;
	_ =	strace $0x90000049  }
0xb2: {  	s29 =	simm.s32 $0x9;
	_ =	strace $0x8000004B  }
0xb3: {  	_ =	swait.ge [sflag:s29], $0x1  }
0xb4: {  	[sflag:s29] =	ssyncadd.s32 $0xFFFFFFFF  }
0xb5: {  	_ =	strace $0x9000004B  }
0xb6: {  	_ =	sfence  }
0xb7: {  	s30 =	sld [smem:$0x0];
	_ =	sdelay $0x2  }
0xb8: {  	s31 =	sshll.u32 s1, $0xD;
	s1 =	sshrl.u32 s1, $0x2  }
0xb9: {  	s3 =	sand.u32 $0x4000, s31;
	s1 =	sadd.s32 s1, s30  }
0xba: {  	s0 =	sor.u32 s3, s0;
	s1 =	sshll.u32 s1, $0x11  }
0xbb: {  	s0 =	sor.u32 s1, s0  }
0xbc: {  	s0 =	sadd.s32 $0x8F2B, s0  }
0xbd: {  	[sflag:s0] =	ssyncadd.remote.s32 $0x1  }
0xbe: {  	_ =	sfence.sel $0xFFFF  }
0xbf: {  	[dreg:$0x0] =	wrdreg $0xFFFFFFFF;
	(pc) =	sbr.abs _section_cstart, $3  }
0xc0: {  	[dreg:$0x1] =	wrdreg $0xFFFFFFFF  }
0xc1: {  	_ =	task.clear_ibuf [dreg:s6], $0x2FFFF;
	_ =	strace $0x9FFFFFFF  }
0xc2: {  	(tm) =	ssettm $0x7FFFFFFF  }
0xc3: {  	_ =	shalt  }
tec
execute0_lowered:
.L_overlay_start_1:
0x0: {  	(tag) =	ssettag $0x1  }
0x1: {  	s5 =	rddreg [dreg:$0x0]  }
0x2: {  	s2 =	rddreg [dreg:$0x1]  }
0x3: {  	s0 =	rddreg [dreg:$0x2]  }
0x4: {  	s3 =	simm.s32 $0x0;
	s1 =	stileid.u32;
	s4 =	srdreg.scid  }
0x5: {  	s20 =	simm.s32 $0x80;
	s21 =	simm.s32 $0x2800;
	s22 =	simm.s32 $0x6800  }
0x6: {  	s23 =	simm.s32 $0x1;
	s24 =	simm.s32 $0x2;
	s25 =	simm.s32 $0x2700  }
0x7: {  	s26 =	simm.s32 $0x2780;
	[smem:$0x7FF] =	sst s3;
	s6 =	smul.u32 $0x13C00, s1  }
0x8: {  	s7 =	sand.u32 $0x1, s4;
	s4 =	sadd.s32 $0x48200, s5;
	s11 =	smul.u32 $0x4F000, s1  }
0x9: {  	s13 =	sadd.s32 $0x16A00, s5;
	s14 =	sadd.s32 $0xCA00, s5;
	s12 =	smul.u32 $0x500, s1  }
0xa: {  	s30 =	sshll.u32 s1, $0x6;
	_ =	strace $0x8000004A;
	s8 =	smul.u32 $0x13C000, s7  }
0xb: {  	s28 =	ssub.s32 $0x2, s7;
	p0 =	seq.s32 s7, $0x1;
	s9 =	sshrl.u32 s6, $0x3  }
0xc: {  	s10 =	sshrl.u32 s28, $0x1;
	s29 =	sshrl.u32 s11, $0x2;
	s7 =	sadd.s32 s13, s12  }
0xd: {  	s31 =	sadd.s32 $0x280, s12;
	s18 =	sadd.s32 $0x5000, s12;
	s19 =	sadd.s32 $0x5280, s12  }
0xe: {  	s6 =	sadd.s32 s6, s8;
	s9 =	sadd.s32 s9, s5;
	s16 =	ssub.s32 s28, s10  }
0xf: {  	s17 =	sadd.s32 s29, s2;
	s8 =	sadd.s32 s14, s12;
	s10 =	sadd.s32 s14, s31  }
.Ltmp0:
0x10: {  	s11 =	sadd.s32 s13, s18;
	s12 =	sadd.s32 s14, s18;
	(pc) =	sbr.rel .LBB2_1-.Ltmp0, $4  }
0x11: {  	s14 =	sadd.s32 s14, s19;
	s18 =	simm.s32 $0x3;
	s6 =	sshrl.u32 s6, $0x3  }
0x12: {  	s16 =	smax.u32 s16, $0x1;
	s17 =	sshrl.u32 s17, $0x3;
	s15 =	sadd.s32 s6, s5  }
0x13: {  	s5 =	sadd.s32 $0x20A00, s9;
	s6 =	sor.u32 $0x1C03, s30;
	s9 =	sadd.s32 s13, s31  }
0x14: {  	s13 =	sadd.s32 s13, s19;
	s19 =	simm.s32 $0x1400;
	s15 =	sadd.s32 $0x6F400, s15  }
.LBB2_11:
0x15: {  	[tilespmem:s22], [sflag:$0x2] =	stream.indirect.gather [hbm4b:s4+s20], $0x80, s29, s20, $0xb8;
	[tilespmem:$0x1E400] =	vst v63  }
.LBB2_12:
0x16: {  	_ =	swait.ge [sflag:s23], $0x4000  }
0x17: {  	[sflag:s23] =	ssyncset.done $0x0  }
0x18: {  	[sflag:s23] =	ssyncadd.s32 $0xFFFFC000  }
0x19: {  	[spmem:s2] =	stream.indirect.scatter.add.f32 [tilespmem:s21], [sflag:$0x3], $0x80, s25, s20, $0xb8;
	[tilespmem:$0x1E400] =	vst v63  }
0x1a: {  	_ =	swait.ge [sflag:s18], $0x4000  }
0x1b: {  	[sflag:s18] =	ssyncset.done $0x0  }
0x1c: {  	[sflag:s18] =	ssyncadd.s32 $0xFFFFC000  }
0x1d: {  	_ =	swait.ge [sflag:s24], $0x4000  }
0x1e: {  	[sflag:s24] =	ssyncset.done $0x0  }
0x1f: {  	[sflag:s24] =	ssyncadd.s32 $0xFFFFC000  }
0x20: {  	[spmem:s2] =	stream.indirect.scatter.add.f32 [tilespmem:s22], [sflag:$0x3], $0x80, s26, s20, $0xb8;
	[tilespmem:$0x1E400] =	vst v63  }
0x21: {  	_ =	swait.ge [sflag:s18], $0x4000  }
0x22: {  	s3 =	sadd.s32 $0x1, s3;
	[sflag:s18] =	ssyncset.done $0x0  }
0x23: {  	p1 =	sne.s32 s3, s16;
	[sflag:s18] =	ssyncadd.s32 $0xFFFFC000  }
.Ltmp1:
0x24: {  	[bflag:$0x0] =	sbarrier.arrive $0xFFFF;
	(pc) =	sbr.rel @!p1 .LBB2_13-.Ltmp1, $4  }
0x25: {  	[hbm:s15], [sflag:s6] =	dma.local [spmem:s17], $0x2780  }
0x26: {  	_ =	swait.ge [sflag:s18], $0x2780  }
0x27: {  	[sflag:s18] =	ssyncset.done $0x0  }
0x28: {  	[sflag:s18] =	ssyncadd.s32 $0xFFFFD880  }
.LBB2_1:
0x29: {  	[spmem:s17], [sflag:s6] =	dma.local [hbm:s5], $0x2780  }
.Ltmp2:
0x2a: {  	_ =	swait.ge [sflag:s18], $0x2780;
	(pc) =	sbr.rel @!p0 .LBB2_2-.Ltmp2, $4  }
0x2b: {  	[sflag:s18] =	ssyncset.done $0x0  }
0x2c: {  	[sflag:s18] =	ssyncadd.s32 $0xFFFFD880  }
0x2d: {  	[bflag:$0x0] =	sbarrier.arrive $0xFFFF  }
0x2e: {  	s28 =	simm.s32 $0x0  }
0x2f: {  	[tilespmem:s28], [sflag:$0x3] =	stream.linear.gather [hbm4b:s11+s28], $0x1400, $0x38;
	[tilespmem:$0x1E400] =	vst v63  }
0x30: {  	_ =	swait.ge [sflag:s18], $0x1400  }
0x31: {  	[sflag:s18] =	ssyncset.done $0x0  }
0x32: {  	[sflag:s18] =	ssyncadd.s32 $0xFFFFEC00  }
0x33: {  	[tilespmem:s19], [sflag:$0x3] =	stream.linear.gather [hbm4b:s12+s28], $0x1400, $0x38;
	[tilespmem:$0x1E400] =	vst v63  }
0x34: {  	_ =	swait.ge [sflag:s18], $0x1400  }
0x35: {  	[sflag:s18] =	ssyncset.done $0x0  }
0x36: {  	[sflag:s18] =	ssyncadd.s32 $0xFFFFEC00  }
0x37: {  	[tilespmem:s21], [sflag:$0x1] =	stream.indirect.gather [hbm4b:s4+s20], $0x80, s28, s20, $0xb8;
	[tilespmem:$0x1E400] =	vst v63  }
0x38: {  	_ = 	snop  }
0x39: {  	[tilespmem:s22], [sflag:$0x2] =	stream.indirect.gather [hbm4b:s4+s20], $0x80, s20, s20, $0xb8;
	[tilespmem:$0x1E400] =	vst v63  }
0x3a: {  	_ =	swait.ge [sflag:s23], $0x4000  }
0x3b: {  	[sflag:s23] =	ssyncset.done $0x0  }
0x3c: {  	s28 =	simm.s32 $0x1400;
	[sflag:s23] =	ssyncadd.s32 $0xFFFFC000  }
0x3d: {  	[spmem:s2] =	stream.indirect.scatter.add.f32 [tilespmem:s21], [sflag:$0x3], $0x80, s28, s20, $0xb8;
	[tilespmem:$0x1E400] =	vst v63  }
0x3e: {  	_ =	swait.ge [sflag:s18], $0x4000  }
0x3f: {  	[sflag:s18] =	ssyncset.done $0x0  }
0x40: {  	s28 =	simm.s32 $0x100;
	[sflag:s18] =	ssyncadd.s32 $0xFFFFC000  }
0x41: {  	[tilespmem:s21], [sflag:$0x1] =	stream.indirect.gather [hbm4b:s4+s20], $0x80, s28, s20, $0xb8;
	[tilespmem:$0x1E400] =	vst v63  }
0x42: {  	_ =	swait.ge [sflag:s24], $0x4000  }
0x43: {  	[sflag:s24] =	ssyncset.done $0x0  }
0x44: {  	s28 =	simm.s32 $0x1480;
	[sflag:s24] =	ssyncadd.s32 $0xFFFFC000  }
0x45: {  	[spmem:s2] =	stream.indirect.scatter.add.f32 [tilespmem:s22], [sflag:$0x3], $0x80, s28, s20, $0xb8;
	[tilespmem:$0x1E400] =	vst v63  }
0x46: {  	_ =	swait.ge [sflag:s18], $0x4000  }
0x47: {  	[sflag:s18] =	ssyncset.done $0x0  }
0x48: {  	s29 =	simm.s32 $0x180;
	s28 =	simm.s32 $0x400;
	[sflag:s18] =	ssyncadd.s32 $0xFFFFC000  }
.LBB2_8:
0x49: {  	[tilespmem:s22], [sflag:$0x2] =	stream.indirect.gather [hbm4b:s4+s20], $0x80, s29, s20, $0xb8;
	[tilespmem:$0x1E400] =	vst v63  }
0x4a: {  	s29 =	smov.u32 s28  }
0x4b: {  	p1 =	sne.s32 s28, $0x4800;
	s28 =	sadd.s32 $0x400, s28;
	_ =	swait.ge [sflag:s23], $0x4000  }
0x4c: {  	s29 =	sshra.s32 s29, $0x2;
	[sflag:s23] =	ssyncset.done $0x0  }
0x4d: {  	s30 =	sadd.s32 $0x1400, s29;
	[sflag:s23] =	ssyncadd.s32 $0xFFFFC000  }
0x4e: {  	[spmem:s2] =	stream.indirect.scatter.add.f32 [tilespmem:s21], [sflag:$0x3], $0x80, s30, s20, $0xb8;
	[tilespmem:$0x1E400] =	vst v63  }
0x4f: {  	_ =	swait.ge [sflag:s18], $0x4000  }
0x50: {  	[sflag:s18] =	ssyncset.done $0x0  }
0x51: {  	s30 =	sadd.s32 $0x100, s29;
	[sflag:s18] =	ssyncadd.s32 $0xFFFFC000  }
0x52: {  	[tilespmem:s21], [sflag:$0x1] =	stream.indirect.gather [hbm4b:s4+s20], $0x80, s30, s20, $0xb8;
	[tilespmem:$0x1E400] =	vst v63  }
0x53: {  	_ =	swait.ge [sflag:s24], $0x4000  }
0x54: {  	[sflag:s24] =	ssyncset.done $0x0  }
.Ltmp3:
0x55: {  	s30 =	sadd.s32 $0x1480, s29;
	[sflag:s24] =	ssyncadd.s32 $0xFFFFC000;
	(pc) =	sbr.rel @p1 .LBB2_8-.Ltmp3, $4  }
0x56: {  	[spmem:s2] =	stream.indirect.scatter.add.f32 [tilespmem:s22], [sflag:$0x3], $0x80, s30, s20, $0xb8;
	[tilespmem:$0x1E400] =	vst v63  }
0x57: {  	_ =	swait.ge [sflag:s18], $0x4000  }
0x58: {  	[sflag:s18] =	ssyncset.done $0x0  }
0x59: {  	s29 =	sadd.s32 $0x180, s29;
	[sflag:s18] =	ssyncadd.s32 $0xFFFFC000  }
0x5a: {  	[tilespmem:s22], [sflag:$0x2] =	stream.indirect.gather [hbm4b:s4+s20], $0x80, s29, s20, $0xb8;
	[tilespmem:$0x1E400] =	vst v63  }
0x5b: {  	_ =	swait.ge [sflag:s23], $0x4000  }
0x5c: {  	[sflag:s23] =	ssyncset.done $0x0  }
0x5d: {  	[sflag:s23] =	ssyncadd.s32 $0xFFFFC000  }
0x5e: {  	[spmem:s2] =	stream.indirect.scatter.add.f32 [tilespmem:s21], [sflag:$0x3], $0x80, s25, s20, $0xb8;
	[tilespmem:$0x1E400] =	vst v63  }
0x5f: {  	_ =	swait.ge [sflag:s18], $0x4000  }
0x60: {  	[sflag:s18] =	ssyncset.done $0x0  }
0x61: {  	[sflag:s18] =	ssyncadd.s32 $0xFFFFC000  }
0x62: {  	_ =	swait.ge [sflag:s24], $0x4000  }
0x63: {  	[sflag:s24] =	ssyncset.done $0x0  }
0x64: {  	[sflag:s24] =	ssyncadd.s32 $0xFFFFC000  }
0x65: {  	[spmem:s2] =	stream.indirect.scatter.add.f32 [tilespmem:s22], [sflag:$0x3], $0x80, s26, s20, $0xb8;
	[tilespmem:$0x1E400] =	vst v63  }
0x66: {  	_ =	swait.ge [sflag:s18], $0x4000  }
0x67: {  	[sflag:s18] =	ssyncset.done $0x0  }
0x68: {  	s28 =	simm.s32 $0x0;
	[sflag:s18] =	ssyncadd.s32 $0xFFFFC000  }
0x69: {  	[tilespmem:s28], [sflag:$0x3] =	stream.linear.gather [hbm4b:s13+s28], $0x1400, $0x38;
	[tilespmem:$0x1E400] =	vst v63  }
0x6a: {  	_ =	swait.ge [sflag:s18], $0x1400  }
0x6b: {  	[sflag:s18] =	ssyncset.done $0x0  }
0x6c: {  	[sflag:s18] =	ssyncadd.s32 $0xFFFFEC00  }
0x6d: {  	[tilespmem:s19], [sflag:$0x3] =	stream.linear.gather [hbm4b:s14+s28], $0x1400, $0x38;
	[tilespmem:$0x1E400] =	vst v63  }
0x6e: {  	_ =	swait.ge [sflag:s18], $0x1400  }
0x6f: {  	[sflag:s18] =	ssyncset.done $0x0  }
0x70: {  	[sflag:s18] =	ssyncadd.s32 $0xFFFFEC00  }
0x71: {  	[tilespmem:s21], [sflag:$0x1] =	stream.indirect.gather [hbm4b:s4+s20], $0x80, s28, s20, $0xb8;
	[tilespmem:$0x1E400] =	vst v63  }
0x72: {  	_ = 	snop  }
0x73: {  	[tilespmem:s22], [sflag:$0x2] =	stream.indirect.gather [hbm4b:s4+s20], $0x80, s20, s20, $0xb8;
	[tilespmem:$0x1E400] =	vst v63  }
0x74: {  	_ =	swait.ge [sflag:s23], $0x4000  }
0x75: {  	[sflag:s23] =	ssyncset.done $0x0  }
0x76: {  	s28 =	simm.s32 $0x1400;
	[sflag:s23] =	ssyncadd.s32 $0xFFFFC000  }
0x77: {  	[spmem:s2] =	stream.indirect.scatter.add.f32 [tilespmem:s21], [sflag:$0x3], $0x80, s28, s20, $0xb8;
	[tilespmem:$0x1E400] =	vst v63  }
0x78: {  	_ =	swait.ge [sflag:s18], $0x4000  }
0x79: {  	[sflag:s18] =	ssyncset.done $0x0  }
0x7a: {  	s28 =	simm.s32 $0x100;
	[sflag:s18] =	ssyncadd.s32 $0xFFFFC000  }
0x7b: {  	[tilespmem:s21], [sflag:$0x1] =	stream.indirect.gather [hbm4b:s4+s20], $0x80, s28, s20, $0xb8;
	[tilespmem:$0x1E400] =	vst v63  }
0x7c: {  	_ =	swait.ge [sflag:s24], $0x4000  }
0x7d: {  	[sflag:s24] =	ssyncset.done $0x0  }
0x7e: {  	s28 =	simm.s32 $0x1480;
	[sflag:s24] =	ssyncadd.s32 $0xFFFFC000  }
0x7f: {  	[spmem:s2] =	stream.indirect.scatter.add.f32 [tilespmem:s22], [sflag:$0x3], $0x80, s28, s20, $0xb8;
	[tilespmem:$0x1E400] =	vst v63  }
0x80: {  	_ =	swait.ge [sflag:s18], $0x4000  }
0x81: {  	[sflag:s18] =	ssyncset.done $0x0  }
0x82: {  	s29 =	simm.s32 $0x180;
	s28 =	simm.s32 $0x400;
	[sflag:s18] =	ssyncadd.s32 $0xFFFFC000  }
.LBB2_10:
0x83: {  	[tilespmem:s22], [sflag:$0x2] =	stream.indirect.gather [hbm4b:s4+s20], $0x80, s29, s20, $0xb8;
	[tilespmem:$0x1E400] =	vst v63  }
0x84: {  	s29 =	smov.u32 s28  }
0x85: {  	p1 =	sne.s32 s28, $0x4800;
	s28 =	sadd.s32 $0x400, s28;
	_ =	swait.ge [sflag:s23], $0x4000  }
0x86: {  	s29 =	sshra.s32 s29, $0x2;
	[sflag:s23] =	ssyncset.done $0x0  }
0x87: {  	s30 =	sadd.s32 $0x1400, s29;
	[sflag:s23] =	ssyncadd.s32 $0xFFFFC000  }
0x88: {  	[spmem:s2] =	stream.indirect.scatter.add.f32 [tilespmem:s21], [sflag:$0x3], $0x80, s30, s20, $0xb8;
	[tilespmem:$0x1E400] =	vst v63  }
0x89: {  	_ =	swait.ge [sflag:s18], $0x4000  }
0x8a: {  	[sflag:s18] =	ssyncset.done $0x0  }
0x8b: {  	s30 =	sadd.s32 $0x100, s29;
	[sflag:s18] =	ssyncadd.s32 $0xFFFFC000  }
0x8c: {  	[tilespmem:s21], [sflag:$0x1] =	stream.indirect.gather [hbm4b:s4+s20], $0x80, s30, s20, $0xb8;
	[tilespmem:$0x1E400] =	vst v63  }
0x8d: {  	_ =	swait.ge [sflag:s24], $0x4000  }
0x8e: {  	[sflag:s24] =	ssyncset.done $0x0  }
.Ltmp4:
0x8f: {  	s30 =	sadd.s32 $0x1480, s29;
	[sflag:s24] =	ssyncadd.s32 $0xFFFFC000;
	(pc) =	sbr.rel @p1 .LBB2_10-.Ltmp4, $4  }
0x90: {  	[spmem:s2] =	stream.indirect.scatter.add.f32 [tilespmem:s22], [sflag:$0x3], $0x80, s30, s20, $0xb8;
	[tilespmem:$0x1E400] =	vst v63  }
0x91: {  	_ =	swait.ge [sflag:s18], $0x4000  }
0x92: {  	[sflag:s18] =	ssyncset.done $0x0  }
0x93: {  	s29 =	sadd.s32 $0x180, s29;
	[sflag:s18] =	ssyncadd.s32 $0xFFFFC000  }
.Ltmp5:
0x94: {  	_ = 	snop;
	(pc) =	sbr.rel .LBB2_11-.Ltmp5, $1  }
0x95: {  	_ =	sdelay $0x3  }
.LBB2_2:
0x96: {  	[tilespmem:s28], [sflag:$0x3] =	stream.linear.gather [hbm4b:s7+s28], $0x1400, $0x38;
	[tilespmem:$0x1E400] =	vst v63  }
0x97: {  	_ =	swait.ge [sflag:s18], $0x1400  }
0x98: {  	[sflag:s18] =	ssyncset.done $0x0  }
0x99: {  	[sflag:s18] =	ssyncadd.s32 $0xFFFFEC00  }
0x9a: {  	[tilespmem:s19], [sflag:$0x3] =	stream.linear.gather [hbm4b:s8+s28], $0x1400, $0x38;
	[tilespmem:$0x1E400] =	vst v63  }
0x9b: {  	_ =	swait.ge [sflag:s18], $0x1400  }
0x9c: {  	[sflag:s18] =	ssyncset.done $0x0  }
0x9d: {  	[sflag:s18] =	ssyncadd.s32 $0xFFFFEC00  }
0x9e: {  	[tilespmem:s21], [sflag:$0x1] =	stream.indirect.gather [hbm4b:s4+s20], $0x80, s28, s20, $0xb8;
	[tilespmem:$0x1E400] =	vst v63  }
0x9f: {  	_ = 	snop  }
0xa0: {  	[tilespmem:s22], [sflag:$0x2] =	stream.indirect.gather [hbm4b:s4+s20], $0x80, s20, s20, $0xb8;
	[tilespmem:$0x1E400] =	vst v63  }
0xa1: {  	_ =	swait.ge [sflag:s23], $0x4000  }
0xa2: {  	[sflag:s23] =	ssyncset.done $0x0  }
0xa3: {  	s28 =	simm.s32 $0x1400;
	[sflag:s23] =	ssyncadd.s32 $0xFFFFC000  }
0xa4: {  	[spmem:s2] =	stream.indirect.scatter.add.f32 [tilespmem:s21], [sflag:$0x3], $0x80, s28, s20, $0xb8;
	[tilespmem:$0x1E400] =	vst v63  }
0xa5: {  	_ =	swait.ge [sflag:s18], $0x4000  }
0xa6: {  	[sflag:s18] =	ssyncset.done $0x0  }
0xa7: {  	s28 =	simm.s32 $0x100;
	[sflag:s18] =	ssyncadd.s32 $0xFFFFC000  }
0xa8: {  	[tilespmem:s21], [sflag:$0x1] =	stream.indirect.gather [hbm4b:s4+s20], $0x80, s28, s20, $0xb8;
	[tilespmem:$0x1E400] =	vst v63  }
0xa9: {  	_ =	swait.ge [sflag:s24], $0x4000  }
0xaa: {  	[sflag:s24] =	ssyncset.done $0x0  }
0xab: {  	s28 =	simm.s32 $0x1480;
	[sflag:s24] =	ssyncadd.s32 $0xFFFFC000  }
0xac: {  	[spmem:s2] =	stream.indirect.scatter.add.f32 [tilespmem:s22], [sflag:$0x3], $0x80, s28, s20, $0xb8;
	[tilespmem:$0x1E400] =	vst v63  }
0xad: {  	_ =	swait.ge [sflag:s18], $0x4000  }
0xae: {  	[sflag:s18] =	ssyncset.done $0x0  }
0xaf: {  	s29 =	simm.s32 $0x180;
	s28 =	simm.s32 $0x400;
	[sflag:s18] =	ssyncadd.s32 $0xFFFFC000  }
.LBB2_3:
0xb0: {  	[tilespmem:s22], [sflag:$0x2] =	stream.indirect.gather [hbm4b:s4+s20], $0x80, s29, s20, $0xb8;
	[tilespmem:$0x1E400] =	vst v63  }
0xb1: {  	s29 =	smov.u32 s28  }
0xb2: {  	p1 =	sne.s32 s28, $0x4800;
	s28 =	sadd.s32 $0x400, s28;
	_ =	swait.ge [sflag:s23], $0x4000  }
0xb3: {  	s29 =	sshra.s32 s29, $0x2;
	[sflag:s23] =	ssyncset.done $0x0  }
0xb4: {  	s30 =	sadd.s32 $0x1400, s29;
	[sflag:s23] =	ssyncadd.s32 $0xFFFFC000  }
0xb5: {  	[spmem:s2] =	stream.indirect.scatter.add.f32 [tilespmem:s21], [sflag:$0x3], $0x80, s30, s20, $0xb8;
	[tilespmem:$0x1E400] =	vst v63  }
0xb6: {  	_ =	swait.ge [sflag:s18], $0x4000  }
0xb7: {  	[sflag:s18] =	ssyncset.done $0x0  }
0xb8: {  	s30 =	sadd.s32 $0x100, s29;
	[sflag:s18] =	ssyncadd.s32 $0xFFFFC000  }
0xb9: {  	[tilespmem:s21], [sflag:$0x1] =	stream.indirect.gather [hbm4b:s4+s20], $0x80, s30, s20, $0xb8;
	[tilespmem:$0x1E400] =	vst v63  }
0xba: {  	_ =	swait.ge [sflag:s24], $0x4000  }
0xbb: {  	[sflag:s24] =	ssyncset.done $0x0  }
.Ltmp6:
0xbc: {  	s30 =	sadd.s32 $0x1480, s29;
	[sflag:s24] =	ssyncadd.s32 $0xFFFFC000;
	(pc) =	sbr.rel @p1 .LBB2_3-.Ltmp6, $4  }
0xbd: {  	[spmem:s2] =	stream.indirect.scatter.add.f32 [tilespmem:s22], [sflag:$0x3], $0x80, s30, s20, $0xb8;
	[tilespmem:$0x1E400] =	vst v63  }
0xbe: {  	_ =	swait.ge [sflag:s18], $0x4000  }
0xbf: {  	[sflag:s18] =	ssyncset.done $0x0  }
0xc0: {  	s29 =	sadd.s32 $0x180, s29;
	[sflag:s18] =	ssyncadd.s32 $0xFFFFC000  }
0xc1: {  	[tilespmem:s22], [sflag:$0x2] =	stream.indirect.gather [hbm4b:s4+s20], $0x80, s29, s20, $0xb8;
	[tilespmem:$0x1E400] =	vst v63  }
0xc2: {  	_ =	swait.ge [sflag:s23], $0x4000  }
0xc3: {  	[sflag:s23] =	ssyncset.done $0x0  }
0xc4: {  	[sflag:s23] =	ssyncadd.s32 $0xFFFFC000  }
0xc5: {  	[spmem:s2] =	stream.indirect.scatter.add.f32 [tilespmem:s21], [sflag:$0x3], $0x80, s25, s20, $0xb8;
	[tilespmem:$0x1E400] =	vst v63  }
0xc6: {  	_ =	swait.ge [sflag:s18], $0x4000  }
0xc7: {  	[sflag:s18] =	ssyncset.done $0x0  }
0xc8: {  	[sflag:s18] =	ssyncadd.s32 $0xFFFFC000  }
0xc9: {  	_ =	swait.ge [sflag:s24], $0x4000  }
0xca: {  	[sflag:s24] =	ssyncset.done $0x0  }
0xcb: {  	[sflag:s24] =	ssyncadd.s32 $0xFFFFC000  }
0xcc: {  	[spmem:s2] =	stream.indirect.scatter.add.f32 [tilespmem:s22], [sflag:$0x3], $0x80, s26, s20, $0xb8;
	[tilespmem:$0x1E400] =	vst v63  }
0xcd: {  	_ =	swait.ge [sflag:s18], $0x4000  }
0xce: {  	[sflag:s18] =	ssyncset.done $0x0  }
0xcf: {  	s28 =	simm.s32 $0x0;
	[sflag:s18] =	ssyncadd.s32 $0xFFFFC000  }
0xd0: {  	[tilespmem:s28], [sflag:$0x3] =	stream.linear.gather [hbm4b:s9+s28], $0x1400, $0x38;
	[tilespmem:$0x1E400] =	vst v63  }
0xd1: {  	_ =	swait.ge [sflag:s18], $0x1400  }
0xd2: {  	[sflag:s18] =	ssyncset.done $0x0  }
0xd3: {  	[sflag:s18] =	ssyncadd.s32 $0xFFFFEC00  }
0xd4: {  	[tilespmem:s19], [sflag:$0x3] =	stream.linear.gather [hbm4b:s10+s28], $0x1400, $0x38;
	[tilespmem:$0x1E400] =	vst v63  }
0xd5: {  	_ =	swait.ge [sflag:s18], $0x1400  }
0xd6: {  	[sflag:s18] =	ssyncset.done $0x0  }
0xd7: {  	[sflag:s18] =	ssyncadd.s32 $0xFFFFEC00  }
0xd8: {  	[tilespmem:s21], [sflag:$0x1] =	stream.indirect.gather [hbm4b:s4+s20], $0x80, s28, s20, $0xb8;
	[tilespmem:$0x1E400] =	vst v63  }
0xd9: {  	_ = 	snop  }
0xda: {  	[tilespmem:s22], [sflag:$0x2] =	stream.indirect.gather [hbm4b:s4+s20], $0x80, s20, s20, $0xb8;
	[tilespmem:$0x1E400] =	vst v63  }
0xdb: {  	_ =	swait.ge [sflag:s23], $0x4000  }
0xdc: {  	[sflag:s23] =	ssyncset.done $0x0  }
0xdd: {  	s28 =	simm.s32 $0x1400;
	[sflag:s23] =	ssyncadd.s32 $0xFFFFC000  }
0xde: {  	[spmem:s2] =	stream.indirect.scatter.add.f32 [tilespmem:s21], [sflag:$0x3], $0x80, s28, s20, $0xb8;
	[tilespmem:$0x1E400] =	vst v63  }
0xdf: {  	_ =	swait.ge [sflag:s18], $0x4000  }
0xe0: {  	[sflag:s18] =	ssyncset.done $0x0  }
0xe1: {  	s28 =	simm.s32 $0x100;
	[sflag:s18] =	ssyncadd.s32 $0xFFFFC000  }
0xe2: {  	[tilespmem:s21], [sflag:$0x1] =	stream.indirect.gather [hbm4b:s4+s20], $0x80, s28, s20, $0xb8;
	[tilespmem:$0x1E400] =	vst v63  }
0xe3: {  	_ =	swait.ge [sflag:s24], $0x4000  }
0xe4: {  	[sflag:s24] =	ssyncset.done $0x0  }
0xe5: {  	s28 =	simm.s32 $0x1480;
	[sflag:s24] =	ssyncadd.s32 $0xFFFFC000  }
0xe6: {  	[spmem:s2] =	stream.indirect.scatter.add.f32 [tilespmem:s22], [sflag:$0x3], $0x80, s28, s20, $0xb8;
	[tilespmem:$0x1E400] =	vst v63  }
0xe7: {  	_ =	swait.ge [sflag:s18], $0x4000  }
0xe8: {  	[sflag:s18] =	ssyncset.done $0x0  }
0xe9: {  	s29 =	simm.s32 $0x180;
	s28 =	simm.s32 $0x400;
	[sflag:s18] =	ssyncadd.s32 $0xFFFFC000  }
.LBB2_5:
0xea: {  	[tilespmem:s22], [sflag:$0x2] =	stream.indirect.gather [hbm4b:s4+s20], $0x80, s29, s20, $0xb8;
	[tilespmem:$0x1E400] =	vst v63  }
0xeb: {  	s29 =	smov.u32 s28  }
0xec: {  	p1 =	seq.s32 s28, $0x4800;
	s28 =	sadd.s32 $0x400, s28;
	_ =	swait.ge [sflag:s23], $0x4000  }
0xed: {  	s29 =	sshra.s32 s29, $0x2;
	[sflag:s23] =	ssyncset.done $0x0  }
0xee: {  	s30 =	sadd.s32 $0x1400, s29;
	[sflag:s23] =	ssyncadd.s32 $0xFFFFC000  }
0xef: {  	[spmem:s2] =	stream.indirect.scatter.add.f32 [tilespmem:s21], [sflag:$0x3], $0x80, s30, s20, $0xb8;
	[tilespmem:$0x1E400] =	vst v63  }
0xf0: {  	_ =	swait.ge [sflag:s18], $0x4000  }
0xf1: {  	[sflag:s18] =	ssyncset.done $0x0  }
0xf2: {  	s30 =	sadd.s32 $0x100, s29;
	[sflag:s18] =	ssyncadd.s32 $0xFFFFC000  }
0xf3: {  	[tilespmem:s21], [sflag:$0x1] =	stream.indirect.gather [hbm4b:s4+s20], $0x80, s30, s20, $0xb8;
	[tilespmem:$0x1E400] =	vst v63  }
0xf4: {  	_ =	swait.ge [sflag:s24], $0x4000  }
0xf5: {  	[sflag:s24] =	ssyncset.done $0x0  }
.Ltmp7:
0xf6: {  	s30 =	sadd.s32 $0x1480, s29;
	[sflag:s24] =	ssyncadd.s32 $0xFFFFC000;
	(pc) =	sbr.rel @!p1 .LBB2_5-.Ltmp7, $4  }
0xf7: {  	[spmem:s2] =	stream.indirect.scatter.add.f32 [tilespmem:s22], [sflag:$0x3], $0x80, s30, s20, $0xb8;
	[tilespmem:$0x1E400] =	vst v63  }
0xf8: {  	_ =	swait.ge [sflag:s18], $0x4000  }
0xf9: {  	[sflag:s18] =	ssyncset.done $0x0  }
0xfa: {  	s29 =	sadd.s32 $0x180, s29;
	[sflag:s18] =	ssyncadd.s32 $0xFFFFC000  }
.Ltmp8:
0xfb: {  	(pc) =	sbr.rel .LBB2_12-.Ltmp8, $2  }
0xfc: {  	_ =	sdelay $0x2  }
0xfd: {  	[tilespmem:s22], [sflag:$0x2] =	stream.indirect.gather [hbm4b:s4+s20], $0x80, s29, s20, $0xb8;
	[tilespmem:$0x1E400] =	vst v63  }
.LBB2_13:
0xfe: {  	_ =	sfence.sel $0x180000  }
0xff: {  	[bflag:$0x0] =	sbarrier.arrive $0xFFFF  }
0x100: {  	p0 =	sne.s32 s1, $0x0;
	_ =	strace $0x9000004A  }
0x101: {  	s0 =	sadd.s32 @!p0 $0x100000, s0;
	[bflag:$0x2] =	sbarrier.arrive $0xFFFF  }
0x102: {  	[sflag:s0] =	ssyncadd.tile.s32 @!p0 $0x1;
	_ =	shalt  }
.Lfunc_end2:
_tile_overlayer_lowered:
.L_overlay_start_2:
0x103: {  	(tag) =	ssettag $0x2  }
0x104: {  	s0 =	rddreg [dreg:$0x0];
	s2 =	stileid.u32  }
0x105: {  	s1 =	rddreg [dreg:$0x1];
	p0 =	sne.s32 s2, $0x0  }
0x106: {  	s3 =	rddreg [dreg:$0x2];
	[bflag:$0x3] =	sbarrier.arrive $0xFFFF;
	s2 =	simm.s32 @!p0 $0x1C03  }
0x107: {  	[timem:s3], [sflag:s2] =	dma.local @!p0 [hbm:s0], s1  }
0x108: {  	s0 =	simm.s32 @!p0 $0x3  }
0x109: {  	_ =	swait.ge @!p0 [sflag:s0], s1  }
0x10a: {  	s1 =	ssub.s32 @!p0 $0x0, s1;
	[sflag:s0] =	ssyncset.done @!p0 $0x0  }
0x10b: {  	[sflag:s0] =	ssyncadd.s32 @!p0 s1  }
0x10c: {  	[bflag:$0x3] =	sbarrier.arrive $0xFFFF  }
0x10d: {  	_ =	shalt  }

// kernel: kernel.14.cloned.1.call-start
scs
__scs_entry_jumppad:
0x0: {  	(pc) =	sbr.rel $0x88, $3  }
0x1: {  	(tag) =	ssettag $0x0;
	lr =	simm.s32 $0x1  }
0x2: {  	[smem:$0x3F99] =	sst lr;
	_ =	strace $0xD0000000  }
0x3: {  	_ = 	snop  }
0x4: {  	_ = 	snop  }
0x5: {  	_ = 	snop  }
0x6: {  	_ = 	snop  }
0x7: {  	_ = 	snop  }
__scs_overlays_trampoline_lowered:
0x8: {  	[smem:$0x3FA8] =	sst s0  }
0x9: {  	[smem:$0x3FA9] =	sst s1  }
0xa: {  	[smem:$0x3FAA] =	sst s2  }
0xb: {  	[smem:$0x3FAB] =	sst s3  }
0xc: {  	[smem:$0x3FAC] =	sst s4  }
0xd: {  	[smem:$0x3FAD] =	sst s5  }
0xe: {  	[smem:$0x3FAE] =	sst s6  }
0xf: {  	[smem:$0x3FAF] =	sst s7  }
0x10: {  	[smem:$0x3FB0] =	sst s8  }
0x11: {  	[smem:$0x3FB1] =	sst s9;
	s0 =	simm.s32 @!p0 $0x0  }
0x12: {  	s1 =	sld [smem:$0x3F97];
	s0 =	simm.s32 @p0 $0x1  }
0x13: {  	[smem:$0x3FB2] =	sst s0;
	s0 =	simm.s32 @!p1 $0x0  }
0x14: {  	s2 =	sld [smem:$0x3F96];
	s0 =	simm.s32 @p1 $0x1  }
0x15: {  	[smem:$0x3FB3] =	sst s0;
	s0 =	simm.s32 @!p2 $0x0  }
0x16: {  	s3 =	sld [smem:$0x3FDB];
	s0 =	simm.s32 @p2 $0x1  }
0x17: {  	s4 =	simm.s32 $0x1BF5;
	[smem:$0x3FB5] =	sst s0  }
0x18: {  	s0 =	sld [smem:$0x3F98];
	_ =	swait.ge [sflag:s4], $0x0  }
0x19: {  	s7 =	sld [smem:$0x3F99]  }
0x1a: {  	s8 =	sadd.s32 $0xFFFFE003, lr  }
0x1b: {  	s9 =	sadd.s32 $0xFFFFFEF7, lr;
	s5 =	simm.s32 $0xFFFFFFFF;
	p2 =	slt.u32 s8, $0xFFFFF086  }
0x1c: {  	p1 =	slt.u32 s9, $0xF7A;
	s5 =	simm.s32 @!p2 $0x0  }
0x1d: {  	s5 =	simm.s32 @p1 $0x1;
	p0 =	seq.s32 s7, s2  }
0x1e: {  	s7 =	smul.u32 @!p0 $0xF7A, s2;
	p2 =	seq.s32 @!p0 s5, $0x0  }
0x1f: {  	s9 =	smul.u32 $0xF7A, s1;
	s8 =	simm.s32 @!p0 $0x1BF5;
	p2 =	por !p2, p0  }
0x20: {  	[sflag:s8] =	ssyncset.s32 @!p0 $0xFFFFF086;
	s6 =	sadd.s32 @!p0 s3, s7;
	s7 =	simm.s32 @!p0 $0x108  }
0x21: {  	s3 =	sadd.s32 s3, s9;
	s6 =	sadd.s32 @!p0 $0x88, s6;
	s7 =	simm.s32 @p2 $0x1082  }
0x22: {  	[simem:s7], [sflag:s8] =	dma.local @!p0 [hbm:s6], $0xF7A  }
0x23: {  	s9 =	sor.u32 $0xD0000000, s2;
	s6 =	simm.s32 $0x108;
	_ =	swait.ge @!p0 [sflag:s8], $0x0  }
0x24: {  	s3 =	sadd.s32 $0x88, s3;
	s6 =	simm.s32 @!p1 $0x1082;
	[sflag:s4] =	ssyncset.s32 $0xFFFFF086  }
0x25: {  	[simem:s6], [sflag:s4] =	dma.local [hbm:s3], $0xF7A  }
0x26: {  	[smem:$0x3F99] =	sst s1;
	(tag) =	ssettag s2;
	_ =	strace s9  }
0x27: {  	s1 =	sld [smem:$0x3FA9]  }
0x28: {  	s2 =	sld [smem:$0x3FAA]  }
0x29: {  	s4 =	sld [smem:$0x3FAC]  }
0x2a: {  	p0 =	seq.s32 s5, $0x0;
	s5 =	sld [smem:$0x3FAD]  }
0x2b: {  	s6 =	sld [smem:$0x3FAE]  }
0x2c: {  	s7 =	sld [smem:$0x3FAF]  }
0x2d: {  	s3 =	simm.s32 $0x108;
	s8 =	sld [smem:$0x3FB0]  }
0x2e: {  	s3 =	simm.s32 @!p0 $0x1082;
	s9 =	sld [smem:$0x3FB1]  }
0x2f: {  	lr =	sadd.s32 s0, s3;
	s0 =	sld [smem:$0x3FA8]  }
0x30: {  	s3 =	sld [smem:$0x3FAB]  }
0x31: {  	[smem:$0x3FB4] =	sst s10  }
0x32: {  	s10 =	sld [smem:$0x3FB2];
	_ =	sdelay $0x3  }
0x33: {  	p0 =	seq.s32 s10, $0x1;
	s10 =	sld [smem:$0x3FB4];
	_ =	sdelay $0x3  }
0x34: {  	[smem:$0x3FB4] =	sst s10  }
0x35: {  	s10 =	sld [smem:$0x3FB3];
	_ =	sdelay $0x3  }
0x36: {  	p1 =	seq.s32 s10, $0x1;
	s10 =	sld [smem:$0x3FB4];
	_ =	sdelay $0x3  }
0x37: {  	[smem:$0x3FB4] =	sst s10  }
0x38: {  	s10 =	sld [smem:$0x3FB5]  }
0x39: {  	_ = 	snop;
	(pc) =	sbr.ind lr, $3  }
0x3a: {  	_ = 	snop  }
0x3b: {  	_ = 	snop  }
0x3c: {  	p2 =	seq.s32 s10, $0x1;
	s10 =	sld [smem:$0x3FB4]  }
0x3d: {  	_ =	shalt  }
0x3e: {  	_ =	shalt  }
0x3f: {  	_ =	shalt  }
0x40: {  	_ =	shalt  }
0x41: {  	_ =	shalt  }
0x42: {  	_ =	shalt  }
0x43: {  	_ =	shalt  }
0x44: {  	_ =	shalt  }
0x45: {  	_ =	shalt  }
0x46: {  	_ =	shalt  }
0x47: {  	_ =	shalt  }
0x48: {  	_ =	shalt  }
0x49: {  	_ =	shalt  }
0x4a: {  	_ =	shalt  }
0x4b: {  	_ =	shalt  }
0x4c: {  	_ =	shalt  }
0x4d: {  	_ =	shalt  }
0x4e: {  	_ =	shalt  }
0x4f: {  	_ =	shalt  }
0x50: {  	_ =	shalt  }
0x51: {  	_ =	shalt  }
0x52: {  	_ =	shalt  }
0x53: {  	_ =	shalt  }
0x54: {  	_ =	shalt  }
0x55: {  	_ =	shalt  }
0x56: {  	_ =	shalt  }
0x57: {  	_ =	shalt  }
0x58: {  	_ =	shalt  }
0x59: {  	_ =	shalt  }
0x5a: {  	_ =	shalt  }
0x5b: {  	_ =	shalt  }
0x5c: {  	_ =	shalt  }
0x5d: {  	_ =	shalt  }
0x5e: {  	_ =	shalt  }
0x5f: {  	_ =	shalt  }
0x60: {  	_ =	shalt  }
0x61: {  	_ =	shalt  }
0x62: {  	_ =	shalt  }
0x63: {  	_ =	shalt  }
0x64: {  	_ =	shalt  }
0x65: {  	_ =	shalt  }
0x66: {  	_ =	shalt  }
0x67: {  	_ =	shalt  }
0x68: {  	_ =	shalt  }
0x69: {  	_ =	shalt  }
0x6a: {  	_ =	shalt  }
0x6b: {  	_ =	shalt  }
0x6c: {  	_ =	shalt  }
0x6d: {  	_ =	shalt  }
0x6e: {  	_ =	shalt  }
0x6f: {  	_ =	shalt  }
0x70: {  	_ =	shalt  }
0x71: {  	_ =	shalt  }
0x72: {  	_ =	shalt  }
0x73: {  	_ =	shalt  }
0x74: {  	_ =	shalt  }
0x75: {  	_ =	shalt  }
0x76: {  	_ =	shalt  }
0x77: {  	_ =	shalt  }
0x78: {  	_ =	shalt  }
0x79: {  	_ =	shalt  }
0x7a: {  	_ =	shalt  }
0x7b: {  	_ =	shalt  }
0x7c: {  	_ =	shalt  }
0x7d: {  	_ =	shalt  }
0x7e: {  	_ =	shalt  }
0x7f: {  	_ =	shalt  }
0x80: {  	_ =	shalt  }
0x81: {  	_ =	shalt  }
0x82: {  	_ =	shalt  }
0x83: {  	_ =	shalt  }
0x84: {  	_ =	shalt  }
0x85: {  	_ =	shalt  }
0x86: {  	_ =	shalt  }
0x87: {  	_ =	shalt  }
.Lfunc_end0:
.L_simem_size_0:
called_computation.2_lowered:
.L_overlay_start_0:
0x88: {  	s2 =	sld [smem:$0x3FD9]  }
0x89: {  	s3 =	sld [smem:$0x3FFE];
	_ =	sdelay $0x1  }
0x8a: {  	s1 =	srdreg.scid  }
0x8b: {  	s0 =	sand.u32 $0x1, s1  }
0x8c: {  	s16 =	sshll.u32 s0, $0xA;
	s2 =	sadd.s32 s3, s2  }
0x8d: {  	s2 =	sadd.s32 s2, s16  }
0x8e: {  	[smem:$0x3FC0] =	sst s2  }
0x8f: {  	_ = 	snop  }
0x90: {  	(tm) =	ssettm $0x1  }
0x91: {  	s17 =	sld [smem:$0x3FFB];
	_ =	sdelay $0x3  }
0x92: {  	_ =	strace s17  }
0x93: {  	s2 =	sld [smem:$0x3FFC];
	_ =	sdelay $0x3  }
0x94: {  	_ =	strace s2  }
0x95: {  	s2 =	sld [smem:$0x3FFD];
	_ =	sdelay $0x3  }
0x96: {  	_ =	strace s2  }
0x97: {  	_ =	strace $0x8FFFFFFF  }
0x98: {  	s18 =	sld [smem:$0x3FDB];
	_ =	sdelay $0x1  }
0x99: {  	s19 =	simm.s32 $_scs_section_size  }
0x9a: {  	s4 =	simm.s32 $_size__tile_overlayer_lowered;
	s5 =	simm.s32 $_tile_overlayer_lowered  }
0x9b: {  	s22 =	simm.s32 $0x1BFF;
	s21 =	sshll.u32 s5, $0x1;
	s2 =	sadd.s32 s19, s18  }
0x9c: {  	s6 =	simm.s32 $0x0;
	s20 =	sshll.u32 s4, $0x1;
	s4 =	sadd.s32 s21, s2  }
0x9d: {  	[timem:s6], [sflag:s22] =	dma.local [hbm:s4], s20  }
0x9e: {  	_ =	swait.ge [sflag:s22], s20  }
0x9f: {  	s3 =	ssub.s32 $0x0, s20;
	[sflag:s22] =	ssyncset.done $0x0  }
0xa0: {  	[sflag:s22] =	ssyncadd.s32 s3;
	_ =	sdelay $0x1  }
0xa1: {  	s23 =	simm.s32 $0x1B8B  }
0xa2: {  	_ =	swait.ge [sflag:s23], $0x1  }
0xa3: {  	[sflag:s23] =	ssyncset.done $0x0  }
0xa4: {  	s25 =	simm.s32 $0x1B8E;
	s24 =	sld [smem:$0x3FFE];
	[sflag:s23] =	ssyncadd.s32 $0xFFFFFFFF  }
0xa5: {  	s26 =	simm.s32 $execute0_lowered;
	[smem:$0x3FD2] =	sst s25  }
0xa6: {  	s4 =	sshll.u32 s26, $0x1;
	_ =	strace $0x8000004C;
	[dreg:$0x1] =	wrdreg $0xFFFFFFFF  }
0xa7: {  	s28 =	simm.s32 $_size_execute0_lowered;
	s2 =	sadd.s32 s2, s4;
	[dreg:$0x0] =	wrdreg $0x0  }
0xa8: {  	s4 =	sshll.u32 s28, $0x1;
	[dreg:$0x2] =	wrdreg s2  }
0xa9: {  	[dreg:$0x3] =	wrdreg s4  }
0xaa: {  	[dreg:$0x4] =	wrdreg $0xC0  }
0xab: {  	_ =	task [dreg:s6], $0x5FFFF  }
0xac: {  	[dreg:$0x1] =	wrdreg $0xFFFFFFFF  }
0xad: {  	[dreg:$0x0] =	wrdreg $0x60  }
0xae: {  	[dreg:$0x2] =	wrdreg s24  }
0xaf: {  	[dreg:$0x3] =	wrdreg $0xA8000  }
0xb0: {  	[dreg:$0x4] =	wrdreg $0x9  }
0xb1: {  	_ =	task.clear_ibuf [dreg:s6], $0x5FFFF;
	_ =	strace $0x9000004C  }
0xb2: {  	s29 =	simm.s32 $0x9;
	_ =	strace $0x8000004E  }
0xb3: {  	_ =	swait.ge [sflag:s29], $0x1  }
0xb4: {  	[sflag:s29] =	ssyncadd.s32 $0xFFFFFFFF  }
0xb5: {  	_ =	strace $0x9000004E  }
0xb6: {  	_ =	sfence  }
0xb7: {  	s30 =	sld [smem:$0x0];
	_ =	sdelay $0x2  }
0xb8: {  	s31 =	sshll.u32 s1, $0xD;
	s1 =	sshrl.u32 s1, $0x2  }
0xb9: {  	s3 =	sand.u32 $0x4000, s31;
	s1 =	sadd.s32 s1, s30  }
0xba: {  	s0 =	sor.u32 s3, s0;
	s1 =	sshll.u32 s1, $0x11  }
0xbb: {  	s0 =	sor.u32 s1, s0  }
0xbc: {  	s0 =	sadd.s32 $0x8F2B, s0  }
0xbd: {  	[sflag:s0] =	ssyncadd.remote.s32 $0x1  }
0xbe: {  	_ =	sfence.sel $0xFFFF  }
0xbf: {  	[dreg:$0x0] =	wrdreg $0xFFFFFFFF;
	(pc) =	sbr.abs _section_cstart, $3  }
0xc0: {  	[dreg:$0x1] =	wrdreg $0xFFFFFFFF  }
0xc1: {  	_ =	task.clear_ibuf [dreg:s6], $0x2FFFF;
	_ =	strace $0x9FFFFFFF  }
0xc2: {  	(tm) =	ssettm $0x7FFFFFFF  }
0xc3: {  	_ =	shalt  }
tec
execute0_lowered:
.L_overlay_start_1:
0x0: {  	(tag) =	ssettag $0x1  }
0x1: {  	s5 =	rddreg [dreg:$0x0]  }
0x2: {  	s2 =	rddreg [dreg:$0x1]  }
0x3: {  	s0 =	rddreg [dreg:$0x2]  }
0x4: {  	s3 =	simm.s32 $0x0;
	s1 =	stileid.u32;
	s4 =	srdreg.scid  }
0x5: {  	s20 =	simm.s32 $0x80;
	s21 =	simm.s32 $0x2800;
	s22 =	simm.s32 $0x6800  }
0x6: {  	s23 =	simm.s32 $0x1;
	s24 =	simm.s32 $0x2;
	s25 =	simm.s32 $0x2700  }
0x7: {  	s26 =	simm.s32 $0x2780;
	[smem:$0x7FF] =	sst s3;
	s6 =	smul.u32 $0x13C00, s1  }
0x8: {  	s7 =	sand.u32 $0x1, s4;
	s4 =	sadd.s32 $0x48200, s5;
	s11 =	smul.u32 $0x4F000, s1  }
0x9: {  	s13 =	sadd.s32 $0x16A00, s5;
	s14 =	sadd.s32 $0xCA00, s5;
	s12 =	smul.u32 $0x500, s1  }
0xa: {  	s30 =	sshll.u32 s1, $0x6;
	_ =	strace $0x8000004D;
	s8 =	smul.u32 $0x13C000, s7  }
0xb: {  	s28 =	ssub.s32 $0x2, s7;
	p0 =	seq.s32 s7, $0x1;
	s9 =	sshrl.u32 s6, $0x3  }
0xc: {  	s10 =	sshrl.u32 s28, $0x1;
	s29 =	sshrl.u32 s11, $0x2;
	s7 =	sadd.s32 s13, s12  }
0xd: {  	s31 =	sadd.s32 $0x280, s12;
	s18 =	sadd.s32 $0x5000, s12;
	s19 =	sadd.s32 $0x5280, s12  }
0xe: {  	s6 =	sadd.s32 s6, s8;
	s9 =	sadd.s32 s9, s5;
	s16 =	ssub.s32 s28, s10  }
0xf: {  	s17 =	sadd.s32 s29, s2;
	s8 =	sadd.s32 s14, s12;
	s10 =	sadd.s32 s14, s31  }
.Ltmp0:
0x10: {  	s11 =	sadd.s32 s13, s18;
	s12 =	sadd.s32 s14, s18;
	(pc) =	sbr.rel .LBB2_1-.Ltmp0, $4  }
0x11: {  	s14 =	sadd.s32 s14, s19;
	s18 =	simm.s32 $0x3;
	s6 =	sshrl.u32 s6, $0x3  }
0x12: {  	s16 =	smax.u32 s16, $0x1;
	s17 =	sshrl.u32 s17, $0x3;
	s15 =	sadd.s32 s6, s5  }
0x13: {  	s5 =	sadd.s32 $0x20A00, s9;
	s6 =	sor.u32 $0x1C03, s30;
	s9 =	sadd.s32 s13, s31  }
0x14: {  	s13 =	sadd.s32 s13, s19;
	s19 =	simm.s32 $0x1400;
	s15 =	sadd.s32 $0x6F400, s15  }
.LBB2_11:
0x15: {  	[tilespmem:s22], [sflag:$0x2] =	stream.indirect.gather [hbm4b:s4+s20], $0x80, s29, s20, $0xb8;
	[tilespmem:$0x1E400] =	vst v63  }
.LBB2_12:
0x16: {  	_ =	swait.ge [sflag:s23], $0x4000  }
0x17: {  	[sflag:s23] =	ssyncset.done $0x0  }
0x18: {  	[sflag:s23] =	ssyncadd.s32 $0xFFFFC000  }
0x19: {  	[spmem:s2] =	stream.indirect.scatter.add.f32 [tilespmem:s21], [sflag:$0x3], $0x80, s25, s20, $0xb8;
	[tilespmem:$0x1E400] =	vst v63  }
0x1a: {  	_ =	swait.ge [sflag:s18], $0x4000  }
0x1b: {  	[sflag:s18] =	ssyncset.done $0x0  }
0x1c: {  	[sflag:s18] =	ssyncadd.s32 $0xFFFFC000  }
0x1d: {  	_ =	swait.ge [sflag:s24], $0x4000  }
0x1e: {  	[sflag:s24] =	ssyncset.done $0x0  }
0x1f: {  	[sflag:s24] =	ssyncadd.s32 $0xFFFFC000  }
0x20: {  	[spmem:s2] =	stream.indirect.scatter.add.f32 [tilespmem:s22], [sflag:$0x3], $0x80, s26, s20, $0xb8;
	[tilespmem:$0x1E400] =	vst v63  }
0x21: {  	_ =	swait.ge [sflag:s18], $0x4000  }
0x22: {  	s3 =	sadd.s32 $0x1, s3;
	[sflag:s18] =	ssyncset.done $0x0  }
0x23: {  	p1 =	sne.s32 s3, s16;
	[sflag:s18] =	ssyncadd.s32 $0xFFFFC000  }
.Ltmp1:
0x24: {  	[bflag:$0x0] =	sbarrier.arrive $0xFFFF;
	(pc) =	sbr.rel @!p1 .LBB2_13-.Ltmp1, $4  }
0x25: {  	[hbm:s15], [sflag:s6] =	dma.local [spmem:s17], $0x2780  }
0x26: {  	_ =	swait.ge [sflag:s18], $0x2780  }
0x27: {  	[sflag:s18] =	ssyncset.done $0x0  }
0x28: {  	[sflag:s18] =	ssyncadd.s32 $0xFFFFD880  }
.LBB2_1:
0x29: {  	[spmem:s17], [sflag:s6] =	dma.local [hbm:s5], $0x2780  }
.Ltmp2:
0x2a: {  	_ =	swait.ge [sflag:s18], $0x2780;
	(pc) =	sbr.rel @!p0 .LBB2_2-.Ltmp2, $4  }
0x2b: {  	[sflag:s18] =	ssyncset.done $0x0  }
0x2c: {  	[sflag:s18] =	ssyncadd.s32 $0xFFFFD880  }
0x2d: {  	[bflag:$0x0] =	sbarrier.arrive $0xFFFF  }
0x2e: {  	s28 =	simm.s32 $0x0  }
0x2f: {  	[tilespmem:s28], [sflag:$0x3] =	stream.linear.gather [hbm4b:s11+s28], $0x1400, $0x38;
	[tilespmem:$0x1E400] =	vst v63  }
0x30: {  	_ =	swait.ge [sflag:s18], $0x1400  }
0x31: {  	[sflag:s18] =	ssyncset.done $0x0  }
0x32: {  	[sflag:s18] =	ssyncadd.s32 $0xFFFFEC00  }
0x33: {  	[tilespmem:s19], [sflag:$0x3] =	stream.linear.gather [hbm4b:s12+s28], $0x1400, $0x38;
	[tilespmem:$0x1E400] =	vst v63  }
0x34: {  	_ =	swait.ge [sflag:s18], $0x1400  }
0x35: {  	[sflag:s18] =	ssyncset.done $0x0  }
0x36: {  	[sflag:s18] =	ssyncadd.s32 $0xFFFFEC00  }
0x37: {  	[tilespmem:s21], [sflag:$0x1] =	stream.indirect.gather [hbm4b:s4+s20], $0x80, s28, s20, $0xb8;
	[tilespmem:$0x1E400] =	vst v63  }
0x38: {  	_ = 	snop  }
0x39: {  	[tilespmem:s22], [sflag:$0x2] =	stream.indirect.gather [hbm4b:s4+s20], $0x80, s20, s20, $0xb8;
	[tilespmem:$0x1E400] =	vst v63  }
0x3a: {  	_ =	swait.ge [sflag:s23], $0x4000  }
0x3b: {  	[sflag:s23] =	ssyncset.done $0x0  }
0x3c: {  	s28 =	simm.s32 $0x1400;
	[sflag:s23] =	ssyncadd.s32 $0xFFFFC000  }
0x3d: {  	[spmem:s2] =	stream.indirect.scatter.add.f32 [tilespmem:s21], [sflag:$0x3], $0x80, s28, s20, $0xb8;
	[tilespmem:$0x1E400] =	vst v63  }
0x3e: {  	_ =	swait.ge [sflag:s18], $0x4000  }
0x3f: {  	[sflag:s18] =	ssyncset.done $0x0  }
0x40: {  	s28 =	simm.s32 $0x100;
	[sflag:s18] =	ssyncadd.s32 $0xFFFFC000  }
0x41: {  	[tilespmem:s21], [sflag:$0x1] =	stream.indirect.gather [hbm4b:s4+s20], $0x80, s28, s20, $0xb8;
	[tilespmem:$0x1E400] =	vst v63  }
0x42: {  	_ =	swait.ge [sflag:s24], $0x4000  }
0x43: {  	[sflag:s24] =	ssyncset.done $0x0  }
0x44: {  	s28 =	simm.s32 $0x1480;
	[sflag:s24] =	ssyncadd.s32 $0xFFFFC000  }
0x45: {  	[spmem:s2] =	stream.indirect.scatter.add.f32 [tilespmem:s22], [sflag:$0x3], $0x80, s28, s20, $0xb8;
	[tilespmem:$0x1E400] =	vst v63  }
0x46: {  	_ =	swait.ge [sflag:s18], $0x4000  }
0x47: {  	[sflag:s18] =	ssyncset.done $0x0  }
0x48: {  	s29 =	simm.s32 $0x180;
	s28 =	simm.s32 $0x400;
	[sflag:s18] =	ssyncadd.s32 $0xFFFFC000  }
.LBB2_8:
0x49: {  	[tilespmem:s22], [sflag:$0x2] =	stream.indirect.gather [hbm4b:s4+s20], $0x80, s29, s20, $0xb8;
	[tilespmem:$0x1E400] =	vst v63  }
0x4a: {  	s29 =	smov.u32 s28  }
0x4b: {  	p1 =	sne.s32 s28, $0x4800;
	s28 =	sadd.s32 $0x400, s28;
	_ =	swait.ge [sflag:s23], $0x4000  }
0x4c: {  	s29 =	sshra.s32 s29, $0x2;
	[sflag:s23] =	ssyncset.done $0x0  }
0x4d: {  	s30 =	sadd.s32 $0x1400, s29;
	[sflag:s23] =	ssyncadd.s32 $0xFFFFC000  }
0x4e: {  	[spmem:s2] =	stream.indirect.scatter.add.f32 [tilespmem:s21], [sflag:$0x3], $0x80, s30, s20, $0xb8;
	[tilespmem:$0x1E400] =	vst v63  }
0x4f: {  	_ =	swait.ge [sflag:s18], $0x4000  }
0x50: {  	[sflag:s18] =	ssyncset.done $0x0  }
0x51: {  	s30 =	sadd.s32 $0x100, s29;
	[sflag:s18] =	ssyncadd.s32 $0xFFFFC000  }
0x52: {  	[tilespmem:s21], [sflag:$0x1] =	stream.indirect.gather [hbm4b:s4+s20], $0x80, s30, s20, $0xb8;
	[tilespmem:$0x1E400] =	vst v63  }
0x53: {  	_ =	swait.ge [sflag:s24], $0x4000  }
0x54: {  	[sflag:s24] =	ssyncset.done $0x0  }
.Ltmp3:
0x55: {  	s30 =	sadd.s32 $0x1480, s29;
	[sflag:s24] =	ssyncadd.s32 $0xFFFFC000;
	(pc) =	sbr.rel @p1 .LBB2_8-.Ltmp3, $4  }
0x56: {  	[spmem:s2] =	stream.indirect.scatter.add.f32 [tilespmem:s22], [sflag:$0x3], $0x80, s30, s20, $0xb8;
	[tilespmem:$0x1E400] =	vst v63  }
0x57: {  	_ =	swait.ge [sflag:s18], $0x4000  }
0x58: {  	[sflag:s18] =	ssyncset.done $0x0  }
0x59: {  	s29 =	sadd.s32 $0x180, s29;
	[sflag:s18] =	ssyncadd.s32 $0xFFFFC000  }
0x5a: {  	[tilespmem:s22], [sflag:$0x2] =	stream.indirect.gather [hbm4b:s4+s20], $0x80, s29, s20, $0xb8;
	[tilespmem:$0x1E400] =	vst v63  }
0x5b: {  	_ =	swait.ge [sflag:s23], $0x4000  }
0x5c: {  	[sflag:s23] =	ssyncset.done $0x0  }
0x5d: {  	[sflag:s23] =	ssyncadd.s32 $0xFFFFC000  }
0x5e: {  	[spmem:s2] =	stream.indirect.scatter.add.f32 [tilespmem:s21], [sflag:$0x3], $0x80, s25, s20, $0xb8;
	[tilespmem:$0x1E400] =	vst v63  }
0x5f: {  	_ =	swait.ge [sflag:s18], $0x4000  }
0x60: {  	[sflag:s18] =	ssyncset.done $0x0  }
0x61: {  	[sflag:s18] =	ssyncadd.s32 $0xFFFFC000  }
0x62: {  	_ =	swait.ge [sflag:s24], $0x4000  }
0x63: {  	[sflag:s24] =	ssyncset.done $0x0  }
0x64: {  	[sflag:s24] =	ssyncadd.s32 $0xFFFFC000  }
0x65: {  	[spmem:s2] =	stream.indirect.scatter.add.f32 [tilespmem:s22], [sflag:$0x3], $0x80, s26, s20, $0xb8;
	[tilespmem:$0x1E400] =	vst v63  }
0x66: {  	_ =	swait.ge [sflag:s18], $0x4000  }
0x67: {  	[sflag:s18] =	ssyncset.done $0x0  }
0x68: {  	s28 =	simm.s32 $0x0;
	[sflag:s18] =	ssyncadd.s32 $0xFFFFC000  }
0x69: {  	[tilespmem:s28], [sflag:$0x3] =	stream.linear.gather [hbm4b:s13+s28], $0x1400, $0x38;
	[tilespmem:$0x1E400] =	vst v63  }
0x6a: {  	_ =	swait.ge [sflag:s18], $0x1400  }
0x6b: {  	[sflag:s18] =	ssyncset.done $0x0  }
0x6c: {  	[sflag:s18] =	ssyncadd.s32 $0xFFFFEC00  }
0x6d: {  	[tilespmem:s19], [sflag:$0x3] =	stream.linear.gather [hbm4b:s14+s28], $0x1400, $0x38;
	[tilespmem:$0x1E400] =	vst v63  }
0x6e: {  	_ =	swait.ge [sflag:s18], $0x1400  }
0x6f: {  	[sflag:s18] =	ssyncset.done $0x0  }
0x70: {  	[sflag:s18] =	ssyncadd.s32 $0xFFFFEC00  }
0x71: {  	[tilespmem:s21], [sflag:$0x1] =	stream.indirect.gather [hbm4b:s4+s20], $0x80, s28, s20, $0xb8;
	[tilespmem:$0x1E400] =	vst v63  }
0x72: {  	_ = 	snop  }
0x73: {  	[tilespmem:s22], [sflag:$0x2] =	stream.indirect.gather [hbm4b:s4+s20], $0x80, s20, s20, $0xb8;
	[tilespmem:$0x1E400] =	vst v63  }
0x74: {  	_ =	swait.ge [sflag:s23], $0x4000  }
0x75: {  	[sflag:s23] =	ssyncset.done $0x0  }
0x76: {  	s28 =	simm.s32 $0x1400;
	[sflag:s23] =	ssyncadd.s32 $0xFFFFC000  }
0x77: {  	[spmem:s2] =	stream.indirect.scatter.add.f32 [tilespmem:s21], [sflag:$0x3], $0x80, s28, s20, $0xb8;
	[tilespmem:$0x1E400] =	vst v63  }
0x78: {  	_ =	swait.ge [sflag:s18], $0x4000  }
0x79: {  	[sflag:s18] =	ssyncset.done $0x0  }
0x7a: {  	s28 =	simm.s32 $0x100;
	[sflag:s18] =	ssyncadd.s32 $0xFFFFC000  }
0x7b: {  	[tilespmem:s21], [sflag:$0x1] =	stream.indirect.gather [hbm4b:s4+s20], $0x80, s28, s20, $0xb8;
	[tilespmem:$0x1E400] =	vst v63  }
0x7c: {  	_ =	swait.ge [sflag:s24], $0x4000  }
0x7d: {  	[sflag:s24] =	ssyncset.done $0x0  }
0x7e: {  	s28 =	simm.s32 $0x1480;
	[sflag:s24] =	ssyncadd.s32 $0xFFFFC000  }
0x7f: {  	[spmem:s2] =	stream.indirect.scatter.add.f32 [tilespmem:s22], [sflag:$0x3], $0x80, s28, s20, $0xb8;
	[tilespmem:$0x1E400] =	vst v63  }
0x80: {  	_ =	swait.ge [sflag:s18], $0x4000  }
0x81: {  	[sflag:s18] =	ssyncset.done $0x0  }
0x82: {  	s29 =	simm.s32 $0x180;
	s28 =	simm.s32 $0x400;
	[sflag:s18] =	ssyncadd.s32 $0xFFFFC000  }
.LBB2_10:
0x83: {  	[tilespmem:s22], [sflag:$0x2] =	stream.indirect.gather [hbm4b:s4+s20], $0x80, s29, s20, $0xb8;
	[tilespmem:$0x1E400] =	vst v63  }
0x84: {  	s29 =	smov.u32 s28  }
0x85: {  	p1 =	sne.s32 s28, $0x4800;
	s28 =	sadd.s32 $0x400, s28;
	_ =	swait.ge [sflag:s23], $0x4000  }
0x86: {  	s29 =	sshra.s32 s29, $0x2;
	[sflag:s23] =	ssyncset.done $0x0  }
0x87: {  	s30 =	sadd.s32 $0x1400, s29;
	[sflag:s23] =	ssyncadd.s32 $0xFFFFC000  }
0x88: {  	[spmem:s2] =	stream.indirect.scatter.add.f32 [tilespmem:s21], [sflag:$0x3], $0x80, s30, s20, $0xb8;
	[tilespmem:$0x1E400] =	vst v63  }
0x89: {  	_ =	swait.ge [sflag:s18], $0x4000  }
0x8a: {  	[sflag:s18] =	ssyncset.done $0x0  }
0x8b: {  	s30 =	sadd.s32 $0x100, s29;
	[sflag:s18] =	ssyncadd.s32 $0xFFFFC000  }
0x8c: {  	[tilespmem:s21], [sflag:$0x1] =	stream.indirect.gather [hbm4b:s4+s20], $0x80, s30, s20, $0xb8;
	[tilespmem:$0x1E400] =	vst v63  }
0x8d: {  	_ =	swait.ge [sflag:s24], $0x4000  }
0x8e: {  	[sflag:s24] =	ssyncset.done $0x0  }
.Ltmp4:
0x8f: {  	s30 =	sadd.s32 $0x1480, s29;
	[sflag:s24] =	ssyncadd.s32 $0xFFFFC000;
	(pc) =	sbr.rel @p1 .LBB2_10-.Ltmp4, $4  }
0x90: {  	[spmem:s2] =	stream.indirect.scatter.add.f32 [tilespmem:s22], [sflag:$0x3], $0x80, s30, s20, $0xb8;
	[tilespmem:$0x1E400] =	vst v63  }
0x91: {  	_ =	swait.ge [sflag:s18], $0x4000  }
0x92: {  	[sflag:s18] =	ssyncset.done $0x0  }
0x93: {  	s29 =	sadd.s32 $0x180, s29;
	[sflag:s18] =	ssyncadd.s32 $0xFFFFC000  }
.Ltmp5:
0x94: {  	_ = 	snop;
	(pc) =	sbr.rel .LBB2_11-.Ltmp5, $1  }
0x95: {  	_ =	sdelay $0x3  }
.LBB2_2:
0x96: {  	[tilespmem:s28], [sflag:$0x3] =	stream.linear.gather [hbm4b:s7+s28], $0x1400, $0x38;
	[tilespmem:$0x1E400] =	vst v63  }
0x97: {  	_ =	swait.ge [sflag:s18], $0x1400  }
0x98: {  	[sflag:s18] =	ssyncset.done $0x0  }
0x99: {  	[sflag:s18] =	ssyncadd.s32 $0xFFFFEC00  }
0x9a: {  	[tilespmem:s19], [sflag:$0x3] =	stream.linear.gather [hbm4b:s8+s28], $0x1400, $0x38;
	[tilespmem:$0x1E400] =	vst v63  }
0x9b: {  	_ =	swait.ge [sflag:s18], $0x1400  }
0x9c: {  	[sflag:s18] =	ssyncset.done $0x0  }
0x9d: {  	[sflag:s18] =	ssyncadd.s32 $0xFFFFEC00  }
0x9e: {  	[tilespmem:s21], [sflag:$0x1] =	stream.indirect.gather [hbm4b:s4+s20], $0x80, s28, s20, $0xb8;
	[tilespmem:$0x1E400] =	vst v63  }
0x9f: {  	_ = 	snop  }
0xa0: {  	[tilespmem:s22], [sflag:$0x2] =	stream.indirect.gather [hbm4b:s4+s20], $0x80, s20, s20, $0xb8;
	[tilespmem:$0x1E400] =	vst v63  }
0xa1: {  	_ =	swait.ge [sflag:s23], $0x4000  }
0xa2: {  	[sflag:s23] =	ssyncset.done $0x0  }
0xa3: {  	s28 =	simm.s32 $0x1400;
	[sflag:s23] =	ssyncadd.s32 $0xFFFFC000  }
0xa4: {  	[spmem:s2] =	stream.indirect.scatter.add.f32 [tilespmem:s21], [sflag:$0x3], $0x80, s28, s20, $0xb8;
	[tilespmem:$0x1E400] =	vst v63  }
0xa5: {  	_ =	swait.ge [sflag:s18], $0x4000  }
0xa6: {  	[sflag:s18] =	ssyncset.done $0x0  }
0xa7: {  	s28 =	simm.s32 $0x100;
	[sflag:s18] =	ssyncadd.s32 $0xFFFFC000  }
0xa8: {  	[tilespmem:s21], [sflag:$0x1] =	stream.indirect.gather [hbm4b:s4+s20], $0x80, s28, s20, $0xb8;
	[tilespmem:$0x1E400] =	vst v63  }
0xa9: {  	_ =	swait.ge [sflag:s24], $0x4000  }
0xaa: {  	[sflag:s24] =	ssyncset.done $0x0  }
0xab: {  	s28 =	simm.s32 $0x1480;
	[sflag:s24] =	ssyncadd.s32 $0xFFFFC000  }
0xac: {  	[spmem:s2] =	stream.indirect.scatter.add.f32 [tilespmem:s22], [sflag:$0x3], $0x80, s28, s20, $0xb8;
	[tilespmem:$0x1E400] =	vst v63  }
0xad: {  	_ =	swait.ge [sflag:s18], $0x4000  }
0xae: {  	[sflag:s18] =	ssyncset.done $0x0  }
0xaf: {  	s29 =	simm.s32 $0x180;
	s28 =	simm.s32 $0x400;
	[sflag:s18] =	ssyncadd.s32 $0xFFFFC000  }
.LBB2_3:
0xb0: {  	[tilespmem:s22], [sflag:$0x2] =	stream.indirect.gather [hbm4b:s4+s20], $0x80, s29, s20, $0xb8;
	[tilespmem:$0x1E400] =	vst v63  }
0xb1: {  	s29 =	smov.u32 s28  }
0xb2: {  	p1 =	sne.s32 s28, $0x4800;
	s28 =	sadd.s32 $0x400, s28;
	_ =	swait.ge [sflag:s23], $0x4000  }
0xb3: {  	s29 =	sshra.s32 s29, $0x2;
	[sflag:s23] =	ssyncset.done $0x0  }
0xb4: {  	s30 =	sadd.s32 $0x1400, s29;
	[sflag:s23] =	ssyncadd.s32 $0xFFFFC000  }
0xb5: {  	[spmem:s2] =	stream.indirect.scatter.add.f32 [tilespmem:s21], [sflag:$0x3], $0x80, s30, s20, $0xb8;
	[tilespmem:$0x1E400] =	vst v63  }
0xb6: {  	_ =	swait.ge [sflag:s18], $0x4000  }
0xb7: {  	[sflag:s18] =	ssyncset.done $0x0  }
0xb8: {  	s30 =	sadd.s32 $0x100, s29;
	[sflag:s18] =	ssyncadd.s32 $0xFFFFC000  }
0xb9: {  	[tilespmem:s21], [sflag:$0x1] =	stream.indirect.gather [hbm4b:s4+s20], $0x80, s30, s20, $0xb8;
	[tilespmem:$0x1E400] =	vst v63  }
0xba: {  	_ =	swait.ge [sflag:s24], $0x4000  }
0xbb: {  	[sflag:s24] =	ssyncset.done $0x0  }
.Ltmp6:
0xbc: {  	s30 =	sadd.s32 $0x1480, s29;
	[sflag:s24] =	ssyncadd.s32 $0xFFFFC000;
	(pc) =	sbr.rel @p1 .LBB2_3-.Ltmp6, $4  }
0xbd: {  	[spmem:s2] =	stream.indirect.scatter.add.f32 [tilespmem:s22], [sflag:$0x3], $0x80, s30, s20, $0xb8;
	[tilespmem:$0x1E400] =	vst v63  }
0xbe: {  	_ =	swait.ge [sflag:s18], $0x4000  }
0xbf: {  	[sflag:s18] =	ssyncset.done $0x0  }
0xc0: {  	s29 =	sadd.s32 $0x180, s29;
	[sflag:s18] =	ssyncadd.s32 $0xFFFFC000  }
0xc1: {  	[tilespmem:s22], [sflag:$0x2] =	stream.indirect.gather [hbm4b:s4+s20], $0x80, s29, s20, $0xb8;
	[tilespmem:$0x1E400] =	vst v63  }
0xc2: {  	_ =	swait.ge [sflag:s23], $0x4000  }
0xc3: {  	[sflag:s23] =	ssyncset.done $0x0  }
0xc4: {  	[sflag:s23] =	ssyncadd.s32 $0xFFFFC000  }
0xc5: {  	[spmem:s2] =	stream.indirect.scatter.add.f32 [tilespmem:s21], [sflag:$0x3], $0x80, s25, s20, $0xb8;
	[tilespmem:$0x1E400] =	vst v63  }
0xc6: {  	_ =	swait.ge [sflag:s18], $0x4000  }
0xc7: {  	[sflag:s18] =	ssyncset.done $0x0  }
0xc8: {  	[sflag:s18] =	ssyncadd.s32 $0xFFFFC000  }
0xc9: {  	_ =	swait.ge [sflag:s24], $0x4000  }
0xca: {  	[sflag:s24] =	ssyncset.done $0x0  }
0xcb: {  	[sflag:s24] =	ssyncadd.s32 $0xFFFFC000  }
0xcc: {  	[spmem:s2] =	stream.indirect.scatter.add.f32 [tilespmem:s22], [sflag:$0x3], $0x80, s26, s20, $0xb8;
	[tilespmem:$0x1E400] =	vst v63  }
0xcd: {  	_ =	swait.ge [sflag:s18], $0x4000  }
0xce: {  	[sflag:s18] =	ssyncset.done $0x0  }
0xcf: {  	s28 =	simm.s32 $0x0;
	[sflag:s18] =	ssyncadd.s32 $0xFFFFC000  }
0xd0: {  	[tilespmem:s28], [sflag:$0x3] =	stream.linear.gather [hbm4b:s9+s28], $0x1400, $0x38;
	[tilespmem:$0x1E400] =	vst v63  }
0xd1: {  	_ =	swait.ge [sflag:s18], $0x1400  }
0xd2: {  	[sflag:s18] =	ssyncset.done $0x0  }
0xd3: {  	[sflag:s18] =	ssyncadd.s32 $0xFFFFEC00  }
0xd4: {  	[tilespmem:s19], [sflag:$0x3] =	stream.linear.gather [hbm4b:s10+s28], $0x1400, $0x38;
	[tilespmem:$0x1E400] =	vst v63  }
0xd5: {  	_ =	swait.ge [sflag:s18], $0x1400  }
0xd6: {  	[sflag:s18] =	ssyncset.done $0x0  }
0xd7: {  	[sflag:s18] =	ssyncadd.s32 $0xFFFFEC00  }
0xd8: {  	[tilespmem:s21], [sflag:$0x1] =	stream.indirect.gather [hbm4b:s4+s20], $0x80, s28, s20, $0xb8;
	[tilespmem:$0x1E400] =	vst v63  }
0xd9: {  	_ = 	snop  }
0xda: {  	[tilespmem:s22], [sflag:$0x2] =	stream.indirect.gather [hbm4b:s4+s20], $0x80, s20, s20, $0xb8;
	[tilespmem:$0x1E400] =	vst v63  }
0xdb: {  	_ =	swait.ge [sflag:s23], $0x4000  }
0xdc: {  	[sflag:s23] =	ssyncset.done $0x0  }
0xdd: {  	s28 =	simm.s32 $0x1400;
	[sflag:s23] =	ssyncadd.s32 $0xFFFFC000  }
0xde: {  	[spmem:s2] =	stream.indirect.scatter.add.f32 [tilespmem:s21], [sflag:$0x3], $0x80, s28, s20, $0xb8;
	[tilespmem:$0x1E400] =	vst v63  }
0xdf: {  	_ =	swait.ge [sflag:s18], $0x4000  }
0xe0: {  	[sflag:s18] =	ssyncset.done $0x0  }
0xe1: {  	s28 =	simm.s32 $0x100;
	[sflag:s18] =	ssyncadd.s32 $0xFFFFC000  }
0xe2: {  	[tilespmem:s21], [sflag:$0x1] =	stream.indirect.gather [hbm4b:s4+s20], $0x80, s28, s20, $0xb8;
	[tilespmem:$0x1E400] =	vst v63  }
0xe3: {  	_ =	swait.ge [sflag:s24], $0x4000  }
0xe4: {  	[sflag:s24] =	ssyncset.done $0x0  }
0xe5: {  	s28 =	simm.s32 $0x1480;
	[sflag:s24] =	ssyncadd.s32 $0xFFFFC000  }
0xe6: {  	[spmem:s2] =	stream.indirect.scatter.add.f32 [tilespmem:s22], [sflag:$0x3], $0x80, s28, s20, $0xb8;
	[tilespmem:$0x1E400] =	vst v63  }
0xe7: {  	_ =	swait.ge [sflag:s18], $0x4000  }
0xe8: {  	[sflag:s18] =	ssyncset.done $0x0  }
0xe9: {  	s29 =	simm.s32 $0x180;
	s28 =	simm.s32 $0x400;
	[sflag:s18] =	ssyncadd.s32 $0xFFFFC000  }
.LBB2_5:
0xea: {  	[tilespmem:s22], [sflag:$0x2] =	stream.indirect.gather [hbm4b:s4+s20], $0x80, s29, s20, $0xb8;
	[tilespmem:$0x1E400] =	vst v63  }
0xeb: {  	s29 =	smov.u32 s28  }
0xec: {  	p1 =	seq.s32 s28, $0x4800;
	s28 =	sadd.s32 $0x400, s28;
	_ =	swait.ge [sflag:s23], $0x4000  }
0xed: {  	s29 =	sshra.s32 s29, $0x2;
	[sflag:s23] =	ssyncset.done $0x0  }
0xee: {  	s30 =	sadd.s32 $0x1400, s29;
	[sflag:s23] =	ssyncadd.s32 $0xFFFFC000  }
0xef: {  	[spmem:s2] =	stream.indirect.scatter.add.f32 [tilespmem:s21], [sflag:$0x3], $0x80, s30, s20, $0xb8;
	[tilespmem:$0x1E400] =	vst v63  }
0xf0: {  	_ =	swait.ge [sflag:s18], $0x4000  }
0xf1: {  	[sflag:s18] =	ssyncset.done $0x0  }
0xf2: {  	s30 =	sadd.s32 $0x100, s29;
	[sflag:s18] =	ssyncadd.s32 $0xFFFFC000  }
0xf3: {  	[tilespmem:s21], [sflag:$0x1] =	stream.indirect.gather [hbm4b:s4+s20], $0x80, s30, s20, $0xb8;
	[tilespmem:$0x1E400] =	vst v63  }
0xf4: {  	_ =	swait.ge [sflag:s24], $0x4000  }
0xf5: {  	[sflag:s24] =	ssyncset.done $0x0  }
.Ltmp7:
0xf6: {  	s30 =	sadd.s32 $0x1480, s29;
	[sflag:s24] =	ssyncadd.s32 $0xFFFFC000;
	(pc) =	sbr.rel @!p1 .LBB2_5-.Ltmp7, $4  }
0xf7: {  	[spmem:s2] =	stream.indirect.scatter.add.f32 [tilespmem:s22], [sflag:$0x3], $0x80, s30, s20, $0xb8;
	[tilespmem:$0x1E400] =	vst v63  }
0xf8: {  	_ =	swait.ge [sflag:s18], $0x4000  }
0xf9: {  	[sflag:s18] =	ssyncset.done $0x0  }
0xfa: {  	s29 =	sadd.s32 $0x180, s29;
	[sflag:s18] =	ssyncadd.s32 $0xFFFFC000  }
.Ltmp8:
0xfb: {  	(pc) =	sbr.rel .LBB2_12-.Ltmp8, $2  }
0xfc: {  	_ =	sdelay $0x2  }
0xfd: {  	[tilespmem:s22], [sflag:$0x2] =	stream.indirect.gather [hbm4b:s4+s20], $0x80, s29, s20, $0xb8;
	[tilespmem:$0x1E400] =	vst v63  }
.LBB2_13:
0xfe: {  	_ =	sfence.sel $0x180000  }
0xff: {  	[bflag:$0x0] =	sbarrier.arrive $0xFFFF  }
0x100: {  	p0 =	sne.s32 s1, $0x0;
	_ =	strace $0x9000004D  }
0x101: {  	s0 =	sadd.s32 @!p0 $0x100000, s0;
	[bflag:$0x2] =	sbarrier.arrive $0xFFFF  }
0x102: {  	[sflag:s0] =	ssyncadd.tile.s32 @!p0 $0x1;
	_ =	shalt  }
.Lfunc_end2:
_tile_overlayer_lowered:
.L_overlay_start_2:
0x103: {  	(tag) =	ssettag $0x2  }
0x104: {  	s0 =	rddreg [dreg:$0x0];
	s2 =	stileid.u32  }
0x105: {  	s1 =	rddreg [dreg:$0x1];
	p0 =	sne.s32 s2, $0x0  }
0x106: {  	s3 =	rddreg [dreg:$0x2];
	[bflag:$0x3] =	sbarrier.arrive $0xFFFF;
	s2 =	simm.s32 @!p0 $0x1C03  }
0x107: {  	[timem:s3], [sflag:s2] =	dma.local @!p0 [hbm:s0], s1  }
0x108: {  	s0 =	simm.s32 @!p0 $0x3  }
0x109: {  	_ =	swait.ge @!p0 [sflag:s0], s1  }
0x10a: {  	s1 =	ssub.s32 @!p0 $0x0, s1;
	[sflag:s0] =	ssyncset.done @!p0 $0x0  }
0x10b: {  	[sflag:s0] =	ssyncadd.s32 @!p0 s1  }
0x10c: {  	[bflag:$0x3] =	sbarrier.arrive $0xFFFF  }
0x10d: {  	_ =	shalt  }

// kernel: kernel.8.cloned.1.call-start
scs
__scs_entry_jumppad:
0x0: {  	(pc) =	sbr.rel $0x88, $3  }
0x1: {  	(tag) =	ssettag $0x0;
	lr =	simm.s32 $0x1  }
0x2: {  	[smem:$0x3F99] =	sst lr;
	_ =	strace $0xD0000000  }
0x3: {  	_ = 	snop  }
0x4: {  	_ = 	snop  }
0x5: {  	_ = 	snop  }
0x6: {  	_ = 	snop  }
0x7: {  	_ = 	snop  }
__scs_overlays_trampoline_lowered:
0x8: {  	[smem:$0x3FA8] =	sst s0  }
0x9: {  	[smem:$0x3FA9] =	sst s1  }
0xa: {  	[smem:$0x3FAA] =	sst s2  }
0xb: {  	[smem:$0x3FAB] =	sst s3  }
0xc: {  	[smem:$0x3FAC] =	sst s4  }
0xd: {  	[smem:$0x3FAD] =	sst s5  }
0xe: {  	[smem:$0x3FAE] =	sst s6  }
0xf: {  	[smem:$0x3FAF] =	sst s7  }
0x10: {  	[smem:$0x3FB0] =	sst s8  }
0x11: {  	[smem:$0x3FB1] =	sst s9;
	s0 =	simm.s32 @!p0 $0x0  }
0x12: {  	s1 =	sld [smem:$0x3F97];
	s0 =	simm.s32 @p0 $0x1  }
0x13: {  	[smem:$0x3FB2] =	sst s0;
	s0 =	simm.s32 @!p1 $0x0  }
0x14: {  	s2 =	sld [smem:$0x3F96];
	s0 =	simm.s32 @p1 $0x1  }
0x15: {  	[smem:$0x3FB3] =	sst s0;
	s0 =	simm.s32 @!p2 $0x0  }
0x16: {  	s3 =	sld [smem:$0x3FDB];
	s0 =	simm.s32 @p2 $0x1  }
0x17: {  	s4 =	simm.s32 $0x1BF5;
	[smem:$0x3FB5] =	sst s0  }
0x18: {  	s0 =	sld [smem:$0x3F98];
	_ =	swait.ge [sflag:s4], $0x0  }
0x19: {  	s7 =	sld [smem:$0x3F99]  }
0x1a: {  	s8 =	sadd.s32 $0xFFFFE003, lr  }
0x1b: {  	s9 =	sadd.s32 $0xFFFFFEF7, lr;
	s5 =	simm.s32 $0xFFFFFFFF;
	p2 =	slt.u32 s8, $0xFFFFF086  }
0x1c: {  	p1 =	slt.u32 s9, $0xF7A;
	s5 =	simm.s32 @!p2 $0x0  }
0x1d: {  	s5 =	simm.s32 @p1 $0x1;
	p0 =	seq.s32 s7, s2  }
0x1e: {  	s7 =	smul.u32 @!p0 $0xF7A, s2;
	p2 =	seq.s32 @!p0 s5, $0x0  }
0x1f: {  	s9 =	smul.u32 $0xF7A, s1;
	s8 =	simm.s32 @!p0 $0x1BF5;
	p2 =	por !p2, p0  }
0x20: {  	[sflag:s8] =	ssyncset.s32 @!p0 $0xFFFFF086;
	s6 =	sadd.s32 @!p0 s3, s7;
	s7 =	simm.s32 @!p0 $0x108  }
0x21: {  	s3 =	sadd.s32 s3, s9;
	s6 =	sadd.s32 @!p0 $0x88, s6;
	s7 =	simm.s32 @p2 $0x1082  }
0x22: {  	[simem:s7], [sflag:s8] =	dma.local @!p0 [hbm:s6], $0xF7A  }
0x23: {  	s9 =	sor.u32 $0xD0000000, s2;
	s6 =	simm.s32 $0x108;
	_ =	swait.ge @!p0 [sflag:s8], $0x0  }
0x24: {  	s3 =	sadd.s32 $0x88, s3;
	s6 =	simm.s32 @!p1 $0x1082;
	[sflag:s4] =	ssyncset.s32 $0xFFFFF086  }
0x25: {  	[simem:s6], [sflag:s4] =	dma.local [hbm:s3], $0xF7A  }
0x26: {  	[smem:$0x3F99] =	sst s1;
	(tag) =	ssettag s2;
	_ =	strace s9  }
0x27: {  	s1 =	sld [smem:$0x3FA9]  }
0x28: {  	s2 =	sld [smem:$0x3FAA]  }
0x29: {  	s4 =	sld [smem:$0x3FAC]  }
0x2a: {  	p0 =	seq.s32 s5, $0x0;
	s5 =	sld [smem:$0x3FAD]  }
0x2b: {  	s6 =	sld [smem:$0x3FAE]  }
0x2c: {  	s7 =	sld [smem:$0x3FAF]  }
0x2d: {  	s3 =	simm.s32 $0x108;
	s8 =	sld [smem:$0x3FB0]  }
0x2e: {  	s3 =	simm.s32 @!p0 $0x1082;
	s9 =	sld [smem:$0x3FB1]  }
0x2f: {  	lr =	sadd.s32 s0, s3;
	s0 =	sld [smem:$0x3FA8]  }
0x30: {  	s3 =	sld [smem:$0x3FAB]  }
0x31: {  	[smem:$0x3FB4] =	sst s10  }
0x32: {  	s10 =	sld [smem:$0x3FB2];
	_ =	sdelay $0x3  }
0x33: {  	p0 =	seq.s32 s10, $0x1;
	s10 =	sld [smem:$0x3FB4];
	_ =	sdelay $0x3  }
0x34: {  	[smem:$0x3FB4] =	sst s10  }
0x35: {  	s10 =	sld [smem:$0x3FB3];
	_ =	sdelay $0x3  }
0x36: {  	p1 =	seq.s32 s10, $0x1;
	s10 =	sld [smem:$0x3FB4];
	_ =	sdelay $0x3  }
0x37: {  	[smem:$0x3FB4] =	sst s10  }
0x38: {  	s10 =	sld [smem:$0x3FB5]  }
0x39: {  	_ = 	snop;
	(pc) =	sbr.ind lr, $3  }
0x3a: {  	_ = 	snop  }
0x3b: {  	_ = 	snop  }
0x3c: {  	p2 =	seq.s32 s10, $0x1;
	s10 =	sld [smem:$0x3FB4]  }
0x3d: {  	_ =	shalt  }
0x3e: {  	_ =	shalt  }
0x3f: {  	_ =	shalt  }
0x40: {  	_ =	shalt  }
0x41: {  	_ =	shalt  }
0x42: {  	_ =	shalt  }
0x43: {  	_ =	shalt  }
0x44: {  	_ =	shalt  }
0x45: {  	_ =	shalt  }
0x46: {  	_ =	shalt  }
0x47: {  	_ =	shalt  }
0x48: {  	_ =	shalt  }
0x49: {  	_ =	shalt  }
0x4a: {  	_ =	shalt  }
0x4b: {  	_ =	shalt  }
0x4c: {  	_ =	shalt  }
0x4d: {  	_ =	shalt  }
0x4e: {  	_ =	shalt  }
0x4f: {  	_ =	shalt  }
0x50: {  	_ =	shalt  }
0x51: {  	_ =	shalt  }
0x52: {  	_ =	shalt  }
0x53: {  	_ =	shalt  }
0x54: {  	_ =	shalt  }
0x55: {  	_ =	shalt  }
0x56: {  	_ =	shalt  }
0x57: {  	_ =	shalt  }
0x58: {  	_ =	shalt  }
0x59: {  	_ =	shalt  }
0x5a: {  	_ =	shalt  }
0x5b: {  	_ =	shalt  }
0x5c: {  	_ =	shalt  }
0x5d: {  	_ =	shalt  }
0x5e: {  	_ =	shalt  }
0x5f: {  	_ =	shalt  }
0x60: {  	_ =	shalt  }
0x61: {  	_ =	shalt  }
0x62: {  	_ =	shalt  }
0x63: {  	_ =	shalt  }
0x64: {  	_ =	shalt  }
0x65: {  	_ =	shalt  }
0x66: {  	_ =	shalt  }
0x67: {  	_ =	shalt  }
0x68: {  	_ =	shalt  }
0x69: {  	_ =	shalt  }
0x6a: {  	_ =	shalt  }
0x6b: {  	_ =	shalt  }
0x6c: {  	_ =	shalt  }
0x6d: {  	_ =	shalt  }
0x6e: {  	_ =	shalt  }
0x6f: {  	_ =	shalt  }
0x70: {  	_ =	shalt  }
0x71: {  	_ =	shalt  }
0x72: {  	_ =	shalt  }
0x73: {  	_ =	shalt  }
0x74: {  	_ =	shalt  }
0x75: {  	_ =	shalt  }
0x76: {  	_ =	shalt  }
0x77: {  	_ =	shalt  }
0x78: {  	_ =	shalt  }
0x79: {  	_ =	shalt  }
0x7a: {  	_ =	shalt  }
0x7b: {  	_ =	shalt  }
0x7c: {  	_ =	shalt  }
0x7d: {  	_ =	shalt  }
0x7e: {  	_ =	shalt  }
0x7f: {  	_ =	shalt  }
0x80: {  	_ =	shalt  }
0x81: {  	_ =	shalt  }
0x82: {  	_ =	shalt  }
0x83: {  	_ =	shalt  }
0x84: {  	_ =	shalt  }
0x85: {  	_ =	shalt  }
0x86: {  	_ =	shalt  }
0x87: {  	_ =	shalt  }
.Lfunc_end0:
.L_simem_size_0:
called_computation_lowered:
.L_overlay_start_0:
0x88: {  	s2 =	sld [smem:$0x3FD9]  }
0x89: {  	s3 =	sld [smem:$0x3FFE];
	_ =	sdelay $0x1  }
0x8a: {  	s1 =	srdreg.scid  }
0x8b: {  	s0 =	sand.u32 $0x1, s1  }
0x8c: {  	s17 =	sshll.u32 s0, $0xA;
	s2 =	sadd.s32 s3, s2  }
0x8d: {  	s2 =	sadd.s32 s2, s17  }
0x8e: {  	[smem:$0x3FC0] =	sst s2  }
0x8f: {  	_ = 	snop  }
0x90: {  	s2 =	sld [smem:$0x3FD0];
	(tm) =	ssettm $0x1  }
0x91: {  	s18 =	sld [smem:$0x3FFB];
	_ =	sdelay $0x3  }
0x92: {  	_ =	strace s18  }
0x93: {  	s3 =	sld [smem:$0x3FFC];
	_ =	sdelay $0x3  }
0x94: {  	_ =	strace s3  }
0x95: {  	s3 =	sld [smem:$0x3FFD];
	_ =	sdelay $0x3  }
0x96: {  	_ =	strace s3  }
0x97: {  	_ =	strace $0x8FFFFFFF  }
0x98: {  	s19 =	sld [smem:$0x3FDB];
	_ =	sdelay $0x1  }
0x99: {  	s4 =	simm.s32 $_scs_section_size  }
0x9a: {  	s5 =	simm.s32 $_size__tile_overlayer_lowered;
	s6 =	simm.s32 $_tile_overlayer_lowered  }
0x9b: {  	s22 =	simm.s32 $0x1BFF;
	s21 =	sshll.u32 s6, $0x1;
	s3 =	sadd.s32 s4, s19  }
0x9c: {  	s7 =	simm.s32 $0x0;
	s20 =	sshll.u32 s5, $0x1;
	s5 =	sadd.s32 s21, s3  }
0x9d: {  	[timem:s7], [sflag:s22] =	dma.local [hbm:s5], s20  }
0x9e: {  	_ =	swait.ge [sflag:s22], s20  }
0x9f: {  	s4 =	ssub.s32 $0x0, s20;
	[sflag:s22] =	ssyncset.done $0x0  }
0xa0: {  	[sflag:s22] =	ssyncadd.s32 s4;
	_ =	sdelay $0x1  }
0xa1: {  	s23 =	simm.s32 $0x1B8B  }
0xa2: {  	_ =	swait.ge [sflag:s23], $0x1  }
0xa3: {  	[sflag:s23] =	ssyncset.done $0x0  }
0xa4: {  	s25 =	simm.s32 $0x1B8E;
	s24 =	sld [smem:$0x3FFE];
	[sflag:s23] =	ssyncadd.s32 $0xFFFFFFFF  }
0xa5: {  	s26 =	simm.s32 $execute0_lowered;
	[smem:$0x3FD2] =	sst s25  }
0xa6: {  	s5 =	sshll.u32 s26, $0x1;
	_ =	strace $0x80000046;
	[dreg:$0x1] =	wrdreg $0xFFFFFFFF  }
0xa7: {  	s28 =	simm.s32 $_size_execute0_lowered;
	s3 =	sadd.s32 s3, s5;
	[dreg:$0x0] =	wrdreg $0x0  }
0xa8: {  	s5 =	sshll.u32 s28, $0x1;
	[dreg:$0x2] =	wrdreg s3  }
0xa9: {  	[dreg:$0x3] =	wrdreg s5  }
0xaa: {  	[dreg:$0x4] =	wrdreg $0xC0  }
0xab: {  	_ =	task [dreg:s7], $0x5FFFF  }
0xac: {  	[dreg:$0x1] =	wrdreg $0xFFFFFFFF  }
0xad: {  	[dreg:$0x0] =	wrdreg $0x60  }
0xae: {  	[dreg:$0x2] =	wrdreg s24  }
0xaf: {  	[dreg:$0x3] =	wrdreg s2  }
0xb0: {  	[dreg:$0x4] =	wrdreg $0x68000  }
0xb1: {  	[dreg:$0x5] =	wrdreg $0x9  }
0xb2: {  	_ =	task.clear_ibuf [dreg:s7], $0x6FFFF;
	_ =	strace $0x90000046  }
0xb3: {  	s29 =	simm.s32 $0x9;
	_ =	strace $0x80000048  }
0xb4: {  	_ =	swait.ge [sflag:s29], $0x1  }
0xb5: {  	[sflag:s29] =	ssyncadd.s32 $0xFFFFFFFF  }
0xb6: {  	_ =	strace $0x90000048  }
0xb7: {  	_ =	sfence  }
0xb8: {  	s30 =	sld [smem:$0x0];
	_ =	sdelay $0x2  }
0xb9: {  	s31 =	sshll.u32 s1, $0xD;
	s1 =	sshrl.u32 s1, $0x2  }
0xba: {  	s3 =	sand.u32 $0x4000, s31;
	s1 =	sadd.s32 s1, s30  }
0xbb: {  	s0 =	sor.u32 s3, s0;
	s1 =	sshll.u32 s1, $0x11  }
0xbc: {  	s0 =	sor.u32 s1, s0  }
0xbd: {  	s0 =	sadd.s32 $0x8F2B, s0  }
0xbe: {  	[sflag:s0] =	ssyncadd.remote.s32 $0x1  }
0xbf: {  	_ =	sfence.sel $0xFFFF  }
0xc0: {  	[dreg:$0x0] =	wrdreg $0xFFFFFFFF;
	(pc) =	sbr.abs _section_cstart, $3  }
0xc1: {  	[dreg:$0x1] =	wrdreg $0xFFFFFFFF  }
0xc2: {  	_ =	task.clear_ibuf [dreg:s7], $0x2FFFF;
	_ =	strace $0x9FFFFFFF  }
0xc3: {  	(tm) =	ssettm $0x7FFFFFFF  }
tec
execute0_lowered:
.L_overlay_start_1:
0x0: {  	(tag) =	ssettag $0x1  }
0x1: {  	s6 =	rddreg [dreg:$0x0]  }
0x2: {  	s2 =	rddreg [dreg:$0x1]  }
0x3: {  	s0 =	srdreg.scid;
	s3 =	rddreg [dreg:$0x2];
	s4 =	simm.s32 $0x0  }
0x4: {  	s13 =	simm.s32 $0x80;
	s5 =	sand.u32 $0x1, s0;
	s0 =	stileid.u32  }
0x5: {  	s14 =	simm.s32 $0x0;
	[smem:$0x7FF] =	sst s4;
	s8 =	smul.u32 $0x13C00, s0  }
0x6: {  	s1 =	sshll.u32 s5, $0x4;
	s9 =	smul.u32 $0x13C000, s5;
	s5 =	ssub.s32 $0x2, s5  }
0x7: {  	s29 =	smul.u32 $0x4F000, s0;
	s31 =	sshll.u32 s0, $0x6;
	s1 =	sor.u32 s0, s1  }
0x8: {  	s11 =	sshrl.u32 s5, $0x1;
	s7 =	smul.u32 $0x500, s1;
	s1 =	rddreg [dreg:$0x3]  }
0x9: {  	_ =	strace $0x80000047;
	s10 =	sshrl.u32 s8, $0x3;
	s8 =	sadd.s32 s8, s9  }
0xa: {  	s11 =	ssub.s32 s5, s11;
	s30 =	sshrl.u32 s29, $0x2;
	s9 =	simm.s32 $0x1  }
0xb: {  	s10 =	sadd.s32 s10, s6;
	s8 =	sshrl.u32 s8, $0x3;
	s12 =	sadd.s32 s30, s3  }
0xc: {  	s7 =	sadd.s32 s7, s6;
	s8 =	sadd.s32 s8, s6;
	s6 =	sadd.s32 $0x20A00, s10  }
0xd: {  	s10 =	simm.s32 $0x2800;
	s12 =	sshrl.u32 s12, $0x3;
	s5 =	sadd.s32 $0x2A00, s7  }
0xe: {  	s7 =	sadd.s32 $0x48200, s8;
	s8 =	smax.u32 s11, $0x1;
	s11 =	sor.u32 $0x1C01, s31  }
.LBB2_1:
0xf: {  	[tilespmem:s4], [sflag:$0x1] =	stream.linear.gather [hbm4b:s5+s4], $0x2800, $0x38;
	[tilespmem:$0x1A400] =	vst v63  }
0x10: {  	_ =	swait.ge [sflag:s9], $0x2800  }
0x11: {  	[sflag:s9] =	ssyncset.done $0x0  }
0x12: {  	[sflag:s9] =	ssyncadd.s32 $0xFFFFD800  }
0x13: {  	[tilespmem:s10], [sflag:$0x1] =	stream.linear.gather [hbm4b:s2+s4], $0x4000, $0x38;
	[tilespmem:$0x1A400] =	vst v63  }
0x14: {  	_ =	swait.ge [sflag:s9], $0x4000  }
0x15: {  	[sflag:s9] =	ssyncset.done $0x0  }
0x16: {  	[sflag:s9] =	ssyncadd.s32 $0xFFFFC000  }
0x17: {  	[spmem:s12], [sflag:s11] =	dma.local [hbm:s6], $0x2780  }
0x18: {  	_ =	swait.ge [sflag:s9], $0x2780  }
0x19: {  	[sflag:s9] =	ssyncset.done $0x0  }
0x1a: {  	[sflag:s9] =	ssyncadd.s32 $0xFFFFD880  }
0x1b: {  	s15 =	simm.s32 $0x0;
	[bflag:$0x0] =	sbarrier.arrive $0xFFFF  }
0x1c: {  	[spmem:s3] =	stream.indirect.scatter.add.f32 [tilespmem:s10], [sflag:$0x1], $0x80, s15, s13, $0xb8;
	[tilespmem:$0x1A400] =	vst v63  }
0x1d: {  	_ =	swait.ge [sflag:s9], $0x4000  }
0x1e: {  	s15 =	simm.s32 $0x200;
	[sflag:s9] =	ssyncset.done $0x0  }
.LBB2_2:
0x1f: {  	s16 =	sshra.s32 s15, $0x2;
	[sflag:s9] =	ssyncadd.s32 $0xFFFFC000;
	p0 =	sne.s32 s15, $0x9E00  }
0x20: {  	[spmem:s3] =	stream.indirect.scatter.add.f32 [tilespmem:s10], [sflag:$0x1], $0x80, s16, s13, $0xb8;
	[tilespmem:$0x1A400] =	vst v63  }
.Ltmp0:
0x21: {  	_ = 	snop;
	(pc) =	sbr.rel @p0 .LBB2_2-.Ltmp0, $4  }
0x22: {  	_ = 	snop  }
0x23: {  	s15 =	sadd.s32 $0x200, s15  }
0x24: {  	_ =	swait.ge [sflag:s9], $0x4000  }
0x25: {  	[sflag:s9] =	ssyncset.done $0x0  }
0x26: {  	s14 =	sadd.s32 $0x1, s14  }
0x27: {  	[sflag:s9] =	ssyncadd.s32 $0xFFFFC000;
	p0 =	sne.s32 s14, s8  }
.Ltmp1:
0x28: {  	[bflag:$0x0] =	sbarrier.arrive $0xFFFF;
	(pc) =	sbr.rel @p0 .LBB2_1-.Ltmp1, $4  }
0x29: {  	[hbm:s7], [sflag:s11] =	dma.local [spmem:s12], $0x2780  }
0x2a: {  	_ =	swait.ge [sflag:s9], $0x2780  }
0x2b: {  	[sflag:s9] =	ssyncset.done $0x0  }
0x2c: {  	[sflag:s9] =	ssyncadd.s32 $0xFFFFD880  }
0x2d: {  	_ =	sfence.sel $0x180000  }
0x2e: {  	[bflag:$0x0] =	sbarrier.arrive $0xFFFF  }
0x2f: {  	p0 =	sne.s32 s0, $0x0;
	_ =	strace $0x90000047  }
0x30: {  	s0 =	sadd.s32 @!p0 $0x100000, s1;
	[bflag:$0x2] =	sbarrier.arrive $0xFFFF  }
0x31: {  	[sflag:s0] =	ssyncadd.tile.s32 @!p0 $0x1;
	_ =	shalt  }
.Lfunc_end2:
_tile_overlayer_lowered:
.L_overlay_start_2:
0x32: {  	(tag) =	ssettag $0x2  }
0x33: {  	s0 =	rddreg [dreg:$0x0];
	s2 =	stileid.u32  }
0x34: {  	s1 =	rddreg [dreg:$0x1];
	p0 =	sne.s32 s2, $0x0  }
0x35: {  	s3 =	rddreg [dreg:$0x2];
	[bflag:$0x3] =	sbarrier.arrive $0xFFFF;
	s2 =	simm.s32 @!p0 $0x1C01  }
0x36: {  	[timem:s3], [sflag:s2] =	dma.local @!p0 [hbm:s0], s1  }
0x37: {  	s0 =	simm.s32 @!p0 $0x1  }
0x38: {  	_ =	swait.ge @!p0 [sflag:s0], s1  }
0x39: {  	s1 =	ssub.s32 @!p0 $0x0, s1;
	[sflag:s0] =	ssyncset.done @!p0 $0x0  }
0x3a: {  	[sflag:s0] =	ssyncadd.s32 @!p0 s1  }
0x3b: {  	[bflag:$0x3] =	sbarrier.arrive $0xFFFF  }
0x3c: {  	_ =	shalt  }

</sc_bundles>
